<compile_context>
chip_gen: v7x
topology: tpu7x:2x2x1
jax: 0.10.2.dev20260603
libtpu: 0.0.44.dev20260713+nightly
codegen_flags: <defaults>
</compile_context>

<pallas_src>
import jax
import jax.numpy as jnp
from jax import lax
from jax.experimental import pallas as pl
from jax.experimental.pallas import tpu as pltpu
from jax.experimental.pallas import tpu_sc as plsc

N_NODES = 10000
N_EDGES = 320000
D = 128
NC, NS = 2, 16
NW = NC * NS
NPAD = 10240
RPT = NPAD // NS
K = 128
NCH = 80
NBLK = 10
EPW = NCH * K
E_PAD = NW * EPW

_MESH = plsc.VectorSubcoreMesh(
    core_axis_name="c", subcore_axis_name="s", num_cores=NC, num_subcores=NS)


def _segsum_body(r_hbm, srcg, dst2, out_hbm,
                 src_v, d0, d1, rows0, rows1, zbuf,
                 semA, semB, semD0, semD1, semZ, acc_sh):
    c = lax.axis_index("c")
    s = lax.axis_index("s")
    w = c * NS + s
    zv = jnp.zeros((16,), jnp.float32)
    for r in range(8):
        for k in range(D // 16):
            zbuf[r, pl.ds(k * 16, 16)] = zv

    def zrow(i, carry):
        pltpu.async_copy(zbuf, acc_sh.at[pl.ds(s * RPT + i * 8, 8)], semZ)
        return carry

    lax.fori_loop(0, RPT // 8, zrow, 0)
    pltpu.sync_copy(srcg.at[w], src_v)

    dbase = w * NCH
    pltpu.async_copy(dst2.at[pl.ds(dbase, 8)], d0, semD0)
    pltpu.async_copy(dst2.at[pl.ds(dbase + 8, 8)], d1, semD1)
    pltpu.async_copy(r_hbm.at[src_v.at[0]], rows0, semA)
    pltpu.async_copy(r_hbm.at[src_v.at[1]], rows1, semB)

    def zdrain(i, carry):
        pltpu.make_async_copy(zbuf, acc_sh.at[pl.ds(s * RPT + i * 8, 8)], semZ).wait()
        return carry

    lax.fori_loop(0, RPT // 8, zdrain, 0)
    plsc.subcore_barrier()

    def superblock(sb, carry):
        for half in range(2):
            b = 2 * sb + half
            di, semD = (d0, semD0) if half == 0 else (d1, semD1)
            pltpu.make_async_copy(dst2.at[pl.ds(dbase + 8 * b, 8)], di, semD).wait()

            def chunkpair(t, carry2):
                for q in range(2):
                    ch = 2 * t + q
                    jj = 8 * b + ch
                    buf, sem = (rows0, semA) if q == 0 else (rows1, semB)
                    pltpu.make_async_copy(r_hbm.at[src_v.at[jj]], buf, sem).wait()
                    pltpu.sync_copy(buf, acc_sh.at[di.at[ch]], add=True)

                    @pl.when(jj + 2 < NCH)
                    def _():
                        pltpu.async_copy(r_hbm.at[src_v.at[jj + 2]], buf, sem)
                return carry2

            lax.fori_loop(0, 4, chunkpair, 0)

            @pl.when(b + 2 < NBLK)
            def _():
                pltpu.async_copy(dst2.at[pl.ds(dbase + 8 * (b + 2), 8)], di, semD)
        return carry

    lax.fori_loop(0, NBLK // 2, superblock, 0)

    plsc.subcore_barrier()
    base = c * NPAD + s * RPT
    pltpu.sync_copy(acc_sh.at[pl.ds(s * RPT, RPT)], out_hbm.at[pl.ds(base, RPT)])


_segsum = pl.kernel(
    _segsum_body,
    out_type=jax.ShapeDtypeStruct((NC * NPAD, D), jnp.float32),
    mesh=_MESH,
    scratch_types=(
        pltpu.VMEM((NCH, K), jnp.int32),
        pltpu.VMEM((8, K), jnp.int32),
        pltpu.VMEM((8, K), jnp.int32),
        pltpu.VMEM((K, D), jnp.float32),
        pltpu.VMEM((K, D), jnp.float32),
        pltpu.VMEM((8, D), jnp.float32),
        pltpu.SemaphoreType.DMA,
        pltpu.SemaphoreType.DMA,
        pltpu.SemaphoreType.DMA,
        pltpu.SemaphoreType.DMA,
        pltpu.SemaphoreType.DMA,
        pltpu.VMEM_SHARED((NPAD, D), jnp.float32),
    ),
)


def _deg_body(dstg, z1d, deg_hbm, dst_v, deg_v, red_v, deg_sh):
    c = lax.axis_index("c")
    s = lax.axis_index("s")
    w = c * NS + s
    pltpu.sync_copy(z1d, deg_v)
    pltpu.sync_copy(dstg.at[w], dst_v)
    ones16 = jnp.ones((16,), jnp.float32)

    def row(i, carry):
        def col(j, carry2):
            v = dst_v[i, pl.ds(j * 16, 16)]
            plsc.addupdate_scatter(deg_v, [v], ones16)
            return carry2
        return lax.fori_loop(0, K // 16, col, carry)

    lax.fori_loop(0, NCH, row, 0)
    pltpu.sync_copy(deg_v, deg_sh.at[s])
    plsc.subcore_barrier()
    pltpu.sync_copy(deg_sh.at[:, pl.ds(s * RPT, RPT)], red_v)

    def acc_col(k2, carry):
        v = red_v[0, pl.ds(k2 * 16, 16)]
        for r in range(1, NS):
            v = v + red_v[r, pl.ds(k2 * 16, 16)]
        deg_v[pl.ds(k2 * 16, 16)] = v
        return carry

    lax.fori_loop(0, RPT // 16, acc_col, 0)
    pltpu.sync_copy(deg_v.at[pl.ds(0, RPT)], deg_hbm.at[pl.ds(c * NPAD + s * RPT, RPT)])


_deg = pl.kernel(
    _deg_body,
    out_type=jax.ShapeDtypeStruct((NC * NPAD,), jnp.float32),
    mesh=_MESH,
    compiler_params=pltpu.CompilerParams(needs_layout_passes=False),
    scratch_types=(
        pltpu.VMEM((NCH, K), jnp.int32),
        pltpu.VMEM((NPAD,), jnp.float32),
        pltpu.VMEM((NS, RPT), jnp.float32),
        pltpu.VMEM_SHARED((NS, NPAD), jnp.float32),
    ),
)

_NB = 10
_RB = N_NODES // _NB


def _relu_body(x_ref, o_ref):
    o_ref[...] = jnp.maximum(x_ref[...], 0.0)


_relu = pl.pallas_call(
    _relu_body,
    grid=(_NB,),
    in_specs=[pl.BlockSpec((_RB, D), lambda i: (i, 0))],
    out_specs=pl.BlockSpec((_RB, D), lambda i: (i, 0)),
    out_shape=jax.ShapeDtypeStruct((N_NODES, D), jnp.float32),
)


def _make_combine(apply_relu):
    def body(p_ref, deg_ref, xin_ref, wl_ref, wr_ref, b_ref, o_ref):
        cnt = jnp.maximum(jnp.sum(deg_ref[...], axis=1), 1.0)[:, None]
        agg = (p_ref[0] + p_ref[1]) / cnt
        z = (jnp.dot(agg, wl_ref[...], preferred_element_type=jnp.float32)
             + jnp.dot(xin_ref[...], wr_ref[...], preferred_element_type=jnp.float32)
             + b_ref[...])
        o_ref[...] = jnp.maximum(z, 0.0) if apply_relu else z

    return pl.pallas_call(
        body,
        grid=(_NB,),
        in_specs=[
            pl.BlockSpec((NC, _RB, D), lambda i: (0, i, 0)),
            pl.BlockSpec((_RB, NC), lambda i: (i, 0)),
            pl.BlockSpec((_RB, D), lambda i: (i, 0)),
            pl.BlockSpec((D, D), lambda i: (0, 0)),
            pl.BlockSpec((D, D), lambda i: (0, 0)),
            pl.BlockSpec((1, D), lambda i: (0, 0)),
        ],
        out_specs=pl.BlockSpec((_RB, D), lambda i: (i, 0)),
        out_shape=jax.ShapeDtypeStruct((N_NODES, D), jnp.float32),
    )


_combine_relu = _make_combine(True)
_combine_id = _make_combine(False)


def kernel(x, edge_index, W_l0, b_l0, W_r0, W_l1, b_l1, W_r1):
    ei = edge_index.astype(jnp.int32)
    npad_e = E_PAD - N_EDGES
    pad_iota = lax.iota(jnp.int32, npad_e)
    src = jnp.concatenate([ei[0], pad_iota % N_NODES]).reshape(NW, NCH, K)
    dst = jnp.concatenate([ei[1], N_NODES + pad_iota % (NPAD - N_NODES)]).reshape(NW, NCH, K)
    dst2 = dst.reshape(NW * NCH, K)
    z1d = jnp.zeros((NPAD,), jnp.float32)

    r0 = _relu(x)
    degp = _deg(dst, z1d).reshape(NC, NPAD).T
    p0_flat = _segsum(r0, src, dst2)
    p0 = p0_flat.reshape(NC, NPAD, D)
    z1 = _combine_relu(p0, degp, x, W_l0, W_r0, b_l0.reshape(1, D))
    p1_flat = _segsum(z1, src, dst2)
    p1 = p1_flat.reshape(NC, NPAD, D)
    return _combine_id(p1, degp, z1, W_l1, W_r1, b_l1.reshape(1, D))

# --- scband reference (transcript-rebuilt; emitter-appended) ---
"""Pipeline reference for scband-encoder-66314295050609 (READ-ONLY COPY).

The authoritative reference and input builder live on the scoring server;
editing this copy changes nothing except your own understanding.
"""

import jax, jax.numpy as jnp
import numpy as np

N_NODES = 10000
N_EDGES = 320000
D_IN = 128
D_HID = 128


def _glorot(key, fan_in, fan_out):
    limit = np.sqrt(6.0 / (fan_in + fan_out))
    return jax.random.uniform(key, (fan_in, fan_out), dtype=jnp.float32, minval=-limit, maxval=limit)


def setup_inputs(seed: int = 0) -> dict:
    key = jax.random.key(seed)
    ks = jax.random.split(key, 10)
    x = jax.random.normal(ks[0], (N_NODES, D_IN), dtype=jnp.float32)
    edge_index = jax.random.randint(ks[1], (2, N_EDGES), 0, N_NODES, dtype=jnp.int64)
    # layer 0 params (MySAGEConv: lin_l with bias, lin_r without bias)
    W_l0 = _glorot(ks[2], D_IN, D_HID)
    b_l0 = jnp.zeros((D_HID,), dtype=jnp.float32)
    W_r0 = _glorot(ks[3], D_IN, D_HID)
    # layer 1 params
    W_l1 = _glorot(ks[4], D_HID, D_HID)
    b_l1 = jnp.zeros((D_HID,), dtype=jnp.float32)
    W_r1 = _glorot(ks[5], D_HID, D_HID)
    return {"x": x, "edge_index": edge_index,
            "W_l0": W_l0, "b_l0": b_l0, "W_r0": W_r0,
            "W_l1": W_l1, "b_l1": b_l1, "W_r1": W_r1}


def _sage_layer(x, src, dst, W_l, b_l, W_r, num_nodes):
    # message: x_j.relu() (edge_attr is None); flow source_to_target -> gather from src, scatter to dst
    msg = jax.nn.relu(jnp.take(x, src, axis=0))
    sums = jax.ops.segment_sum(msg, dst, num_segments=num_nodes)
    cnt = jax.ops.segment_sum(jnp.ones((src.shape[0], 1), dtype=x.dtype), dst, num_segments=num_nodes)
    agg = sums / jnp.maximum(cnt, 1.0)  # mean aggregation; isolated nodes -> 0
    out = agg @ W_l + b_l + x @ W_r  # root_weight=True, lin_r has no bias
    return out


def reference(x, edge_index, W_l0, b_l0, W_r0, W_l1, b_l1, W_r1):
    src = edge_index[0]
    dst = edge_index[1]
    n = x.shape[0]
    z = _sage_layer(x, src, dst, W_l0, b_l0, W_r0, n)
    # norm = Identity; activation between layers (i < num_layers-1); dropout p=0 -> identity
    z = jax.nn.relu(z)
    z = _sage_layer(z, src, dst, W_l1, b_l1, W_r1, n)
    return z

if __name__ == "__main__":
    import jax
    _d = setup_inputs()
    print(jax.jit(kernel)(*tuple(_d.values())))

</pallas_src>

<mosaic_0001>
#map = affine_map<(d0, d1) -> (0, 0)>
#map1 = affine_map<(d0, d1) -> (0, 0, 0)>
module attributes {stable_mosaic.version = 14 : i64} {
  func.func @_segsum_body(%arg0: i32, %arg1: i32, %arg2: memref<10000x128xf32, #tpu.memory_space<hbm>>, %arg3: memref<32x80x128xi32, #tpu.memory_space<hbm>>, %arg4: memref<2560x128xi32, #tpu.memory_space<hbm>>, %arg5: memref<20480x128xf32, #tpu.memory_space<hbm>>, %arg6: memref<80x128xi32, #tpu.memory_space<vmem>>, %arg7: memref<8x128xi32, #tpu.memory_space<vmem>>, %arg8: memref<8x128xi32, #tpu.memory_space<vmem>>, %arg9: memref<128x128xf32, #tpu.memory_space<vmem>>, %arg10: memref<128x128xf32, #tpu.memory_space<vmem>>, %arg11: memref<8x128xf32, #tpu.memory_space<vmem>>, %arg12: memref<!tpu.dma_semaphore, #tpu.memory_space<semaphore_mem>>, %arg13: memref<!tpu.dma_semaphore, #tpu.memory_space<semaphore_mem>>, %arg14: memref<!tpu.dma_semaphore, #tpu.memory_space<semaphore_mem>>, %arg15: memref<!tpu.dma_semaphore, #tpu.memory_space<semaphore_mem>>, %arg16: memref<!tpu.dma_semaphore, #tpu.memory_space<semaphore_mem>>, %arg17: memref<10240x128xf32, #tpu.memory_space<vmem_shared>>) attributes {dimension_semantics = [#tpu.dimension_semantics<core_parallel>, #tpu.dimension_semantics<subcore_parallel>], iteration_bounds = array<i64: 2, 16>, scalar_prefetch = 0 : i64, scratch_operands = 12 : i64, tpu.core_type = #tpu.core_type<sc_vector_subcore>, window_params = [{transform_indices = #map}, {transform_indices = #map1}, {transform_indices = #map}, {transform_indices = #map}]} {
    %mul3A = arith.constant 16 : i32
    %mul3A_0 = arith.muli %arg0, %mul3A : i32
    %add3A = arith.addi %mul3A_0, %arg1 : i32
    %broadcast_in_dim3A = arith.constant 0.000000e+00 : f32
    %broadcast_in_dim3A_1 = vector.broadcast %broadcast_in_dim3A : f32 to vector<16xf32>
    %swap3A = arith.constant 0 : i32
    %swap3A_2 = arith.index_cast %swap3A : i32 to index
    %swap3A_3 = arith.constant 0 : index
    %swap3A_4 = tpu.vector_load %arg11[%swap3A_2, %swap3A_3] {strides = array<i32>} : memref<8x128xf32, #tpu.memory_space<vmem>>, vector<1x16xf32>,
    %swap3A_5 = vector.shape_cast %swap3A_4 : vector<1x16xf32> to vector<16xf32>
    %swap3A_6 = vector.shape_cast %broadcast_in_dim3A_1 : vector<16xf32> to vector<1x16xf32>
    tpu.vector_store %arg11[%swap3A_2, %swap3A_3], %swap3A_6 {strides = array<i32>} : memref<8x128xf32, #tpu.memory_space<vmem>>, vector<1x16xf32>,
    %swap3A_7 = arith.constant 0 : i32
    %swap3A_8 = arith.index_cast %swap3A_7 : i32 to index
    %swap3A_9 = arith.constant 16 : index
    %swap3A_10 = tpu.vector_load %arg11[%swap3A_8, %swap3A_9] {strides = array<i32>} : memref<8x128xf32, #tpu.memory_space<vmem>>, vector<1x16xf32>,
    %swap3A_11 = vector.shape_cast %swap3A_10 : vector<1x16xf32> to vector<16xf32>
    %swap3A_12 = vector.shape_cast %broadcast_in_dim3A_1 : vector<16xf32> to vector<1x16xf32>
    tpu.vector_store %arg11[%swap3A_8, %swap3A_9], %swap3A_12 {strides = array<i32>} : memref<8x128xf32, #tpu.memory_space<vmem>>, vector<1x16xf32>,
    %swap3A_13 = arith.constant 0 : i32
    %swap3A_14 = arith.index_cast %swap3A_13 : i32 to index
    %swap3A_15 = arith.constant 32 : index
    %swap3A_16 = tpu.vector_load %arg11[%swap3A_14, %swap3A_15] {strides = array<i32>} : memref<8x128xf32, #tpu.memory_space<vmem>>, vector<1x16xf32>,
    %swap3A_17 = vector.shape_cast %swap3A_16 : vector<1x16xf32> to vector<16xf32>
    %swap3A_18 = vector.shape_cast %broadcast_in_dim3A_1 : vector<16xf32> to vector<1x16xf32>
    tpu.vector_store %arg11[%swap3A_14, %swap3A_15], %swap3A_18 {strides = array<i32>} : memref<8x128xf32, #tpu.memory_space<vmem>>, vector<1x16xf32>,
    %swap3A_19 = arith.constant 0 : i32
    %swap3A_20 = arith.index_cast %swap3A_19 : i32 to index
    %swap3A_21 = arith.constant 48 : index
    %swap3A_22 = tpu.vector_load %arg11[%swap3A_20, %swap3A_21] {strides = array<i32>} : memref<8x128xf32, #tpu.memory_space<vmem>>, vector<1x16xf32>,
    %swap3A_23 = vector.shape_cast %swap3A_22 : vector<1x16xf32> to vector<16xf32>
    %swap3A_24 = vector.shape_cast %broadcast_in_dim3A_1 : vector<16xf32> to vector<1x16xf32>
    tpu.vector_store %arg11[%swap3A_20, %swap3A_21], %swap3A_24 {strides = array<i32>} : memref<8x128xf32, #tpu.memory_space<vmem>>, vector<1x16xf32>,
    %swap3A_25 = arith.constant 0 : i32
    %swap3A_26 = arith.index_cast %swap3A_25 : i32 to index
    %swap3A_27 = arith.constant 64 : index
    %swap3A_28 = tpu.vector_load %arg11[%swap3A_26, %swap3A_27] {strides = array<i32>} : memref<8x128xf32, #tpu.memory_space<vmem>>, vector<1x16xf32>,
    %swap3A_29 = vector.shape_cast %swap3A_28 : vector<1x16xf32> to vector<16xf32>
    %swap3A_30 = vector.shape_cast %broadcast_in_dim3A_1 : vector<16xf32> to vector<1x16xf32>
    tpu.vector_store %arg11[%swap3A_26, %swap3A_27], %swap3A_30 {strides = array<i32>} : memref<8x128xf32, #tpu.memory_space<vmem>>, vector<1x16xf32>,
    %swap3A_31 = arith.constant 0 : i32
    %swap3A_32 = arith.index_cast %swap3A_31 : i32 to index
    %swap3A_33 = arith.constant 80 : index
    %swap3A_34 = tpu.vector_load %arg11[%swap3A_32, %swap3A_33] {strides = array<i32>} : memref<8x128xf32, #tpu.memory_space<vmem>>, vector<1x16xf32>,
    %swap3A_35 = vector.shape_cast %swap3A_34 : vector<1x16xf32> to vector<16xf32>
    %swap3A_36 = vector.shape_cast %broadcast_in_dim3A_1 : vector<16xf32> to vector<1x16xf32>
    tpu.vector_store %arg11[%swap3A_32, %swap3A_33], %swap3A_36 {strides = array<i32>} : memref<8x128xf32, #tpu.memory_space<vmem>>, vector<1x16xf32>,
    %swap3A_37 = arith.constant 0 : i32
    %swap3A_38 = arith.index_cast %swap3A_37 : i32 to index
    %swap3A_39 = arith.constant 96 : index
    %swap3A_40 = tpu.vector_load %arg11[%swap3A_38, %swap3A_39] {strides = array<i32>} : memref<8x128xf32, #tpu.memory_space<vmem>>, vector<1x16xf32>,
    %swap3A_41 = vector.shape_cast %swap3A_40 : vector<1x16xf32> to vector<16xf32>
    %swap3A_42 = vector.shape_cast %broadcast_in_dim3A_1 : vector<16xf32> to vector<1x16xf32>
    tpu.vector_store %arg11[%swap3A_38, %swap3A_39], %swap3A_42 {strides = array<i32>} : memref<8x128xf32, #tpu.memory_space<vmem>>, vector<1x16xf32>,
    %swap3A_43 = arith.constant 0 : i32
    %swap3A_44 = arith.index_cast %swap3A_43 : i32 to index
    %swap3A_45 = arith.constant 112 : index
    %swap3A_46 = tpu.vector_load %arg11[%swap3A_44, %swap3A_45] {strides = array<i32>} : memref<8x128xf32, #tpu.memory_space<vmem>>, vector<1x16xf32>,
    %swap3A_47 = vector.shape_cast %swap3A_46 : vector<1x16xf32> to vector<16xf32>
    %swap3A_48 = vector.shape_cast %broadcast_in_dim3A_1 : vector<16xf32> to vector<1x16xf32>
    tpu.vector_store %arg11[%swap3A_44, %swap3A_45], %swap3A_48 {strides = array<i32>} : memref<8x128xf32, #tpu.memory_space<vmem>>, vector<1x16xf32>,
    %swap3A_49 = arith.constant 1 : i32
    %swap3A_50 = arith.index_cast %swap3A_49 : i32 to index
    %swap3A_51 = arith.constant 0 : index
    %swap3A_52 = tpu.vector_load %arg11[%swap3A_50, %swap3A_51] {strides = array<i32>} : memref<8x128xf32, #tpu.memory_space<vmem>>, vector<1x16xf32>,
    %swap3A_53 = vector.shape_cast %swap3A_52 : vector<1x16xf32> to vector<16xf32>
    %swap3A_54 = vector.shape_cast %broadcast_in_dim3A_1 : vector<16xf32> to vector<1x16xf32>
    tpu.vector_store %arg11[%swap3A_50, %swap3A_51], %swap3A_54 {strides = array<i32>} : memref<8x128xf32, #tpu.memory_space<vmem>>, vector<1x16xf32>,
    %swap3A_55 = arith.constant 1 : i32
    %swap3A_56 = arith.index_cast %swap3A_55 : i32 to index
    %swap3A_57 = arith.constant 16 : index
    %swap3A_58 = tpu.vector_load %arg11[%swap3A_56, %swap3A_57] {strides = array<i32>} : memref<8x128xf32, #tpu.memory_space<vmem>>, vector<1x16xf32>,
    %swap3A_59 = vector.shape_cast %swap3A_58 : vector<1x16xf32> to vector<16xf32>
    %swap3A_60 = vector.shape_cast %broadcast_in_dim3A_1 : vector<16xf32> to vector<1x16xf32>
    tpu.vector_store %arg11[%swap3A_56, %swap3A_57], %swap3A_60 {strides = array<i32>} : memref<8x128xf32, #tpu.memory_space<vmem>>, vector<1x16xf32>,
    %swap3A_61 = arith.constant 1 : i32
    %swap3A_62 = arith.index_cast %swap3A_61 : i32 to index
    %swap3A_63 = arith.constant 32 : index
    %swap3A_64 = tpu.vector_load %arg11[%swap3A_62, %swap3A_63] {strides = array<i32>} : memref<8x128xf32, #tpu.memory_space<vmem>>, vector<1x16xf32>,
    %swap3A_65 = vector.shape_cast %swap3A_64 : vector<1x16xf32> to vector<16xf32>
    %swap3A_66 = vector.shape_cast %broadcast_in_dim3A_1 : vector<16xf32> to vector<1x16xf32>
    tpu.vector_store %arg11[%swap3A_62, %swap3A_63], %swap3A_66 {strides = array<i32>} : memref<8x128xf32, #tpu.memory_space<vmem>>, vector<1x16xf32>,
    %swap3A_67 = arith.constant 1 : i32
    %swap3A_68 = arith.index_cast %swap3A_67 : i32 to index
    %swap3A_69 = arith.constant 48 : index
    %swap3A_70 = tpu.vector_load %arg11[%swap3A_68, %swap3A_69] {strides = array<i32>} : memref<8x128xf32, #tpu.memory_space<vmem>>, vector<1x16xf32>,
    %swap3A_71 = vector.shape_cast %swap3A_70 : vector<1x16xf32> to vector<16xf32>
    %swap3A_72 = vector.shape_cast %broadcast_in_dim3A_1 : vector<16xf32> to vector<1x16xf32>
    tpu.vector_store %arg11[%swap3A_68, %swap3A_69], %swap3A_72 {strides = array<i32>} : memref<8x128xf32, #tpu.memory_space<vmem>>, vector<1x16xf32>,
    %swap3A_73 = arith.constant 1 : i32
    %swap3A_74 = arith.index_cast %swap3A_73 : i32 to index
    %swap3A_75 = arith.constant 64 : index
    %swap3A_76 = tpu.vector_load %arg11[%swap3A_74, %swap3A_75] {strides = array<i32>} : memref<8x128xf32, #tpu.memory_space<vmem>>, vector<1x16xf32>,
    %swap3A_77 = vector.shape_cast %swap3A_76 : vector<1x16xf32> to vector<16xf32>
    %swap3A_78 = vector.shape_cast %broadcast_in_dim3A_1 : vector<16xf32> to vector<1x16xf32>
    tpu.vector_store %arg11[%swap3A_74, %swap3A_75], %swap3A_78 {strides = array<i32>} : memref<8x128xf32, #tpu.memory_space<vmem>>, vector<1x16xf32>,
    %swap3A_79 = arith.constant 1 : i32
    %swap3A_80 = arith.index_cast %swap3A_79 : i32 to index
    %swap3A_81 = arith.constant 80 : index
    %swap3A_82 = tpu.vector_load %arg11[%swap3A_80, %swap3A_81] {strides = array<i32>} : memref<8x128xf32, #tpu.memory_space<vmem>>, vector<1x16xf32>,
    %swap3A_83 = vector.shape_cast %swap3A_82 : vector<1x16xf32> to vector<16xf32>
    %swap3A_84 = vector.shape_cast %broadcast_in_dim3A_1 : vector<16xf32> to vector<1x16xf32>
    tpu.vector_store %arg11[%swap3A_80, %swap3A_81], %swap3A_84 {strides = array<i32>} : memref<8x128xf32, #tpu.memory_space<vmem>>, vector<1x16xf32>,
    %swap3A_85 = arith.constant 1 : i32
    %swap3A_86 = arith.index_cast %swap3A_85 : i32 to index
    %swap3A_87 = arith.constant 96 : index
    %swap3A_88 = tpu.vector_load %arg11[%swap3A_86, %swap3A_87] {strides = array<i32>} : memref<8x128xf32, #tpu.memory_space<vmem>>, vector<1x16xf32>,
    %swap3A_89 = vector.shape_cast %swap3A_88 : vector<1x16xf32> to vector<16xf32>
    %swap3A_90 = vector.shape_cast %broadcast_in_dim3A_1 : vector<16xf32> to vector<1x16xf32>
    tpu.vector_store %arg11[%swap3A_86, %swap3A_87], %swap3A_90 {strides = array<i32>} : memref<8x128xf32, #tpu.memory_space<vmem>>, vector<1x16xf32>,
    %swap3A_91 = arith.constant 1 : i32
    %swap3A_92 = arith.index_cast %swap3A_91 : i32 to index
    %swap3A_93 = arith.constant 112 : index
    %swap3A_94 = tpu.vector_load %arg11[%swap3A_92, %swap3A_93] {strides = array<i32>} : memref<8x128xf32, #tpu.memory_space<vmem>>, vector<1x16xf32>,
    %swap3A_95 = vector.shape_cast %swap3A_94 : vector<1x16xf32> to vector<16xf32>
    %swap3A_96 = vector.shape_cast %broadcast_in_dim3A_1 : vector<16xf32> to vector<1x16xf32>
    tpu.vector_store %arg11[%swap3A_92, %swap3A_93], %swap3A_96 {strides = array<i32>} : memref<8x128xf32, #tpu.memory_space<vmem>>, vector<1x16xf32>,
    %swap3A_97 = arith.constant 2 : i32
    %swap3A_98 = arith.index_cast %swap3A_97 : i32 to index
    %swap3A_99 = arith.constant 0 : index
    %swap3A_100 = tpu.vector_load %arg11[%swap3A_98, %swap3A_99] {strides = array<i32>} : memref<8x128xf32, #tpu.memory_space<vmem>>, vector<1x16xf32>,
    %swap3A_101 = vector.shape_cast %swap3A_100 : vector<1x16xf32> to vector<16xf32>
    %swap3A_102 = vector.shape_cast %broadcast_in_dim3A_1 : vector<16xf32> to vector<1x16xf32>
    tpu.vector_store %arg11[%swap3A_98, %swap3A_99], %swap3A_102 {strides = array<i32>} : memref<8x128xf32, #tpu.memory_space<vmem>>, vector<1x16xf32>,
    %swap3A_103 = arith.constant 2 : i32
    %swap3A_104 = arith.index_cast %swap3A_103 : i32 to index
    %swap3A_105 = arith.constant 16 : index
    %swap3A_106 = tpu.vector_load %arg11[%swap3A_104, %swap3A_105] {strides = array<i32>} : memref<8x128xf32, #tpu.memory_space<vmem>>, vector<1x16xf32>,
    %swap3A_107 = vector.shape_cast %swap3A_106 : vector<1x16xf32> to vector<16xf32>
    %swap3A_108 = vector.shape_cast %broadcast_in_dim3A_1 : vector<16xf32> to vector<1x16xf32>
    tpu.vector_store %arg11[%swap3A_104, %swap3A_105], %swap3A_108 {strides = array<i32>} : memref<8x128xf32, #tpu.memory_space<vmem>>, vector<1x16xf32>,
    %swap3A_109 = arith.constant 2 : i32
    %swap3A_110 = arith.index_cast %swap3A_109 : i32 to index
    %swap3A_111 = arith.constant 32 : index
    %swap3A_112 = tpu.vector_load %arg11[%swap3A_110, %swap3A_111] {strides = array<i32>} : memref<8x128xf32, #tpu.memory_space<vmem>>, vector<1x16xf32>,
    %swap3A_113 = vector.shape_cast %swap3A_112 : vector<1x16xf32> to vector<16xf32>
    %swap3A_114 = vector.shape_cast %broadcast_in_dim3A_1 : vector<16xf32> to vector<1x16xf32>
    tpu.vector_store %arg11[%swap3A_110, %swap3A_111], %swap3A_114 {strides = array<i32>} : memref<8x128xf32, #tpu.memory_space<vmem>>, vector<1x16xf32>,
    %swap3A_115 = arith.constant 2 : i32
    %swap3A_116 = arith.index_cast %swap3A_115 : i32 to index
    %swap3A_117 = arith.constant 48 : index
    %swap3A_118 = tpu.vector_load %arg11[%swap3A_116, %swap3A_117] {strides = array<i32>} : memref<8x128xf32, #tpu.memory_space<vmem>>, vector<1x16xf32>,
    %swap3A_119 = vector.shape_cast %swap3A_118 : vector<1x16xf32> to vector<16xf32>
    %swap3A_120 = vector.shape_cast %broadcast_in_dim3A_1 : vector<16xf32> to vector<1x16xf32>
    tpu.vector_store %arg11[%swap3A_116, %swap3A_117], %swap3A_120 {strides = array<i32>} : memref<8x128xf32, #tpu.memory_space<vmem>>, vector<1x16xf32>,
    %swap3A_121 = arith.constant 2 : i32
    %swap3A_122 = arith.index_cast %swap3A_121 : i32 to index
    %swap3A_123 = arith.constant 64 : index
    %swap3A_124 = tpu.vector_load %arg11[%swap3A_122, %swap3A_123] {strides = array<i32>} : memref<8x128xf32, #tpu.memory_space<vmem>>, vector<1x16xf32>,
    %swap3A_125 = vector.shape_cast %swap3A_124 : vector<1x16xf32> to vector<16xf32>
    %swap3A_126 = vector.shape_cast %broadcast_in_dim3A_1 : vector<16xf32> to vector<1x16xf32>
    tpu.vector_store %arg11[%swap3A_122, %swap3A_123], %swap3A_126 {strides = array<i32>} : memref<8x128xf32, #tpu.memory_space<vmem>>, vector<1x16xf32>,
    %swap3A_127 = arith.constant 2 : i32
    %swap3A_128 = arith.index_cast %swap3A_127 : i32 to index
    %swap3A_129 = arith.constant 80 : index
    %swap3A_130 = tpu.vector_load %arg11[%swap3A_128, %swap3A_129] {strides = array<i32>} : memref<8x128xf32, #tpu.memory_space<vmem>>, vector<1x16xf32>,
    %swap3A_131 = vector.shape_cast %swap3A_130 : vector<1x16xf32> to vector<16xf32>
    %swap3A_132 = vector.shape_cast %broadcast_in_dim3A_1 : vector<16xf32> to vector<1x16xf32>
    tpu.vector_store %arg11[%swap3A_128, %swap3A_129], %swap3A_132 {strides = array<i32>} : memref<8x128xf32, #tpu.memory_space<vmem>>, vector<1x16xf32>,
    %swap3A_133 = arith.constant 2 : i32
    %swap3A_134 = arith.index_cast %swap3A_133 : i32 to index
    %swap3A_135 = arith.constant 96 : index
    %swap3A_136 = tpu.vector_load %arg11[%swap3A_134, %swap3A_135] {strides = array<i32>} : memref<8x128xf32, #tpu.memory_space<vmem>>, vector<1x16xf32>,
    %swap3A_137 = vector.shape_cast %swap3A_136 : vector<1x16xf32> to vector<16xf32>
    %swap3A_138 = vector.shape_cast %broadcast_in_dim3A_1 : vector<16xf32> to vector<1x16xf32>
    tpu.vector_store %arg11[%swap3A_134, %swap3A_135], %swap3A_138 {strides = array<i32>} : memref<8x128xf32, #tpu.memory_space<vmem>>, vector<1x16xf32>,
    %swap3A_139 = arith.constant 2 : i32
    %swap3A_140 = arith.index_cast %swap3A_139 : i32 to index
    %swap3A_141 = arith.constant 112 : index
    %swap3A_142 = tpu.vector_load %arg11[%swap3A_140, %swap3A_141] {strides = array<i32>} : memref<8x128xf32, #tpu.memory_space<vmem>>, vector<1x16xf32>,
    %swap3A_143 = vector.shape_cast %swap3A_142 : vector<1x16xf32> to vector<16xf32>
    %swap3A_144 = vector.shape_cast %broadcast_in_dim3A_1 : vector<16xf32> to vector<1x16xf32>
    tpu.vector_store %arg11[%swap3A_140, %swap3A_141], %swap3A_144 {strides = array<i32>} : memref<8x128xf32, #tpu.memory_space<vmem>>, vector<1x16xf32>,
    %swap3A_145 = arith.constant 3 : i32
    %swap3A_146 = arith.index_cast %swap3A_145 : i32 to index
    %swap3A_147 = arith.constant 0 : index
    %swap3A_148 = tpu.vector_load %arg11[%swap3A_146, %swap3A_147] {strides = array<i32>} : memref<8x128xf32, #tpu.memory_space<vmem>>, vector<1x16xf32>,
    %swap3A_149 = vector.shape_cast %swap3A_148 : vector<1x16xf32> to vector<16xf32>
    %swap3A_150 = vector.shape_cast %broadcast_in_dim3A_1 : vector<16xf32> to vector<1x16xf32>
    tpu.vector_store %arg11[%swap3A_146, %swap3A_147], %swap3A_150 {strides = array<i32>} : memref<8x128xf32, #tpu.memory_space<vmem>>, vector<1x16xf32>,
    %swap3A_151 = arith.constant 3 : i32
    %swap3A_152 = arith.index_cast %swap3A_151 : i32 to index
    %swap3A_153 = arith.constant 16 : index
    %swap3A_154 = tpu.vector_load %arg11[%swap3A_152, %swap3A_153] {strides = array<i32>} : memref<8x128xf32, #tpu.memory_space<vmem>>, vector<1x16xf32>,
    %swap3A_155 = vector.shape_cast %swap3A_154 : vector<1x16xf32> to vector<16xf32>
    %swap3A_156 = vector.shape_cast %broadcast_in_dim3A_1 : vector<16xf32> to vector<1x16xf32>
    tpu.vector_store %arg11[%swap3A_152, %swap3A_153], %swap3A_156 {strides = array<i32>} : memref<8x128xf32, #tpu.memory_space<vmem>>, vector<1x16xf32>,
    %swap3A_157 = arith.constant 3 : i32
    %swap3A_158 = arith.index_cast %swap3A_157 : i32 to index
    %swap3A_159 = arith.constant 32 : index
    %swap3A_160 = tpu.vector_load %arg11[%swap3A_158, %swap3A_159] {strides = array<i32>} : memref<8x128xf32, #tpu.memory_space<vmem>>, vector<1x16xf32>,
    %swap3A_161 = vector.shape_cast %swap3A_160 : vector<1x16xf32> to vector<16xf32>
    %swap3A_162 = vector.shape_cast %broadcast_in_dim3A_1 : vector<16xf32> to vector<1x16xf32>
    tpu.vector_store %arg11[%swap3A_158, %swap3A_159], %swap3A_162 {strides = array<i32>} : memref<8x128xf32, #tpu.memory_space<vmem>>, vector<1x16xf32>,
    %swap3A_163 = arith.constant 3 : i32
    %swap3A_164 = arith.index_cast %swap3A_163 : i32 to index
    %swap3A_165 = arith.constant 48 : index
    %swap3A_166 = tpu.vector_load %arg11[%swap3A_164, %swap3A_165] {strides = array<i32>} : memref<8x128xf32, #tpu.memory_space<vmem>>, vector<1x16xf32>,
    %swap3A_167 = vector.shape_cast %swap3A_166 : vector<1x16xf32> to vector<16xf32>
    %swap3A_168 = vector.shape_cast %broadcast_in_dim3A_1 : vector<16xf32> to vector<1x16xf32>
    tpu.vector_store %arg11[%swap3A_164, %swap3A_165], %swap3A_168 {strides = array<i32>} : memref<8x128xf32, #tpu.memory_space<vmem>>, vector<1x16xf32>,
    %swap3A_169 = arith.constant 3 : i32
    %swap3A_170 = arith.index_cast %swap3A_169 : i32 to index
    %swap3A_171 = arith.constant 64 : index
    %swap3A_172 = tpu.vector_load %arg11[%swap3A_170, %swap3A_171] {strides = array<i32>} : memref<8x128xf32, #tpu.memory_space<vmem>>, vector<1x16xf32>,
    %swap3A_173 = vector.shape_cast %swap3A_172 : vector<1x16xf32> to vector<16xf32>
    %swap3A_174 = vector.shape_cast %broadcast_in_dim3A_1 : vector<16xf32> to vector<1x16xf32>
    tpu.vector_store %arg11[%swap3A_170, %swap3A_171], %swap3A_174 {strides = array<i32>} : memref<8x128xf32, #tpu.memory_space<vmem>>, vector<1x16xf32>,
    %swap3A_175 = arith.constant 3 : i32
    %swap3A_176 = arith.index_cast %swap3A_175 : i32 to index
    %swap3A_177 = arith.constant 80 : index
    %swap3A_178 = tpu.vector_load %arg11[%swap3A_176, %swap3A_177] {strides = array<i32>} : memref<8x128xf32, #tpu.memory_space<vmem>>, vector<1x16xf32>,
    %swap3A_179 = vector.shape_cast %swap3A_178 : vector<1x16xf32> to vector<16xf32>
    %swap3A_180 = vector.shape_cast %broadcast_in_dim3A_1 : vector<16xf32> to vector<1x16xf32>
    tpu.vector_store %arg11[%swap3A_176, %swap3A_177], %swap3A_180 {strides = array<i32>} : memref<8x128xf32, #tpu.memory_space<vmem>>, vector<1x16xf32>,
    %swap3A_181 = arith.constant 3 : i32
    %swap3A_182 = arith.index_cast %swap3A_181 : i32 to index
    %swap3A_183 = arith.constant 96 : index
    %swap3A_184 = tpu.vector_load %arg11[%swap3A_182, %swap3A_183] {strides = array<i32>} : memref<8x128xf32, #tpu.memory_space<vmem>>, vector<1x16xf32>,
    %swap3A_185 = vector.shape_cast %swap3A_184 : vector<1x16xf32> to vector<16xf32>
    %swap3A_186 = vector.shape_cast %broadcast_in_dim3A_1 : vector<16xf32> to vector<1x16xf32>
    tpu.vector_store %arg11[%swap3A_182, %swap3A_183], %swap3A_186 {strides = array<i32>} : memref<8x128xf32, #tpu.memory_space<vmem>>, vector<1x16xf32>,
    %swap3A_187 = arith.constant 3 : i32
    %swap3A_188 = arith.index_cast %swap3A_187 : i32 to index
    %swap3A_189 = arith.constant 112 : index
    %swap3A_190 = tpu.vector_load %arg11[%swap3A_188, %swap3A_189] {strides = array<i32>} : memref<8x128xf32, #tpu.memory_space<vmem>>, vector<1x16xf32>,
    %swap3A_191 = vector.shape_cast %swap3A_190 : vector<1x16xf32> to vector<16xf32>
    %swap3A_192 = vector.shape_cast %broadcast_in_dim3A_1 : vector<16xf32> to vector<1x16xf32>
    tpu.vector_store %arg11[%swap3A_188, %swap3A_189], %swap3A_192 {strides = array<i32>} : memref<8x128xf32, #tpu.memory_space<vmem>>, vector<1x16xf32>,
    %swap3A_193 = arith.constant 4 : i32
    %swap3A_194 = arith.index_cast %swap3A_193 : i32 to index
    %swap3A_195 = arith.constant 0 : index
    %swap3A_196 = tpu.vector_load %arg11[%swap3A_194, %swap3A_195] {strides = array<i32>} : memref<8x128xf32, #tpu.memory_space<vmem>>, vector<1x16xf32>,
    %swap3A_197 = vector.shape_cast %swap3A_196 : vector<1x16xf32> to vector<16xf32>
    %swap3A_198 = vector.shape_cast %broadcast_in_dim3A_1 : vector<16xf32> to vector<1x16xf32>
    tpu.vector_store %arg11[%swap3A_194, %swap3A_195], %swap3A_198 {strides = array<i32>} : memref<8x128xf32, #tpu.memory_space<vmem>>, vector<1x16xf32>,
    %swap3A_199 = arith.constant 4 : i32
    %swap3A_200 = arith.index_cast %swap3A_199 : i32 to index
    %swap3A_201 = arith.constant 16 : index
    %swap3A_202 = tpu.vector_load %arg11[%swap3A_200, %swap3A_201] {strides = array<i32>} : memref<8x128xf32, #tpu.memory_space<vmem>>, vector<1x16xf32>,
    %swap3A_203 = vector.shape_cast %swap3A_202 : vector<1x16xf32> to vector<16xf32>
    %swap3A_204 = vector.shape_cast %broadcast_in_dim3A_1 : vector<16xf32> to vector<1x16xf32>
    tpu.vector_store %arg11[%swap3A_200, %swap3A_201], %swap3A_204 {strides = array<i32>} : memref<8x128xf32, #tpu.memory_space<vmem>>, vector<1x16xf32>,
    %swap3A_205 = arith.constant 4 : i32
    %swap3A_206 = arith.index_cast %swap3A_205 : i32 to index
    %swap3A_207 = arith.constant 32 : index
    %swap3A_208 = tpu.vector_load %arg11[%swap3A_206, %swap3A_207] {strides = array<i32>} : memref<8x128xf32, #tpu.memory_space<vmem>>, vector<1x16xf32>,
    %swap3A_209 = vector.shape_cast %swap3A_208 : vector<1x16xf32> to vector<16xf32>
    %swap3A_210 = vector.shape_cast %broadcast_in_dim3A_1 : vector<16xf32> to vector<1x16xf32>
    tpu.vector_store %arg11[%swap3A_206, %swap3A_207], %swap3A_210 {strides = array<i32>} : memref<8x128xf32, #tpu.memory_space<vmem>>, vector<1x16xf32>,
    %swap3A_211 = arith.constant 4 : i32
    %swap3A_212 = arith.index_cast %swap3A_211 : i32 to index
    %swap3A_213 = arith.constant 48 : index
    %swap3A_214 = tpu.vector_load %arg11[%swap3A_212, %swap3A_213] {strides = array<i32>} : memref<8x128xf32, #tpu.memory_space<vmem>>, vector<1x16xf32>,
    %swap3A_215 = vector.shape_cast %swap3A_214 : vector<1x16xf32> to vector<16xf32>
    %swap3A_216 = vector.shape_cast %broadcast_in_dim3A_1 : vector<16xf32> to vector<1x16xf32>
    tpu.vector_store %arg11[%swap3A_212, %swap3A_213], %swap3A_216 {strides = array<i32>} : memref<8x128xf32, #tpu.memory_space<vmem>>, vector<1x16xf32>,
    %swap3A_217 = arith.constant 4 : i32
    %swap3A_218 = arith.index_cast %swap3A_217 : i32 to index
    %swap3A_219 = arith.constant 64 : index
    %swap3A_220 = tpu.vector_load %arg11[%swap3A_218, %swap3A_219] {strides = array<i32>} : memref<8x128xf32, #tpu.memory_space<vmem>>, vector<1x16xf32>,
    %swap3A_221 = vector.shape_cast %swap3A_220 : vector<1x16xf32> to vector<16xf32>
    %swap3A_222 = vector.shape_cast %broadcast_in_dim3A_1 : vector<16xf32> to vector<1x16xf32>
    tpu.vector_store %arg11[%swap3A_218, %swap3A_219], %swap3A_222 {strides = array<i32>} : memref<8x128xf32, #tpu.memory_space<vmem>>, vector<1x16xf32>,
    %swap3A_223 = arith.constant 4 : i32
    %swap3A_224 = arith.index_cast %swap3A_223 : i32 to index
    %swap3A_225 = arith.constant 80 : index
    %swap3A_226 = tpu.vector_load %arg11[%swap3A_224, %swap3A_225] {strides = array<i32>} : memref<8x128xf32, #tpu.memory_space<vmem>>, vector<1x16xf32>,
    %swap3A_227 = vector.shape_cast %swap3A_226 : vector<1x16xf32> to vector<16xf32>
    %swap3A_228 = vector.shape_cast %broadcast_in_dim3A_1 : vector<16xf32> to vector<1x16xf32>
    tpu.vector_store %arg11[%swap3A_224, %swap3A_225], %swap3A_228 {strides = array<i32>} : memref<8x128xf32, #tpu.memory_space<vmem>>, vector<1x16xf32>,
    %swap3A_229 = arith.constant 4 : i32
    %swap3A_230 = arith.index_cast %swap3A_229 : i32 to index
    %swap3A_231 = arith.constant 96 : index
    %swap3A_232 = tpu.vector_load %arg11[%swap3A_230, %swap3A_231] {strides = array<i32>} : memref<8x128xf32, #tpu.memory_space<vmem>>, vector<1x16xf32>,
    %swap3A_233 = vector.shape_cast %swap3A_232 : vector<1x16xf32> to vector<16xf32>
    %swap3A_234 = vector.shape_cast %broadcast_in_dim3A_1 : vector<16xf32> to vector<1x16xf32>
    tpu.vector_store %arg11[%swap3A_230, %swap3A_231], %swap3A_234 {strides = array<i32>} : memref<8x128xf32, #tpu.memory_space<vmem>>, vector<1x16xf32>,
    %swap3A_235 = arith.constant 4 : i32
    %swap3A_236 = arith.index_cast %swap3A_235 : i32 to index
    %swap3A_237 = arith.constant 112 : index
    %swap3A_238 = tpu.vector_load %arg11[%swap3A_236, %swap3A_237] {strides = array<i32>} : memref<8x128xf32, #tpu.memory_space<vmem>>, vector<1x16xf32>,
    %swap3A_239 = vector.shape_cast %swap3A_238 : vector<1x16xf32> to vector<16xf32>
    %swap3A_240 = vector.shape_cast %broadcast_in_dim3A_1 : vector<16xf32> to vector<1x16xf32>
    tpu.vector_store %arg11[%swap3A_236, %swap3A_237], %swap3A_240 {strides = array<i32>} : memref<8x128xf32, #tpu.memory_space<vmem>>, vector<1x16xf32>,
    %swap3A_241 = arith.constant 5 : i32
    %swap3A_242 = arith.index_cast %swap3A_241 : i32 to index
    %swap3A_243 = arith.constant 0 : index
    %swap3A_244 = tpu.vector_load %arg11[%swap3A_242, %swap3A_243] {strides = array<i32>} : memref<8x128xf32, #tpu.memory_space<vmem>>, vector<1x16xf32>,
    %swap3A_245 = vector.shape_cast %swap3A_244 : vector<1x16xf32> to vector<16xf32>
    %swap3A_246 = vector.shape_cast %broadcast_in_dim3A_1 : vector<16xf32> to vector<1x16xf32>
    tpu.vector_store %arg11[%swap3A_242, %swap3A_243], %swap3A_246 {strides = array<i32>} : memref<8x128xf32, #tpu.memory_space<vmem>>, vector<1x16xf32>,
    %swap3A_247 = arith.constant 5 : i32
    %swap3A_248 = arith.index_cast %swap3A_247 : i32 to index
    %swap3A_249 = arith.constant 16 : index
    %swap3A_250 = tpu.vector_load %arg11[%swap3A_248, %swap3A_249] {strides = array<i32>} : memref<8x128xf32, #tpu.memory_space<vmem>>, vector<1x16xf32>,
    %swap3A_251 = vector.shape_cast %swap3A_250 : vector<1x16xf32> to vector<16xf32>
    %swap3A_252 = vector.shape_cast %broadcast_in_dim3A_1 : vector<16xf32> to vector<1x16xf32>
    tpu.vector_store %arg11[%swap3A_248, %swap3A_249], %swap3A_252 {strides = array<i32>} : memref<8x128xf32, #tpu.memory_space<vmem>>, vector<1x16xf32>,
    %swap3A_253 = arith.constant 5 : i32
    %swap3A_254 = arith.index_cast %swap3A_253 : i32 to index
    %swap3A_255 = arith.constant 32 : index
    %swap3A_256 = tpu.vector_load %arg11[%swap3A_254, %swap3A_255] {strides = array<i32>} : memref<8x128xf32, #tpu.memory_space<vmem>>, vector<1x16xf32>,
    %swap3A_257 = vector.shape_cast %swap3A_256 : vector<1x16xf32> to vector<16xf32>
    %swap3A_258 = vector.shape_cast %broadcast_in_dim3A_1 : vector<16xf32> to vector<1x16xf32>
    tpu.vector_store %arg11[%swap3A_254, %swap3A_255], %swap3A_258 {strides = array<i32>} : memref<8x128xf32, #tpu.memory_space<vmem>>, vector<1x16xf32>,
    %swap3A_259 = arith.constant 5 : i32
    %swap3A_260 = arith.index_cast %swap3A_259 : i32 to index
    %swap3A_261 = arith.constant 48 : index
    %swap3A_262 = tpu.vector_load %arg11[%swap3A_260, %swap3A_261] {strides = array<i32>} : memref<8x128xf32, #tpu.memory_space<vmem>>, vector<1x16xf32>,
    %swap3A_263 = vector.shape_cast %swap3A_262 : vector<1x16xf32> to vector<16xf32>
    %swap3A_264 = vector.shape_cast %broadcast_in_dim3A_1 : vector<16xf32> to vector<1x16xf32>
    tpu.vector_store %arg11[%swap3A_260, %swap3A_261], %swap3A_264 {strides = array<i32>} : memref<8x128xf32, #tpu.memory_space<vmem>>, vector<1x16xf32>,
    %swap3A_265 = arith.constant 5 : i32
    %swap3A_266 = arith.index_cast %swap3A_265 : i32 to index
    %swap3A_267 = arith.constant 64 : index
    %swap3A_268 = tpu.vector_load %arg11[%swap3A_266, %swap3A_267] {strides = array<i32>} : memref<8x128xf32, #tpu.memory_space<vmem>>, vector<1x16xf32>,
    %swap3A_269 = vector.shape_cast %swap3A_268 : vector<1x16xf32> to vector<16xf32>
    %swap3A_270 = vector.shape_cast %broadcast_in_dim3A_1 : vector<16xf32> to vector<1x16xf32>
    tpu.vector_store %arg11[%swap3A_266, %swap3A_267], %swap3A_270 {strides = array<i32>} : memref<8x128xf32, #tpu.memory_space<vmem>>, vector<1x16xf32>,
    %swap3A_271 = arith.constant 5 : i32
    %swap3A_272 = arith.index_cast %swap3A_271 : i32 to index
    %swap3A_273 = arith.constant 80 : index
    %swap3A_274 = tpu.vector_load %arg11[%swap3A_272, %swap3A_273] {strides = array<i32>} : memref<8x128xf32, #tpu.memory_space<vmem>>, vector<1x16xf32>,
    %swap3A_275 = vector.shape_cast %swap3A_274 : vector<1x16xf32> to vector<16xf32>
    %swap3A_276 = vector.shape_cast %broadcast_in_dim3A_1 : vector<16xf32> to vector<1x16xf32>
    tpu.vector_store %arg11[%swap3A_272, %swap3A_273], %swap3A_276 {strides = array<i32>} : memref<8x128xf32, #tpu.memory_space<vmem>>, vector<1x16xf32>,
    %swap3A_277 = arith.constant 5 : i32
    %swap3A_278 = arith.index_cast %swap3A_277 : i32 to index
    %swap3A_279 = arith.constant 96 : index
    %swap3A_280 = tpu.vector_load %arg11[%swap3A_278, %swap3A_279] {strides = array<i32>} : memref<8x128xf32, #tpu.memory_space<vmem>>, vector<1x16xf32>,
    %swap3A_281 = vector.shape_cast %swap3A_280 : vector<1x16xf32> to vector<16xf32>
    %swap3A_282 = vector.shape_cast %broadcast_in_dim3A_1 : vector<16xf32> to vector<1x16xf32>
    tpu.vector_store %arg11[%swap3A_278, %swap3A_279], %swap3A_282 {strides = array<i32>} : memref<8x128xf32, #tpu.memory_space<vmem>>, vector<1x16xf32>,
    %swap3A_283 = arith.constant 5 : i32
    %swap3A_284 = arith.index_cast %swap3A_283 : i32 to index
    %swap3A_285 = arith.constant 112 : index
    %swap3A_286 = tpu.vector_load %arg11[%swap3A_284, %swap3A_285] {strides = array<i32>} : memref<8x128xf32, #tpu.memory_space<vmem>>, vector<1x16xf32>,
    %swap3A_287 = vector.shape_cast %swap3A_286 : vector<1x16xf32> to vector<16xf32>
    %swap3A_288 = vector.shape_cast %broadcast_in_dim3A_1 : vector<16xf32> to vector<1x16xf32>
    tpu.vector_store %arg11[%swap3A_284, %swap3A_285], %swap3A_288 {strides = array<i32>} : memref<8x128xf32, #tpu.memory_space<vmem>>, vector<1x16xf32>,
    %swap3A_289 = arith.constant 6 : i32
    %swap3A_290 = arith.index_cast %swap3A_289 : i32 to index
    %swap3A_291 = arith.constant 0 : index
    %swap3A_292 = tpu.vector_load %arg11[%swap3A_290, %swap3A_291] {strides = array<i32>} : memref<8x128xf32, #tpu.memory_space<vmem>>, vector<1x16xf32>,
    %swap3A_293 = vector.shape_cast %swap3A_292 : vector<1x16xf32> to vector<16xf32>
    %swap3A_294 = vector.shape_cast %broadcast_in_dim3A_1 : vector<16xf32> to vector<1x16xf32>
    tpu.vector_store %arg11[%swap3A_290, %swap3A_291], %swap3A_294 {strides = array<i32>} : memref<8x128xf32, #tpu.memory_space<vmem>>, vector<1x16xf32>,
    %swap3A_295 = arith.constant 6 : i32
    %swap3A_296 = arith.index_cast %swap3A_295 : i32 to index
    %swap3A_297 = arith.constant 16 : index
    %swap3A_298 = tpu.vector_load %arg11[%swap3A_296, %swap3A_297] {strides = array<i32>} : memref<8x128xf32, #tpu.memory_space<vmem>>, vector<1x16xf32>,
    %swap3A_299 = vector.shape_cast %swap3A_298 : vector<1x16xf32> to vector<16xf32>
    %swap3A_300 = vector.shape_cast %broadcast_in_dim3A_1 : vector<16xf32> to vector<1x16xf32>
    tpu.vector_store %arg11[%swap3A_296, %swap3A_297], %swap3A_300 {strides = array<i32>} : memref<8x128xf32, #tpu.memory_space<vmem>>, vector<1x16xf32>,
    %swap3A_301 = arith.constant 6 : i32
    %swap3A_302 = arith.index_cast %swap3A_301 : i32 to index
    %swap3A_303 = arith.constant 32 : index
    %swap3A_304 = tpu.vector_load %arg11[%swap3A_302, %swap3A_303] {strides = array<i32>} : memref<8x128xf32, #tpu.memory_space<vmem>>, vector<1x16xf32>,
    %swap3A_305 = vector.shape_cast %swap3A_304 : vector<1x16xf32> to vector<16xf32>
    %swap3A_306 = vector.shape_cast %broadcast_in_dim3A_1 : vector<16xf32> to vector<1x16xf32>
    tpu.vector_store %arg11[%swap3A_302, %swap3A_303], %swap3A_306 {strides = array<i32>} : memref<8x128xf32, #tpu.memory_space<vmem>>, vector<1x16xf32>,
    %swap3A_307 = arith.constant 6 : i32
    %swap3A_308 = arith.index_cast %swap3A_307 : i32 to index
    %swap3A_309 = arith.constant 48 : index
    %swap3A_310 = tpu.vector_load %arg11[%swap3A_308, %swap3A_309] {strides = array<i32>} : memref<8x128xf32, #tpu.memory_space<vmem>>, vector<1x16xf32>,
    %swap3A_311 = vector.shape_cast %swap3A_310 : vector<1x16xf32> to vector<16xf32>
    %swap3A_312 = vector.shape_cast %broadcast_in_dim3A_1 : vector<16xf32> to vector<1x16xf32>
    tpu.vector_store %arg11[%swap3A_308, %swap3A_309], %swap3A_312 {strides = array<i32>} : memref<8x128xf32, #tpu.memory_space<vmem>>, vector<1x16xf32>,
    %swap3A_313 = arith.constant 6 : i32
    %swap3A_314 = arith.index_cast %swap3A_313 : i32 to index
    %swap3A_315 = arith.constant 64 : index
    %swap3A_316 = tpu.vector_load %arg11[%swap3A_314, %swap3A_315] {strides = array<i32>} : memref<8x128xf32, #tpu.memory_space<vmem>>, vector<1x16xf32>,
    %swap3A_317 = vector.shape_cast %swap3A_316 : vector<1x16xf32> to vector<16xf32>
    %swap3A_318 = vector.shape_cast %broadcast_in_dim3A_1 : vector<16xf32> to vector<1x16xf32>
    tpu.vector_store %arg11[%swap3A_314, %swap3A_315], %swap3A_318 {strides = array<i32>} : memref<8x128xf32, #tpu.memory_space<vmem>>, vector<1x16xf32>,
    %swap3A_319 = arith.constant 6 : i32
    %swap3A_320 = arith.index_cast %swap3A_319 : i32 to index
    %swap3A_321 = arith.constant 80 : index
    %swap3A_322 = tpu.vector_load %arg11[%swap3A_320, %swap3A_321] {strides = array<i32>} : memref<8x128xf32, #tpu.memory_space<vmem>>, vector<1x16xf32>,
    %swap3A_323 = vector.shape_cast %swap3A_322 : vector<1x16xf32> to vector<16xf32>
    %swap3A_324 = vector.shape_cast %broadcast_in_dim3A_1 : vector<16xf32> to vector<1x16xf32>
    tpu.vector_store %arg11[%swap3A_320, %swap3A_321], %swap3A_324 {strides = array<i32>} : memref<8x128xf32, #tpu.memory_space<vmem>>, vector<1x16xf32>,
    %swap3A_325 = arith.constant 6 : i32
    %swap3A_326 = arith.index_cast %swap3A_325 : i32 to index
    %swap3A_327 = arith.constant 96 : index
    %swap3A_328 = tpu.vector_load %arg11[%swap3A_326, %swap3A_327] {strides = array<i32>} : memref<8x128xf32, #tpu.memory_space<vmem>>, vector<1x16xf32>,
    %swap3A_329 = vector.shape_cast %swap3A_328 : vector<1x16xf32> to vector<16xf32>
    %swap3A_330 = vector.shape_cast %broadcast_in_dim3A_1 : vector<16xf32> to vector<1x16xf32>
    tpu.vector_store %arg11[%swap3A_326, %swap3A_327], %swap3A_330 {strides = array<i32>} : memref<8x128xf32, #tpu.memory_space<vmem>>, vector<1x16xf32>,
    %swap3A_331 = arith.constant 6 : i32
    %swap3A_332 = arith.index_cast %swap3A_331 : i32 to index
    %swap3A_333 = arith.constant 112 : index
    %swap3A_334 = tpu.vector_load %arg11[%swap3A_332, %swap3A_333] {strides = array<i32>} : memref<8x128xf32, #tpu.memory_space<vmem>>, vector<1x16xf32>,
    %swap3A_335 = vector.shape_cast %swap3A_334 : vector<1x16xf32> to vector<16xf32>
    %swap3A_336 = vector.shape_cast %broadcast_in_dim3A_1 : vector<16xf32> to vector<1x16xf32>
    tpu.vector_store %arg11[%swap3A_332, %swap3A_333], %swap3A_336 {strides = array<i32>} : memref<8x128xf32, #tpu.memory_space<vmem>>, vector<1x16xf32>,
    %swap3A_337 = arith.constant 7 : i32
    %swap3A_338 = arith.index_cast %swap3A_337 : i32 to index
    %swap3A_339 = arith.constant 0 : index
    %swap3A_340 = tpu.vector_load %arg11[%swap3A_338, %swap3A_339] {strides = array<i32>} : memref<8x128xf32, #tpu.memory_space<vmem>>, vector<1x16xf32>,
    %swap3A_341 = vector.shape_cast %swap3A_340 : vector<1x16xf32> to vector<16xf32>
    %swap3A_342 = vector.shape_cast %broadcast_in_dim3A_1 : vector<16xf32> to vector<1x16xf32>
    tpu.vector_store %arg11[%swap3A_338, %swap3A_339], %swap3A_342 {strides = array<i32>} : memref<8x128xf32, #tpu.memory_space<vmem>>, vector<1x16xf32>,
    %swap3A_343 = arith.constant 7 : i32
    %swap3A_344 = arith.index_cast %swap3A_343 : i32 to index
    %swap3A_345 = arith.constant 16 : index
    %swap3A_346 = tpu.vector_load %arg11[%swap3A_344, %swap3A_345] {strides = array<i32>} : memref<8x128xf32, #tpu.memory_space<vmem>>, vector<1x16xf32>,
    %swap3A_347 = vector.shape_cast %swap3A_346 : vector<1x16xf32> to vector<16xf32>
    %swap3A_348 = vector.shape_cast %broadcast_in_dim3A_1 : vector<16xf32> to vector<1x16xf32>
    tpu.vector_store %arg11[%swap3A_344, %swap3A_345], %swap3A_348 {strides = array<i32>} : memref<8x128xf32, #tpu.memory_space<vmem>>, vector<1x16xf32>,
    %swap3A_349 = arith.constant 7 : i32
    %swap3A_350 = arith.index_cast %swap3A_349 : i32 to index
    %swap3A_351 = arith.constant 32 : index
    %swap3A_352 = tpu.vector_load %arg11[%swap3A_350, %swap3A_351] {strides = array<i32>} : memref<8x128xf32, #tpu.memory_space<vmem>>, vector<1x16xf32>,
    %swap3A_353 = vector.shape_cast %swap3A_352 : vector<1x16xf32> to vector<16xf32>
    %swap3A_354 = vector.shape_cast %broadcast_in_dim3A_1 : vector<16xf32> to vector<1x16xf32>
    tpu.vector_store %arg11[%swap3A_350, %swap3A_351], %swap3A_354 {strides = array<i32>} : memref<8x128xf32, #tpu.memory_space<vmem>>, vector<1x16xf32>,
    %swap3A_355 = arith.constant 7 : i32
    %swap3A_356 = arith.index_cast %swap3A_355 : i32 to index
    %swap3A_357 = arith.constant 48 : index
    %swap3A_358 = tpu.vector_load %arg11[%swap3A_356, %swap3A_357] {strides = array<i32>} : memref<8x128xf32, #tpu.memory_space<vmem>>, vector<1x16xf32>,
    %swap3A_359 = vector.shape_cast %swap3A_358 : vector<1x16xf32> to vector<16xf32>
    %swap3A_360 = vector.shape_cast %broadcast_in_dim3A_1 : vector<16xf32> to vector<1x16xf32>
    tpu.vector_store %arg11[%swap3A_356, %swap3A_357], %swap3A_360 {strides = array<i32>} : memref<8x128xf32, #tpu.memory_space<vmem>>, vector<1x16xf32>,
    %swap3A_361 = arith.constant 7 : i32
    %swap3A_362 = arith.index_cast %swap3A_361 : i32 to index
    %swap3A_363 = arith.constant 64 : index
    %swap3A_364 = tpu.vector_load %arg11[%swap3A_362, %swap3A_363] {strides = array<i32>} : memref<8x128xf32, #tpu.memory_space<vmem>>, vector<1x16xf32>,
    %swap3A_365 = vector.shape_cast %swap3A_364 : vector<1x16xf32> to vector<16xf32>
    %swap3A_366 = vector.shape_cast %broadcast_in_dim3A_1 : vector<16xf32> to vector<1x16xf32>
    tpu.vector_store %arg11[%swap3A_362, %swap3A_363], %swap3A_366 {strides = array<i32>} : memref<8x128xf32, #tpu.memory_space<vmem>>, vector<1x16xf32>,
    %swap3A_367 = arith.constant 7 : i32
    %swap3A_368 = arith.index_cast %swap3A_367 : i32 to index
    %swap3A_369 = arith.constant 80 : index
    %swap3A_370 = tpu.vector_load %arg11[%swap3A_368, %swap3A_369] {strides = array<i32>} : memref<8x128xf32, #tpu.memory_space<vmem>>, vector<1x16xf32>,
    %swap3A_371 = vector.shape_cast %swap3A_370 : vector<1x16xf32> to vector<16xf32>
    %swap3A_372 = vector.shape_cast %broadcast_in_dim3A_1 : vector<16xf32> to vector<1x16xf32>
    tpu.vector_store %arg11[%swap3A_368, %swap3A_369], %swap3A_372 {strides = array<i32>} : memref<8x128xf32, #tpu.memory_space<vmem>>, vector<1x16xf32>,
    %swap3A_373 = arith.constant 7 : i32
    %swap3A_374 = arith.index_cast %swap3A_373 : i32 to index
    %swap3A_375 = arith.constant 96 : index
    %swap3A_376 = tpu.vector_load %arg11[%swap3A_374, %swap3A_375] {strides = array<i32>} : memref<8x128xf32, #tpu.memory_space<vmem>>, vector<1x16xf32>,
    %swap3A_377 = vector.shape_cast %swap3A_376 : vector<1x16xf32> to vector<16xf32>
    %swap3A_378 = vector.shape_cast %broadcast_in_dim3A_1 : vector<16xf32> to vector<1x16xf32>
    tpu.vector_store %arg11[%swap3A_374, %swap3A_375], %swap3A_378 {strides = array<i32>} : memref<8x128xf32, #tpu.memory_space<vmem>>, vector<1x16xf32>,
    %swap3A_379 = arith.constant 7 : i32
    %swap3A_380 = arith.index_cast %swap3A_379 : i32 to index
    %swap3A_381 = arith.constant 112 : index
    %swap3A_382 = tpu.vector_load %arg11[%swap3A_380, %swap3A_381] {strides = array<i32>} : memref<8x128xf32, #tpu.memory_space<vmem>>, vector<1x16xf32>,
    %swap3A_383 = vector.shape_cast %swap3A_382 : vector<1x16xf32> to vector<16xf32>
    %swap3A_384 = vector.shape_cast %broadcast_in_dim3A_1 : vector<16xf32> to vector<1x16xf32>
    tpu.vector_store %arg11[%swap3A_380, %swap3A_381], %swap3A_384 {strides = array<i32>} : memref<8x128xf32, #tpu.memory_space<vmem>>, vector<1x16xf32>,
    %scan3A = arith.constant 0 : i32
    %scan3A_385 = arith.constant 0 : i32
    %scan3A_386 = arith.constant 80 : i32
    %scan3A_387 = arith.addi %scan3A_385, %scan3A_386 : i32
    %scan3A_388 = arith.constant 1 : i32
    scf.for %scan3A_435 = %scan3A_385 to %scan3A_387 step %scan3A_388  : i32 {
      %mul3A_436 = arith.constant 640 : i32
      %mul3A_437 = arith.muli %arg1, %mul3A_436 : i32
      %mul3A_438 = arith.constant 8 : i32
      %mul3A_439 = arith.muli %scan3A_435, %mul3A_438 : i32
      %add3A_440 = arith.addi %mul3A_437, %mul3A_439 : i32
      %dma_start3A_441 = arith.constant 0 : i32
      %dma_start3A_442 = tpu.memref_slice %arg17[%add3A_440, %dma_start3A_441] : memref<10240x128xf32, #tpu.memory_space<vmem_shared>> -> memref<8x128xf32, #tpu.memory_space<vmem_shared>>
      %dma_start3A_443 = arith.constant 0 : i32
      %dma_start3A_444 = tpu.memref_slice %arg17[%add3A_440, %dma_start3A_443] : memref<10240x128xf32, #tpu.memory_space<vmem_shared>> -> memref<8x128xf32, #tpu.memory_space<vmem_shared>>
      tpu.enqueue_dma source(%arg11 : memref<8x128xf32, #tpu.memory_space<vmem>>) target(%dma_start3A_444 : memref<8x128xf32, #tpu.memory_space<vmem_shared>>) target_semaphore(%arg16 : memref<!tpu.dma_semaphore, #tpu.memory_space<semaphore_mem>>)
    }
    %scan3A_389 = arith.constant 80 : i32
    "tpu.region"() ({
      %run_scoped3A = tpu.sem_alloc : memref<!tpu.dma_semaphore, #tpu.memory_space<semaphore_mem>>
      %dma_start3A_435 = arith.constant 0 : i32
      %dma_start3A_436 = arith.constant 0 : i32
      %dma_start3A_437 = tpu.memref_slice %arg3[%add3A, %dma_start3A_435, %dma_start3A_436] : memref<32x80x128xi32, #tpu.memory_space<hbm>> -> memref<1x80x128xi32, #tpu.memory_space<hbm>>
      %dma_start3A_438 = tpu.memref_squeeze %dma_start3A_437 : memref<1x80x128xi32, #tpu.memory_space<hbm>> -> memref<80x128xi32, #tpu.memory_space<hbm>>
      %dma_start3A_439 = arith.constant 0 : i32
      %dma_start3A_440 = arith.constant 0 : i32
      %dma_start3A_441 = tpu.memref_slice %arg3[%add3A, %dma_start3A_439, %dma_start3A_440] : memref<32x80x128xi32, #tpu.memory_space<hbm>> -> memref<1x80x128xi32, #tpu.memory_space<hbm>>
      %dma_start3A_442 = tpu.memref_squeeze %dma_start3A_441 : memref<1x80x128xi32, #tpu.memory_space<hbm>> -> memref<80x128xi32, #tpu.memory_space<hbm>>
      tpu.enqueue_dma source(%dma_start3A_442 : memref<80x128xi32, #tpu.memory_space<hbm>>) target(%arg6 : memref<80x128xi32, #tpu.memory_space<vmem>>) target_semaphore(%run_scoped3A : memref<!tpu.dma_semaphore, #tpu.memory_space<semaphore_mem>>)
      %dma_wait3A = arith.constant 0 : i32
      %dma_wait3A_443 = arith.constant 0 : i32
      %dma_wait3A_444 = tpu.memref_slice %arg3[%add3A, %dma_wait3A, %dma_wait3A_443] : memref<32x80x128xi32, #tpu.memory_space<hbm>> -> memref<1x80x128xi32, #tpu.memory_space<hbm>>
      %dma_wait3A_445 = tpu.memref_squeeze %dma_wait3A_444 : memref<1x80x128xi32, #tpu.memory_space<hbm>> -> memref<80x128xi32, #tpu.memory_space<hbm>>
      %dma_wait3A_446 = arith.constant 0 : i32
      %dma_wait3A_447 = arith.constant 0 : i32
      %dma_wait3A_448 = tpu.memref_slice %arg3[%add3A, %dma_wait3A_446, %dma_wait3A_447] : memref<32x80x128xi32, #tpu.memory_space<hbm>> -> memref<1x80x128xi32, #tpu.memory_space<hbm>>
      %dma_wait3A_449 = tpu.memref_squeeze %dma_wait3A_448 : memref<1x80x128xi32, #tpu.memory_space<hbm>> -> memref<80x128xi32, #tpu.memory_space<hbm>>
      tpu.wait_dma2 semaphore(%run_scoped3A : memref<!tpu.dma_semaphore, #tpu.memory_space<semaphore_mem>>) src(%dma_wait3A_449 : memref<80x128xi32, #tpu.memory_space<hbm>>) dst(%arg6 : memref<80x128xi32, #tpu.memory_space<vmem>>)
      tpu.yield
    }) : () -> ()
    %mul3A_390 = arith.constant 80 : i32
    %mul3A_391 = arith.muli %add3A, %mul3A_390 : i32
    %dma_start3A = arith.constant 0 : i32
    %dma_start3A_392 = tpu.memref_slice %arg4[%mul3A_391, %dma_start3A] : memref<2560x128xi32, #tpu.memory_space<hbm>> -> memref<8x128xi32, #tpu.memory_space<hbm>>
    %dma_start3A_393 = arith.constant 0 : i32
    %dma_start3A_394 = tpu.memref_slice %arg4[%mul3A_391, %dma_start3A_393] : memref<2560x128xi32, #tpu.memory_space<hbm>> -> memref<8x128xi32, #tpu.memory_space<hbm>>
    tpu.enqueue_dma source(%dma_start3A_394 : memref<8x128xi32, #tpu.memory_space<hbm>>) target(%arg7 : memref<8x128xi32, #tpu.memory_space<vmem>>) target_semaphore(%arg14 : memref<!tpu.dma_semaphore, #tpu.memory_space<semaphore_mem>>)
    %add3A_395 = arith.constant 8 : i32
    %add3A_396 = arith.addi %mul3A_391, %add3A_395 : i32
    %dma_start3A_397 = arith.constant 0 : i32
    %dma_start3A_398 = tpu.memref_slice %arg4[%add3A_396, %dma_start3A_397] : memref<2560x128xi32, #tpu.memory_space<hbm>> -> memref<8x128xi32, #tpu.memory_space<hbm>>
    %dma_start3A_399 = arith.constant 0 : i32
    %dma_start3A_400 = tpu.memref_slice %arg4[%add3A_396, %dma_start3A_399] : memref<2560x128xi32, #tpu.memory_space<hbm>> -> memref<8x128xi32, #tpu.memory_space<hbm>>
    tpu.enqueue_dma source(%dma_start3A_400 : memref<8x128xi32, #tpu.memory_space<hbm>>) target(%arg8 : memref<8x128xi32, #tpu.memory_space<vmem>>) target_semaphore(%arg15 : memref<!tpu.dma_semaphore, #tpu.memory_space<semaphore_mem>>)
    %dma_start3A_401 = arith.constant 0 : i32
    %dma_start3A_402 = arith.constant 0 : i32
    %dma_start3A_403 = tpu.memref_slice %arg6[%dma_start3A_401, %dma_start3A_402] : memref<80x128xi32, #tpu.memory_space<vmem>> -> memref<1x128xi32, #tpu.memory_space<vmem>>
    %dma_start3A_404 = tpu.memref_squeeze %dma_start3A_403 : memref<1x128xi32, #tpu.memory_space<vmem>> -> memref<128xi32, #tpu.memory_space<vmem>>
    %dma_start3A_405 = arith.constant 0 : i32
    %dma_start3A_406 = arith.constant 0 : i32
    %dma_start3A_407 = tpu.memref_slice %arg2[%dma_start3A_405, %dma_start3A_406] : memref<10000x128xf32, #tpu.memory_space<hbm>> -> memref<10000x128xf32, #tpu.memory_space<hbm>>
    tpu.enqueue_indirect_dma source(%dma_start3A_407 : memref<10000x128xf32, #tpu.memory_space<hbm>>) target(%arg9 : memref<128x128xf32, #tpu.memory_space<vmem>>) offsets(%dma_start3A_404 : memref<128xi32, #tpu.memory_space<vmem>>) semaphore(%arg12 : memref<!tpu.dma_semaphore, #tpu.memory_space<semaphore_mem>>)
    %dma_start3A_408 = arith.constant 1 : i32
    %dma_start3A_409 = arith.constant 0 : i32
    %dma_start3A_410 = tpu.memref_slice %arg6[%dma_start3A_408, %dma_start3A_409] : memref<80x128xi32, #tpu.memory_space<vmem>> -> memref<1x128xi32, #tpu.memory_space<vmem>>
    %dma_start3A_411 = tpu.memref_squeeze %dma_start3A_410 : memref<1x128xi32, #tpu.memory_space<vmem>> -> memref<128xi32, #tpu.memory_space<vmem>>
    %dma_start3A_412 = arith.constant 0 : i32
    %dma_start3A_413 = arith.constant 0 : i32
    %dma_start3A_414 = tpu.memref_slice %arg2[%dma_start3A_412, %dma_start3A_413] : memref<10000x128xf32, #tpu.memory_space<hbm>> -> memref<10000x128xf32, #tpu.memory_space<hbm>>
    tpu.enqueue_indirect_dma source(%dma_start3A_414 : memref<10000x128xf32, #tpu.memory_space<hbm>>) target(%arg10 : memref<128x128xf32, #tpu.memory_space<vmem>>) offsets(%dma_start3A_411 : memref<128xi32, #tpu.memory_space<vmem>>) semaphore(%arg13 : memref<!tpu.dma_semaphore, #tpu.memory_space<semaphore_mem>>)
    %scan3A_415 = arith.constant 0 : i32
    %scan3A_416 = arith.constant 0 : i32
    %scan3A_417 = arith.constant 80 : i32
    %scan3A_418 = arith.addi %scan3A_416, %scan3A_417 : i32
    %scan3A_419 = arith.constant 1 : i32
    scf.for %scan3A_435 = %scan3A_416 to %scan3A_418 step %scan3A_419  : i32 {
      %mul3A_436 = arith.constant 640 : i32
      %mul3A_437 = arith.muli %arg1, %mul3A_436 : i32
      %mul3A_438 = arith.constant 8 : i32
      %mul3A_439 = arith.muli %scan3A_435, %mul3A_438 : i32
      %add3A_440 = arith.addi %mul3A_437, %mul3A_439 : i32
      %dma_wait3A = arith.constant 0 : i32
      %dma_wait3A_441 = tpu.memref_slice %arg17[%add3A_440, %dma_wait3A] : memref<10240x128xf32, #tpu.memory_space<vmem_shared>> -> memref<8x128xf32, #tpu.memory_space<vmem_shared>>
      %dma_wait3A_442 = arith.constant 0 : i32
      %dma_wait3A_443 = tpu.memref_slice %arg17[%add3A_440, %dma_wait3A_442] : memref<10240x128xf32, #tpu.memory_space<vmem_shared>> -> memref<8x128xf32, #tpu.memory_space<vmem_shared>>
      tpu.wait_dma2 semaphore(%arg16 : memref<!tpu.dma_semaphore, #tpu.memory_space<semaphore_mem>>) src(%arg11 : memref<8x128xf32, #tpu.memory_space<vmem>>) dst(%dma_wait3A_443 : memref<8x128xf32, #tpu.memory_space<vmem_shared>>)
    }
    %scan3A_420 = arith.constant 80 : i32
    %barrier3A = arith.constant 0 : index
    tpu.barrier barrier_id(%barrier3A)
    %scan3A_421 = arith.constant 0 : i32
    %scan3A_422 = arith.constant 0 : i32
    %scan3A_423 = arith.constant 5 : i32
    %scan3A_424 = arith.addi %scan3A_422, %scan3A_423 : i32
    %scan3A_425 = arith.constant 1 : i32
    scf.for %scan3A_435 = %scan3A_422 to %scan3A_424 step %scan3A_425  : i32 {
      %mul3A_436 = arith.constant 2 : i32
      %mul3A_437 = arith.muli %mul3A_436, %scan3A_435 : i32
      %add3A_438 = arith.constant 0 : i32
      %add3A_439 = arith.addi %mul3A_437, %add3A_438 : i32
      %mul3A_440 = arith.constant 8 : i32
      %mul3A_441 = arith.muli %mul3A_440, %add3A_439 : i32
      %add3A_442 = arith.addi %mul3A_391, %mul3A_441 : i32
      %dma_wait3A = arith.constant 0 : i32
      %dma_wait3A_443 = tpu.memref_slice %arg4[%add3A_442, %dma_wait3A] : memref<2560x128xi32, #tpu.memory_space<hbm>> -> memref<8x128xi32, #tpu.memory_space<hbm>>
      %dma_wait3A_444 = arith.constant 0 : i32
      %dma_wait3A_445 = tpu.memref_slice %arg4[%add3A_442, %dma_wait3A_444] : memref<2560x128xi32, #tpu.memory_space<hbm>> -> memref<8x128xi32, #tpu.memory_space<hbm>>
      tpu.wait_dma2 semaphore(%arg14 : memref<!tpu.dma_semaphore, #tpu.memory_space<semaphore_mem>>) src(%dma_wait3A_445 : memref<8x128xi32, #tpu.memory_space<hbm>>) dst(%arg7 : memref<8x128xi32, #tpu.memory_space<vmem>>)
      %scan3A_446 = arith.constant 0 : i32
      %scan3A_447 = arith.constant 0 : i32
      %scan3A_448 = arith.constant 4 : i32
      %scan3A_449 = arith.addi %scan3A_447, %scan3A_448 : i32
      %scan3A_450 = arith.constant 1 : i32
      scf.for %scan3A_480 = %scan3A_447 to %scan3A_449 step %scan3A_450  : i32 {
        %mul3A_481 = arith.constant 2 : i32
        %mul3A_482 = arith.muli %mul3A_481, %scan3A_480 : i32
        %add3A_483 = arith.constant 0 : i32
        %add3A_484 = arith.addi %mul3A_482, %add3A_483 : i32
        %mul3A_485 = arith.constant 8 : i32
        %mul3A_486 = arith.muli %mul3A_485, %add3A_439 : i32
        %add3A_487 = arith.addi %mul3A_486, %add3A_484 : i32
        %dma_wait3A_488 = arith.constant 0 : i32
        %dma_wait3A_489 = tpu.memref_slice %arg6[%add3A_487, %dma_wait3A_488] : memref<80x128xi32, #tpu.memory_space<vmem>> -> memref<1x128xi32, #tpu.memory_space<vmem>>
        %dma_wait3A_490 = tpu.memref_squeeze %dma_wait3A_489 : memref<1x128xi32, #tpu.memory_space<vmem>> -> memref<128xi32, #tpu.memory_space<vmem>>
        %dma_wait3A_491 = arith.constant 0 : i32
        %dma_wait3A_492 = arith.constant 0 : i32
        %dma_wait3A_493 = tpu.memref_slice %arg2[%dma_wait3A_491, %dma_wait3A_492] : memref<10000x128xf32, #tpu.memory_space<hbm>> -> memref<10000x128xf32, #tpu.memory_space<hbm>>
        tpu.wait_indirect_dma semaphore(%arg12 : memref<!tpu.dma_semaphore, #tpu.memory_space<semaphore_mem>>) src(%dma_wait3A_493 : memref<10000x128xf32, #tpu.memory_space<hbm>>) dst(%arg9 : memref<128x128xf32, #tpu.memory_space<vmem>>)
        "tpu.region"() ({
          %run_scoped3A = tpu.sem_alloc : memref<!tpu.dma_semaphore, #tpu.memory_space<semaphore_mem>>
          %dma_start3A_521 = arith.constant 0 : i32
          %dma_start3A_522 = tpu.memref_slice %arg7[%add3A_484, %dma_start3A_521] : memref<8x128xi32, #tpu.memory_space<vmem>> -> memref<1x128xi32, #tpu.memory_space<vmem>>
          %dma_start3A_523 = tpu.memref_squeeze %dma_start3A_522 : memref<1x128xi32, #tpu.memory_space<vmem>> -> memref<128xi32, #tpu.memory_space<vmem>>
          %dma_start3A_524 = arith.constant 0 : i32
          %dma_start3A_525 = arith.constant 0 : i32
          %dma_start3A_526 = tpu.memref_slice %arg17[%dma_start3A_524, %dma_start3A_525] : memref<10240x128xf32, #tpu.memory_space<vmem_shared>> -> memref<10240x128xf32, #tpu.memory_space<vmem_shared>>
          tpu.enqueue_indirect_dma source(%arg9 : memref<128x128xf32, #tpu.memory_space<vmem>>) target(%dma_start3A_526 : memref<10240x128xf32, #tpu.memory_space<vmem_shared>>) offsets(%dma_start3A_523 : memref<128xi32, #tpu.memory_space<vmem>>) semaphore(%run_scoped3A : memref<!tpu.dma_semaphore, #tpu.memory_space<semaphore_mem>>) {add = true}
          %dma_wait3A_527 = arith.constant 0 : i32
          %dma_wait3A_528 = tpu.memref_slice %arg7[%add3A_484, %dma_wait3A_527] : memref<8x128xi32, #tpu.memory_space<vmem>> -> memref<1x128xi32, #tpu.memory_space<vmem>>
          %dma_wait3A_529 = tpu.memref_squeeze %dma_wait3A_528 : memref<1x128xi32, #tpu.memory_space<vmem>> -> memref<128xi32, #tpu.memory_space<vmem>>
          %dma_wait3A_530 = arith.constant 0 : i32
          %dma_wait3A_531 = arith.constant 0 : i32
          %dma_wait3A_532 = tpu.memref_slice %arg17[%dma_wait3A_530, %dma_wait3A_531] : memref<10240x128xf32, #tpu.memory_space<vmem_shared>> -> memref<10240x128xf32, #tpu.memory_space<vmem_shared>>
          tpu.wait_indirect_dma semaphore(%run_scoped3A : memref<!tpu.dma_semaphore, #tpu.memory_space<semaphore_mem>>) src(%arg9 : memref<128x128xf32, #tpu.memory_space<vmem>>) dst(%dma_wait3A_532 : memref<10240x128xf32, #tpu.memory_space<vmem_shared>>)
          tpu.yield
        }) : () -> ()
        %add3A_494 = arith.constant 2 : i32
        %add3A_495 = arith.addi %add3A_487, %add3A_494 : i32
        %lt3A_496 = arith.constant 80 : i32
        %lt3A_497 = arith.cmpi slt, %add3A_495, %lt3A_496 : i32
        %convert_element_type3A_498 = arith.extui %lt3A_497 : i1 to i32
        %cond3A_499 = arith.constant 0 : i32
        %cond3A_500 = arith.cmpi ne, %convert_element_type3A_498, %cond3A_499 : i32
        scf.if %cond3A_500 {
          %add3A_521 = arith.constant 2 : i32
          %add3A_522 = arith.addi %add3A_487, %add3A_521 : i32
          %dma_start3A_523 = arith.constant 0 : i32
          %dma_start3A_524 = tpu.memref_slice %arg6[%add3A_522, %dma_start3A_523] : memref<80x128xi32, #tpu.memory_space<vmem>> -> memref<1x128xi32, #tpu.memory_space<vmem>>
          %dma_start3A_525 = tpu.memref_squeeze %dma_start3A_524 : memref<1x128xi32, #tpu.memory_space<vmem>> -> memref<128xi32, #tpu.memory_space<vmem>>
          %dma_start3A_526 = arith.constant 0 : i32
          %dma_start3A_527 = arith.constant 0 : i32
          %dma_start3A_528 = tpu.memref_slice %arg2[%dma_start3A_526, %dma_start3A_527] : memref<10000x128xf32, #tpu.memory_space<hbm>> -> memref<10000x128xf32, #tpu.memory_space<hbm>>
          tpu.enqueue_indirect_dma source(%dma_start3A_528 : memref<10000x128xf32, #tpu.memory_space<hbm>>) target(%arg9 : memref<128x128xf32, #tpu.memory_space<vmem>>) offsets(%dma_start3A_525 : memref<128xi32, #tpu.memory_space<vmem>>) semaphore(%arg12 : memref<!tpu.dma_semaphore, #tpu.memory_space<semaphore_mem>>)
        } else {
        }
        %mul3A_501 = arith.constant 2 : i32
        %mul3A_502 = arith.muli %mul3A_501, %scan3A_480 : i32
        %add3A_503 = arith.constant 1 : i32
        %add3A_504 = arith.addi %mul3A_502, %add3A_503 : i32
        %mul3A_505 = arith.constant 8 : i32
        %mul3A_506 = arith.muli %mul3A_505, %add3A_439 : i32
        %add3A_507 = arith.addi %mul3A_506, %add3A_504 : i32
        %dma_wait3A_508 = arith.constant 0 : i32
        %dma_wait3A_509 = tpu.memref_slice %arg6[%add3A_507, %dma_wait3A_508] : memref<80x128xi32, #tpu.memory_space<vmem>> -> memref<1x128xi32, #tpu.memory_space<vmem>>
        %dma_wait3A_510 = tpu.memref_squeeze %dma_wait3A_509 : memref<1x128xi32, #tpu.memory_space<vmem>> -> memref<128xi32, #tpu.memory_space<vmem>>
        %dma_wait3A_511 = arith.constant 0 : i32
        %dma_wait3A_512 = arith.constant 0 : i32
        %dma_wait3A_513 = tpu.memref_slice %arg2[%dma_wait3A_511, %dma_wait3A_512] : memref<10000x128xf32, #tpu.memory_space<hbm>> -> memref<10000x128xf32, #tpu.memory_space<hbm>>
        tpu.wait_indirect_dma semaphore(%arg13 : memref<!tpu.dma_semaphore, #tpu.memory_space<semaphore_mem>>) src(%dma_wait3A_513 : memref<10000x128xf32, #tpu.memory_space<hbm>>) dst(%arg10 : memref<128x128xf32, #tpu.memory_space<vmem>>)
        "tpu.region"() ({
          %run_scoped3A = tpu.sem_alloc : memref<!tpu.dma_semaphore, #tpu.memory_space<semaphore_mem>>
          %dma_start3A_521 = arith.constant 0 : i32
          %dma_start3A_522 = tpu.memref_slice %arg7[%add3A_504, %dma_start3A_521] : memref<8x128xi32, #tpu.memory_space<vmem>> -> memref<1x128xi32, #tpu.memory_space<vmem>>
          %dma_start3A_523 = tpu.memref_squeeze %dma_start3A_522 : memref<1x128xi32, #tpu.memory_space<vmem>> -> memref<128xi32, #tpu.memory_space<vmem>>
          %dma_start3A_524 = arith.constant 0 : i32
          %dma_start3A_525 = arith.constant 0 : i32
          %dma_start3A_526 = tpu.memref_slice %arg17[%dma_start3A_524, %dma_start3A_525] : memref<10240x128xf32, #tpu.memory_space<vmem_shared>> -> memref<10240x128xf32, #tpu.memory_space<vmem_shared>>
          tpu.enqueue_indirect_dma source(%arg10 : memref<128x128xf32, #tpu.memory_space<vmem>>) target(%dma_start3A_526 : memref<10240x128xf32, #tpu.memory_space<vmem_shared>>) offsets(%dma_start3A_523 : memref<128xi32, #tpu.memory_space<vmem>>) semaphore(%run_scoped3A : memref<!tpu.dma_semaphore, #tpu.memory_space<semaphore_mem>>) {add = true}
          %dma_wait3A_527 = arith.constant 0 : i32
          %dma_wait3A_528 = tpu.memref_slice %arg7[%add3A_504, %dma_wait3A_527] : memref<8x128xi32, #tpu.memory_space<vmem>> -> memref<1x128xi32, #tpu.memory_space<vmem>>
          %dma_wait3A_529 = tpu.memref_squeeze %dma_wait3A_528 : memref<1x128xi32, #tpu.memory_space<vmem>> -> memref<128xi32, #tpu.memory_space<vmem>>
          %dma_wait3A_530 = arith.constant 0 : i32
          %dma_wait3A_531 = arith.constant 0 : i32
          %dma_wait3A_532 = tpu.memref_slice %arg17[%dma_wait3A_530, %dma_wait3A_531] : memref<10240x128xf32, #tpu.memory_space<vmem_shared>> -> memref<10240x128xf32, #tpu.memory_space<vmem_shared>>
          tpu.wait_indirect_dma semaphore(%run_scoped3A : memref<!tpu.dma_semaphore, #tpu.memory_space<semaphore_mem>>) src(%arg10 : memref<128x128xf32, #tpu.memory_space<vmem>>) dst(%dma_wait3A_532 : memref<10240x128xf32, #tpu.memory_space<vmem_shared>>)
          tpu.yield
        }) : () -> ()
        %add3A_514 = arith.constant 2 : i32
        %add3A_515 = arith.addi %add3A_507, %add3A_514 : i32
        %lt3A_516 = arith.constant 80 : i32
        %lt3A_517 = arith.cmpi slt, %add3A_515, %lt3A_516 : i32
        %convert_element_type3A_518 = arith.extui %lt3A_517 : i1 to i32
        %cond3A_519 = arith.constant 0 : i32
        %cond3A_520 = arith.cmpi ne, %convert_element_type3A_518, %cond3A_519 : i32
        scf.if %cond3A_520 {
          %add3A_521 = arith.constant 2 : i32
          %add3A_522 = arith.addi %add3A_507, %add3A_521 : i32
          %dma_start3A_523 = arith.constant 0 : i32
          %dma_start3A_524 = tpu.memref_slice %arg6[%add3A_522, %dma_start3A_523] : memref<80x128xi32, #tpu.memory_space<vmem>> -> memref<1x128xi32, #tpu.memory_space<vmem>>
          %dma_start3A_525 = tpu.memref_squeeze %dma_start3A_524 : memref<1x128xi32, #tpu.memory_space<vmem>> -> memref<128xi32, #tpu.memory_space<vmem>>
          %dma_start3A_526 = arith.constant 0 : i32
          %dma_start3A_527 = arith.constant 0 : i32
          %dma_start3A_528 = tpu.memref_slice %arg2[%dma_start3A_526, %dma_start3A_527] : memref<10000x128xf32, #tpu.memory_space<hbm>> -> memref<10000x128xf32, #tpu.memory_space<hbm>>
          tpu.enqueue_indirect_dma source(%dma_start3A_528 : memref<10000x128xf32, #tpu.memory_space<hbm>>) target(%arg10 : memref<128x128xf32, #tpu.memory_space<vmem>>) offsets(%dma_start3A_525 : memref<128xi32, #tpu.memory_space<vmem>>) semaphore(%arg13 : memref<!tpu.dma_semaphore, #tpu.memory_space<semaphore_mem>>)
        } else {
        }
      }
      %scan3A_451 = arith.constant 4 : i32
      %add3A_452 = arith.constant 2 : i32
      %add3A_453 = arith.addi %add3A_439, %add3A_452 : i32
      %lt3A = arith.constant 10 : i32
      %lt3A_454 = arith.cmpi slt, %add3A_453, %lt3A : i32
      %convert_element_type3A = arith.extui %lt3A_454 : i1 to i32
      %cond3A = arith.constant 0 : i32
      %cond3A_455 = arith.cmpi ne, %convert_element_type3A, %cond3A : i32
      scf.if %cond3A_455 {
        %add3A_480 = arith.constant 2 : i32
        %add3A_481 = arith.addi %add3A_439, %add3A_480 : i32
        %mul3A_482 = arith.constant 8 : i32
        %mul3A_483 = arith.muli %mul3A_482, %add3A_481 : i32
        %add3A_484 = arith.addi %mul3A_391, %mul3A_483 : i32
        %dma_start3A_485 = arith.constant 0 : i32
        %dma_start3A_486 = tpu.memref_slice %arg4[%add3A_484, %dma_start3A_485] : memref<2560x128xi32, #tpu.memory_space<hbm>> -> memref<8x128xi32, #tpu.memory_space<hbm>>
        %dma_start3A_487 = arith.constant 0 : i32
        %dma_start3A_488 = tpu.memref_slice %arg4[%add3A_484, %dma_start3A_487] : memref<2560x128xi32, #tpu.memory_space<hbm>> -> memref<8x128xi32, #tpu.memory_space<hbm>>
        tpu.enqueue_dma source(%dma_start3A_488 : memref<8x128xi32, #tpu.memory_space<hbm>>) target(%arg7 : memref<8x128xi32, #tpu.memory_space<vmem>>) target_semaphore(%arg14 : memref<!tpu.dma_semaphore, #tpu.memory_space<semaphore_mem>>)
      } else {
      }
      %mul3A_456 = arith.constant 2 : i32
      %mul3A_457 = arith.muli %mul3A_456, %scan3A_435 : i32
      %add3A_458 = arith.constant 1 : i32
      %add3A_459 = arith.addi %mul3A_457, %add3A_458 : i32
      %mul3A_460 = arith.constant 8 : i32
      %mul3A_461 = arith.muli %mul3A_460, %add3A_459 : i32
      %add3A_462 = arith.addi %mul3A_391, %mul3A_461 : i32
      %dma_wait3A_463 = arith.constant 0 : i32
      %dma_wait3A_464 = tpu.memref_slice %arg4[%add3A_462, %dma_wait3A_463] : memref<2560x128xi32, #tpu.memory_space<hbm>> -> memref<8x128xi32, #tpu.memory_space<hbm>>
      %dma_wait3A_465 = arith.constant 0 : i32
      %dma_wait3A_466 = tpu.memref_slice %arg4[%add3A_462, %dma_wait3A_465] : memref<2560x128xi32, #tpu.memory_space<hbm>> -> memref<8x128xi32, #tpu.memory_space<hbm>>
      tpu.wait_dma2 semaphore(%arg15 : memref<!tpu.dma_semaphore, #tpu.memory_space<semaphore_mem>>) src(%dma_wait3A_466 : memref<8x128xi32, #tpu.memory_space<hbm>>) dst(%arg8 : memref<8x128xi32, #tpu.memory_space<vmem>>)
      %scan3A_467 = arith.constant 0 : i32
      %scan3A_468 = arith.constant 0 : i32
      %scan3A_469 = arith.constant 4 : i32
      %scan3A_470 = arith.addi %scan3A_468, %scan3A_469 : i32
      %scan3A_471 = arith.constant 1 : i32
      scf.for %scan3A_480 = %scan3A_468 to %scan3A_470 step %scan3A_471  : i32 {
        %mul3A_481 = arith.constant 2 : i32
        %mul3A_482 = arith.muli %mul3A_481, %scan3A_480 : i32
        %add3A_483 = arith.constant 0 : i32
        %add3A_484 = arith.addi %mul3A_482, %add3A_483 : i32
        %mul3A_485 = arith.constant 8 : i32
        %mul3A_486 = arith.muli %mul3A_485, %add3A_459 : i32
        %add3A_487 = arith.addi %mul3A_486, %add3A_484 : i32
        %dma_wait3A_488 = arith.constant 0 : i32
        %dma_wait3A_489 = tpu.memref_slice %arg6[%add3A_487, %dma_wait3A_488] : memref<80x128xi32, #tpu.memory_space<vmem>> -> memref<1x128xi32, #tpu.memory_space<vmem>>
        %dma_wait3A_490 = tpu.memref_squeeze %dma_wait3A_489 : memref<1x128xi32, #tpu.memory_space<vmem>> -> memref<128xi32, #tpu.memory_space<vmem>>
        %dma_wait3A_491 = arith.constant 0 : i32
        %dma_wait3A_492 = arith.constant 0 : i32
        %dma_wait3A_493 = tpu.memref_slice %arg2[%dma_wait3A_491, %dma_wait3A_492] : memref<10000x128xf32, #tpu.memory_space<hbm>> -> memref<10000x128xf32, #tpu.memory_space<hbm>>
        tpu.wait_indirect_dma semaphore(%arg12 : memref<!tpu.dma_semaphore, #tpu.memory_space<semaphore_mem>>) src(%dma_wait3A_493 : memref<10000x128xf32, #tpu.memory_space<hbm>>) dst(%arg9 : memref<128x128xf32, #tpu.memory_space<vmem>>)
        "tpu.region"() ({
          %run_scoped3A = tpu.sem_alloc : memref<!tpu.dma_semaphore, #tpu.memory_space<semaphore_mem>>
          %dma_start3A_521 = arith.constant 0 : i32
          %dma_start3A_522 = tpu.memref_slice %arg8[%add3A_484, %dma_start3A_521] : memref<8x128xi32, #tpu.memory_space<vmem>> -> memref<1x128xi32, #tpu.memory_space<vmem>>
          %dma_start3A_523 = tpu.memref_squeeze %dma_start3A_522 : memref<1x128xi32, #tpu.memory_space<vmem>> -> memref<128xi32, #tpu.memory_space<vmem>>
          %dma_start3A_524 = arith.constant 0 : i32
          %dma_start3A_525 = arith.constant 0 : i32
          %dma_start3A_526 = tpu.memref_slice %arg17[%dma_start3A_524, %dma_start3A_525] : memref<10240x128xf32, #tpu.memory_space<vmem_shared>> -> memref<10240x128xf32, #tpu.memory_space<vmem_shared>>
          tpu.enqueue_indirect_dma source(%arg9 : memref<128x128xf32, #tpu.memory_space<vmem>>) target(%dma_start3A_526 : memref<10240x128xf32, #tpu.memory_space<vmem_shared>>) offsets(%dma_start3A_523 : memref<128xi32, #tpu.memory_space<vmem>>) semaphore(%run_scoped3A : memref<!tpu.dma_semaphore, #tpu.memory_space<semaphore_mem>>) {add = true}
          %dma_wait3A_527 = arith.constant 0 : i32
          %dma_wait3A_528 = tpu.memref_slice %arg8[%add3A_484, %dma_wait3A_527] : memref<8x128xi32, #tpu.memory_space<vmem>> -> memref<1x128xi32, #tpu.memory_space<vmem>>
          %dma_wait3A_529 = tpu.memref_squeeze %dma_wait3A_528 : memref<1x128xi32, #tpu.memory_space<vmem>> -> memref<128xi32, #tpu.memory_space<vmem>>
          %dma_wait3A_530 = arith.constant 0 : i32
          %dma_wait3A_531 = arith.constant 0 : i32
          %dma_wait3A_532 = tpu.memref_slice %arg17[%dma_wait3A_530, %dma_wait3A_531] : memref<10240x128xf32, #tpu.memory_space<vmem_shared>> -> memref<10240x128xf32, #tpu.memory_space<vmem_shared>>
          tpu.wait_indirect_dma semaphore(%run_scoped3A : memref<!tpu.dma_semaphore, #tpu.memory_space<semaphore_mem>>) src(%arg9 : memref<128x128xf32, #tpu.memory_space<vmem>>) dst(%dma_wait3A_532 : memref<10240x128xf32, #tpu.memory_space<vmem_shared>>)
          tpu.yield
        }) : () -> ()
        %add3A_494 = arith.constant 2 : i32
        %add3A_495 = arith.addi %add3A_487, %add3A_494 : i32
        %lt3A_496 = arith.constant 80 : i32
        %lt3A_497 = arith.cmpi slt, %add3A_495, %lt3A_496 : i32
        %convert_element_type3A_498 = arith.extui %lt3A_497 : i1 to i32
        %cond3A_499 = arith.constant 0 : i32
        %cond3A_500 = arith.cmpi ne, %convert_element_type3A_498, %cond3A_499 : i32
        scf.if %cond3A_500 {
          %add3A_521 = arith.constant 2 : i32
          %add3A_522 = arith.addi %add3A_487, %add3A_521 : i32
          %dma_start3A_523 = arith.constant 0 : i32
          %dma_start3A_524 = tpu.memref_slice %arg6[%add3A_522, %dma_start3A_523] : memref<80x128xi32, #tpu.memory_space<vmem>> -> memref<1x128xi32, #tpu.memory_space<vmem>>
          %dma_start3A_525 = tpu.memref_squeeze %dma_start3A_524 : memref<1x128xi32, #tpu.memory_space<vmem>> -> memref<128xi32, #tpu.memory_space<vmem>>
          %dma_start3A_526 = arith.constant 0 : i32
          %dma_start3A_527 = arith.constant 0 : i32
          %dma_start3A_528 = tpu.memref_slice %arg2[%dma_start3A_526, %dma_start3A_527] : memref<10000x128xf32, #tpu.memory_space<hbm>> -> memref<10000x128xf32, #tpu.memory_space<hbm>>
          tpu.enqueue_indirect_dma source(%dma_start3A_528 : memref<10000x128xf32, #tpu.memory_space<hbm>>) target(%arg9 : memref<128x128xf32, #tpu.memory_space<vmem>>) offsets(%dma_start3A_525 : memref<128xi32, #tpu.memory_space<vmem>>) semaphore(%arg12 : memref<!tpu.dma_semaphore, #tpu.memory_space<semaphore_mem>>)
        } else {
        }
        %mul3A_501 = arith.constant 2 : i32
        %mul3A_502 = arith.muli %mul3A_501, %scan3A_480 : i32
        %add3A_503 = arith.constant 1 : i32
        %add3A_504 = arith.addi %mul3A_502, %add3A_503 : i32
        %mul3A_505 = arith.constant 8 : i32
        %mul3A_506 = arith.muli %mul3A_505, %add3A_459 : i32
        %add3A_507 = arith.addi %mul3A_506, %add3A_504 : i32
        %dma_wait3A_508 = arith.constant 0 : i32
        %dma_wait3A_509 = tpu.memref_slice %arg6[%add3A_507, %dma_wait3A_508] : memref<80x128xi32, #tpu.memory_space<vmem>> -> memref<1x128xi32, #tpu.memory_space<vmem>>
        %dma_wait3A_510 = tpu.memref_squeeze %dma_wait3A_509 : memref<1x128xi32, #tpu.memory_space<vmem>> -> memref<128xi32, #tpu.memory_space<vmem>>
        %dma_wait3A_511 = arith.constant 0 : i32
        %dma_wait3A_512 = arith.constant 0 : i32
        %dma_wait3A_513 = tpu.memref_slice %arg2[%dma_wait3A_511, %dma_wait3A_512] : memref<10000x128xf32, #tpu.memory_space<hbm>> -> memref<10000x128xf32, #tpu.memory_space<hbm>>
        tpu.wait_indirect_dma semaphore(%arg13 : memref<!tpu.dma_semaphore, #tpu.memory_space<semaphore_mem>>) src(%dma_wait3A_513 : memref<10000x128xf32, #tpu.memory_space<hbm>>) dst(%arg10 : memref<128x128xf32, #tpu.memory_space<vmem>>)
        "tpu.region"() ({
          %run_scoped3A = tpu.sem_alloc : memref<!tpu.dma_semaphore, #tpu.memory_space<semaphore_mem>>
          %dma_start3A_521 = arith.constant 0 : i32
          %dma_start3A_522 = tpu.memref_slice %arg8[%add3A_504, %dma_start3A_521] : memref<8x128xi32, #tpu.memory_space<vmem>> -> memref<1x128xi32, #tpu.memory_space<vmem>>
          %dma_start3A_523 = tpu.memref_squeeze %dma_start3A_522 : memref<1x128xi32, #tpu.memory_space<vmem>> -> memref<128xi32, #tpu.memory_space<vmem>>
          %dma_start3A_524 = arith.constant 0 : i32
          %dma_start3A_525 = arith.constant 0 : i32
          %dma_start3A_526 = tpu.memref_slice %arg17[%dma_start3A_524, %dma_start3A_525] : memref<10240x128xf32, #tpu.memory_space<vmem_shared>> -> memref<10240x128xf32, #tpu.memory_space<vmem_shared>>
          tpu.enqueue_indirect_dma source(%arg10 : memref<128x128xf32, #tpu.memory_space<vmem>>) target(%dma_start3A_526 : memref<10240x128xf32, #tpu.memory_space<vmem_shared>>) offsets(%dma_start3A_523 : memref<128xi32, #tpu.memory_space<vmem>>) semaphore(%run_scoped3A : memref<!tpu.dma_semaphore, #tpu.memory_space<semaphore_mem>>) {add = true}
          %dma_wait3A_527 = arith.constant 0 : i32
          %dma_wait3A_528 = tpu.memref_slice %arg8[%add3A_504, %dma_wait3A_527] : memref<8x128xi32, #tpu.memory_space<vmem>> -> memref<1x128xi32, #tpu.memory_space<vmem>>
          %dma_wait3A_529 = tpu.memref_squeeze %dma_wait3A_528 : memref<1x128xi32, #tpu.memory_space<vmem>> -> memref<128xi32, #tpu.memory_space<vmem>>
          %dma_wait3A_530 = arith.constant 0 : i32
          %dma_wait3A_531 = arith.constant 0 : i32
          %dma_wait3A_532 = tpu.memref_slice %arg17[%dma_wait3A_530, %dma_wait3A_531] : memref<10240x128xf32, #tpu.memory_space<vmem_shared>> -> memref<10240x128xf32, #tpu.memory_space<vmem_shared>>
          tpu.wait_indirect_dma semaphore(%run_scoped3A : memref<!tpu.dma_semaphore, #tpu.memory_space<semaphore_mem>>) src(%arg10 : memref<128x128xf32, #tpu.memory_space<vmem>>) dst(%dma_wait3A_532 : memref<10240x128xf32, #tpu.memory_space<vmem_shared>>)
          tpu.yield
        }) : () -> ()
        %add3A_514 = arith.constant 2 : i32
        %add3A_515 = arith.addi %add3A_507, %add3A_514 : i32
        %lt3A_516 = arith.constant 80 : i32
        %lt3A_517 = arith.cmpi slt, %add3A_515, %lt3A_516 : i32
        %convert_element_type3A_518 = arith.extui %lt3A_517 : i1 to i32
        %cond3A_519 = arith.constant 0 : i32
        %cond3A_520 = arith.cmpi ne, %convert_element_type3A_518, %cond3A_519 : i32
        scf.if %cond3A_520 {
          %add3A_521 = arith.constant 2 : i32
          %add3A_522 = arith.addi %add3A_507, %add3A_521 : i32
          %dma_start3A_523 = arith.constant 0 : i32
          %dma_start3A_524 = tpu.memref_slice %arg6[%add3A_522, %dma_start3A_523] : memref<80x128xi32, #tpu.memory_space<vmem>> -> memref<1x128xi32, #tpu.memory_space<vmem>>
          %dma_start3A_525 = tpu.memref_squeeze %dma_start3A_524 : memref<1x128xi32, #tpu.memory_space<vmem>> -> memref<128xi32, #tpu.memory_space<vmem>>
          %dma_start3A_526 = arith.constant 0 : i32
          %dma_start3A_527 = arith.constant 0 : i32
          %dma_start3A_528 = tpu.memref_slice %arg2[%dma_start3A_526, %dma_start3A_527] : memref<10000x128xf32, #tpu.memory_space<hbm>> -> memref<10000x128xf32, #tpu.memory_space<hbm>>
          tpu.enqueue_indirect_dma source(%dma_start3A_528 : memref<10000x128xf32, #tpu.memory_space<hbm>>) target(%arg10 : memref<128x128xf32, #tpu.memory_space<vmem>>) offsets(%dma_start3A_525 : memref<128xi32, #tpu.memory_space<vmem>>) semaphore(%arg13 : memref<!tpu.dma_semaphore, #tpu.memory_space<semaphore_mem>>)
        } else {
        }
      }
      %scan3A_472 = arith.constant 4 : i32
      %add3A_473 = arith.constant 2 : i32
      %add3A_474 = arith.addi %add3A_459, %add3A_473 : i32
      %lt3A_475 = arith.constant 10 : i32
      %lt3A_476 = arith.cmpi slt, %add3A_474, %lt3A_475 : i32
      %convert_element_type3A_477 = arith.extui %lt3A_476 : i1 to i32
      %cond3A_478 = arith.constant 0 : i32
      %cond3A_479 = arith.cmpi ne, %convert_element_type3A_477, %cond3A_478 : i32
      scf.if %cond3A_479 {
        %add3A_480 = arith.constant 2 : i32
        %add3A_481 = arith.addi %add3A_459, %add3A_480 : i32
        %mul3A_482 = arith.constant 8 : i32
        %mul3A_483 = arith.muli %mul3A_482, %add3A_481 : i32
        %add3A_484 = arith.addi %mul3A_391, %mul3A_483 : i32
        %dma_start3A_485 = arith.constant 0 : i32
        %dma_start3A_486 = tpu.memref_slice %arg4[%add3A_484, %dma_start3A_485] : memref<2560x128xi32, #tpu.memory_space<hbm>> -> memref<8x128xi32, #tpu.memory_space<hbm>>
        %dma_start3A_487 = arith.constant 0 : i32
        %dma_start3A_488 = tpu.memref_slice %arg4[%add3A_484, %dma_start3A_487] : memref<2560x128xi32, #tpu.memory_space<hbm>> -> memref<8x128xi32, #tpu.memory_space<hbm>>
        tpu.enqueue_dma source(%dma_start3A_488 : memref<8x128xi32, #tpu.memory_space<hbm>>) target(%arg8 : memref<8x128xi32, #tpu.memory_space<vmem>>) target_semaphore(%arg15 : memref<!tpu.dma_semaphore, #tpu.memory_space<semaphore_mem>>)
      } else {
      }
    }
    %scan3A_426 = arith.constant 5 : i32
    %barrier3A_427 = arith.constant 0 : index
    tpu.barrier barrier_id(%barrier3A_427)
    %mul3A_428 = arith.constant 10240 : i32
    %mul3A_429 = arith.muli %arg0, %mul3A_428 : i32
    %mul3A_430 = arith.constant 640 : i32
    %mul3A_431 = arith.muli %arg1, %mul3A_430 : i32
    %add3A_432 = arith.addi %mul3A_429, %mul3A_431 : i32
    %mul3A_433 = arith.constant 640 : i32
    %mul3A_434 = arith.muli %arg1, %mul3A_433 : i32
    "tpu.region"() ({
      %run_scoped3A = tpu.sem_alloc : memref<!tpu.dma_semaphore, #tpu.memory_space<semaphore_mem>>
      %dma_start3A_435 = arith.constant 0 : i32
      %dma_start3A_436 = tpu.memref_slice %arg5[%add3A_432, %dma_start3A_435] : memref<20480x128xf32, #tpu.memory_space<hbm>> -> memref<640x128xf32, #tpu.memory_space<hbm>>
      %dma_start3A_437 = arith.constant 0 : i32
      %dma_start3A_438 = tpu.memref_slice %arg17[%mul3A_434, %dma_start3A_437] : memref<10240x128xf32, #tpu.memory_space<vmem_shared>> -> memref<640x128xf32, #tpu.memory_space<vmem_shared>>
      tpu.enqueue_dma source(%dma_start3A_438 : memref<640x128xf32, #tpu.memory_space<vmem_shared>>) target(%dma_start3A_436 : memref<640x128xf32, #tpu.memory_space<hbm>>) target_semaphore(%run_scoped3A : memref<!tpu.dma_semaphore, #tpu.memory_space<semaphore_mem>>)
      %dma_wait3A = arith.constant 0 : i32
      %dma_wait3A_439 = tpu.memref_slice %arg5[%add3A_432, %dma_wait3A] : memref<20480x128xf32, #tpu.memory_space<hbm>> -> memref<640x128xf32, #tpu.memory_space<hbm>>
      %dma_wait3A_440 = arith.constant 0 : i32
      %dma_wait3A_441 = tpu.memref_slice %arg17[%mul3A_434, %dma_wait3A_440] : memref<10240x128xf32, #tpu.memory_space<vmem_shared>> -> memref<640x128xf32, #tpu.memory_space<vmem_shared>>
      tpu.wait_dma2 semaphore(%run_scoped3A : memref<!tpu.dma_semaphore, #tpu.memory_space<semaphore_mem>>) src(%dma_wait3A_441 : memref<640x128xf32, #tpu.memory_space<vmem_shared>>) dst(%dma_wait3A_439 : memref<640x128xf32, #tpu.memory_space<hbm>>)
      tpu.yield
    }) : () -> ()
    return
  }
}

#map = affine_map<(d0, d1) -> (0, 0)>
#map1 = affine_map<(d0, d1) -> (0, 0, 0)>
module attributes {stable_mosaic.version = 14 : i64} {
  func.func @_segsum_body(%arg0: i32, %arg1: i32, %arg2: memref<10000x128xf32, #tpu.memory_space<hbm>>, %arg3: memref<32x80x128xi32, #tpu.memory_space<hbm>>, %arg4: memref<2560x128xi32, #tpu.memory_space<hbm>>, %arg5: memref<20480x128xf32, #tpu.memory_space<hbm>>, %arg6: memref<80x128xi32, #tpu.memory_space<vmem>>, %arg7: memref<8x128xi32, #tpu.memory_space<vmem>>, %arg8: memref<8x128xi32, #tpu.memory_space<vmem>>, %arg9: memref<128x128xf32, #tpu.memory_space<vmem>>, %arg10: memref<128x128xf32, #tpu.memory_space<vmem>>, %arg11: memref<8x128xf32, #tpu.memory_space<vmem>>, %arg12: memref<!tpu.dma_semaphore, #tpu.memory_space<semaphore_mem>>, %arg13: memref<!tpu.dma_semaphore, #tpu.memory_space<semaphore_mem>>, %arg14: memref<!tpu.dma_semaphore, #tpu.memory_space<semaphore_mem>>, %arg15: memref<!tpu.dma_semaphore, #tpu.memory_space<semaphore_mem>>, %arg16: memref<!tpu.dma_semaphore, #tpu.memory_space<semaphore_mem>>, %arg17: memref<10240x128xf32, #tpu.memory_space<vmem_shared>>) attributes {dimension_semantics = [#tpu.dimension_semantics<core_parallel>, #tpu.dimension_semantics<subcore_parallel>], iteration_bounds = array<i64: 2, 16>, scalar_prefetch = 0 : i64, scratch_operands = 12 : i64, tpu.core_type = #tpu.core_type<sc_vector_subcore>, window_params = [{transform_indices = #map}, {transform_indices = #map1}, {transform_indices = #map}, {transform_indices = #map}]} {
    %mul3A = arith.constant 16 : i32
    %mul3A_0 = arith.muli %arg0, %mul3A : i32
    %add3A = arith.addi %mul3A_0, %arg1 : i32
    %broadcast_in_dim3A = arith.constant 0.000000e+00 : f32
    %broadcast_in_dim3A_1 = vector.broadcast %broadcast_in_dim3A : f32 to vector<16xf32>
    %swap3A = arith.constant 0 : i32
    %swap3A_2 = arith.index_cast %swap3A : i32 to index
    %swap3A_3 = arith.constant 0 : index
    %swap3A_4 = tpu.vector_load %arg11[%swap3A_2, %swap3A_3] {strides = array<i32>} : memref<8x128xf32, #tpu.memory_space<vmem>>, vector<1x16xf32>,
    %swap3A_5 = vector.shape_cast %swap3A_4 : vector<1x16xf32> to vector<16xf32>
    %swap3A_6 = vector.shape_cast %broadcast_in_dim3A_1 : vector<16xf32> to vector<1x16xf32>
    tpu.vector_store %arg11[%swap3A_2, %swap3A_3], %swap3A_6 {strides = array<i32>} : memref<8x128xf32, #tpu.memory_space<vmem>>, vector<1x16xf32>,
    %swap3A_7 = arith.constant 0 : i32
    %swap3A_8 = arith.index_cast %swap3A_7 : i32 to index
    %swap3A_9 = arith.constant 16 : index
    %swap3A_10 = tpu.vector_load %arg11[%swap3A_8, %swap3A_9] {strides = array<i32>} : memref<8x128xf32, #tpu.memory_space<vmem>>, vector<1x16xf32>,
    %swap3A_11 = vector.shape_cast %swap3A_10 : vector<1x16xf32> to vector<16xf32>
    %swap3A_12 = vector.shape_cast %broadcast_in_dim3A_1 : vector<16xf32> to vector<1x16xf32>
    tpu.vector_store %arg11[%swap3A_8, %swap3A_9], %swap3A_12 {strides = array<i32>} : memref<8x128xf32, #tpu.memory_space<vmem>>, vector<1x16xf32>,
    %swap3A_13 = arith.constant 0 : i32
    %swap3A_14 = arith.index_cast %swap3A_13 : i32 to index
    %swap3A_15 = arith.constant 32 : index
    %swap3A_16 = tpu.vector_load %arg11[%swap3A_14, %swap3A_15] {strides = array<i32>} : memref<8x128xf32, #tpu.memory_space<vmem>>, vector<1x16xf32>,
    %swap3A_17 = vector.shape_cast %swap3A_16 : vector<1x16xf32> to vector<16xf32>
    %swap3A_18 = vector.shape_cast %broadcast_in_dim3A_1 : vector<16xf32> to vector<1x16xf32>
    tpu.vector_store %arg11[%swap3A_14, %swap3A_15], %swap3A_18 {strides = array<i32>} : memref<8x128xf32, #tpu.memory_space<vmem>>, vector<1x16xf32>,
    %swap3A_19 = arith.constant 0 : i32
    %swap3A_20 = arith.index_cast %swap3A_19 : i32 to index
    %swap3A_21 = arith.constant 48 : index
    %swap3A_22 = tpu.vector_load %arg11[%swap3A_20, %swap3A_21] {strides = array<i32>} : memref<8x128xf32, #tpu.memory_space<vmem>>, vector<1x16xf32>,
    %swap3A_23 = vector.shape_cast %swap3A_22 : vector<1x16xf32> to vector<16xf32>
    %swap3A_24 = vector.shape_cast %broadcast_in_dim3A_1 : vector<16xf32> to vector<1x16xf32>
    tpu.vector_store %arg11[%swap3A_20, %swap3A_21], %swap3A_24 {strides = array<i32>} : memref<8x128xf32, #tpu.memory_space<vmem>>, vector<1x16xf32>,
    %swap3A_25 = arith.constant 0 : i32
    %swap3A_26 = arith.index_cast %swap3A_25 : i32 to index
    %swap3A_27 = arith.constant 64 : index
    %swap3A_28 = tpu.vector_load %arg11[%swap3A_26, %swap3A_27] {strides = array<i32>} : memref<8x128xf32, #tpu.memory_space<vmem>>, vector<1x16xf32>,
    %swap3A_29 = vector.shape_cast %swap3A_28 : vector<1x16xf32> to vector<16xf32>
    %swap3A_30 = vector.shape_cast %broadcast_in_dim3A_1 : vector<16xf32> to vector<1x16xf32>
    tpu.vector_store %arg11[%swap3A_26, %swap3A_27], %swap3A_30 {strides = array<i32>} : memref<8x128xf32, #tpu.memory_space<vmem>>, vector<1x16xf32>,
    %swap3A_31 = arith.constant 0 : i32
    %swap3A_32 = arith.index_cast %swap3A_31 : i32 to index
    %swap3A_33 = arith.constant 80 : index
    %swap3A_34 = tpu.vector_load %arg11[%swap3A_32, %swap3A_33] {strides = array<i32>} : memref<8x128xf32, #tpu.memory_space<vmem>>, vector<1x16xf32>,
    %swap3A_35 = vector.shape_cast %swap3A_34 : vector<1x16xf32> to vector<16xf32>
    %swap3A_36 = vector.shape_cast %broadcast_in_dim3A_1 : vector<16xf32> to vector<1x16xf32>
    tpu.vector_store %arg11[%swap3A_32, %swap3A_33], %swap3A_36 {strides = array<i32>} : memref<8x128xf32, #tpu.memory_space<vmem>>, vector<1x16xf32>,
    %swap3A_37 = arith.constant 0 : i32
    %swap3A_38 = arith.index_cast %swap3A_37 : i32 to index
    %swap3A_39 = arith.constant 96 : index
    %swap3A_40 = tpu.vector_load %arg11[%swap3A_38, %swap3A_39] {strides = array<i32>} : memref<8x128xf32, #tpu.memory_space<vmem>>, vector<1x16xf32>,
    %swap3A_41 = vector.shape_cast %swap3A_40 : vector<1x16xf32> to vector<16xf32>
    %swap3A_42 = vector.shape_cast %broadcast_in_dim3A_1 : vector<16xf32> to vector<1x16xf32>
    tpu.vector_store %arg11[%swap3A_38, %swap3A_39], %swap3A_42 {strides = array<i32>} : memref<8x128xf32, #tpu.memory_space<vmem>>, vector<1x16xf32>,
    %swap3A_43 = arith.constant 0 : i32
    %swap3A_44 = arith.index_cast %swap3A_43 : i32 to index
    %swap3A_45 = arith.constant 112 : index
    %swap3A_46 = tpu.vector_load %arg11[%swap3A_44, %swap3A_45] {strides = array<i32>} : memref<8x128xf32, #tpu.memory_space<vmem>>, vector<1x16xf32>,
    %swap3A_47 = vector.shape_cast %swap3A_46 : vector<1x16xf32> to vector<16xf32>
    %swap3A_48 = vector.shape_cast %broadcast_in_dim3A_1 : vector<16xf32> to vector<1x16xf32>
    tpu.vector_store %arg11[%swap3A_44, %swap3A_45], %swap3A_48 {strides = array<i32>} : memref<8x128xf32, #tpu.memory_space<vmem>>, vector<1x16xf32>,
    %swap3A_49 = arith.constant 1 : i32
    %swap3A_50 = arith.index_cast %swap3A_49 : i32 to index
    %swap3A_51 = arith.constant 0 : index
    %swap3A_52 = tpu.vector_load %arg11[%swap3A_50, %swap3A_51] {strides = array<i32>} : memref<8x128xf32, #tpu.memory_space<vmem>>, vector<1x16xf32>,
    %swap3A_53 = vector.shape_cast %swap3A_52 : vector<1x16xf32> to vector<16xf32>
    %swap3A_54 = vector.shape_cast %broadcast_in_dim3A_1 : vector<16xf32> to vector<1x16xf32>
    tpu.vector_store %arg11[%swap3A_50, %swap3A_51], %swap3A_54 {strides = array<i32>} : memref<8x128xf32, #tpu.memory_space<vmem>>, vector<1x16xf32>,
    %swap3A_55 = arith.constant 1 : i32
    %swap3A_56 = arith.index_cast %swap3A_55 : i32 to index
    %swap3A_57 = arith.constant 16 : index
    %swap3A_58 = tpu.vector_load %arg11[%swap3A_56, %swap3A_57] {strides = array<i32>} : memref<8x128xf32, #tpu.memory_space<vmem>>, vector<1x16xf32>,
    %swap3A_59 = vector.shape_cast %swap3A_58 : vector<1x16xf32> to vector<16xf32>
    %swap3A_60 = vector.shape_cast %broadcast_in_dim3A_1 : vector<16xf32> to vector<1x16xf32>
    tpu.vector_store %arg11[%swap3A_56, %swap3A_57], %swap3A_60 {strides = array<i32>} : memref<8x128xf32, #tpu.memory_space<vmem>>, vector<1x16xf32>,
    %swap3A_61 = arith.constant 1 : i32
    %swap3A_62 = arith.index_cast %swap3A_61 : i32 to index
    %swap3A_63 = arith.constant 32 : index
    %swap3A_64 = tpu.vector_load %arg11[%swap3A_62, %swap3A_63] {strides = array<i32>} : memref<8x128xf32, #tpu.memory_space<vmem>>, vector<1x16xf32>,
    %swap3A_65 = vector.shape_cast %swap3A_64 : vector<1x16xf32> to vector<16xf32>
    %swap3A_66 = vector.shape_cast %broadcast_in_dim3A_1 : vector<16xf32> to vector<1x16xf32>
    tpu.vector_store %arg11[%swap3A_62, %swap3A_63], %swap3A_66 {strides = array<i32>} : memref<8x128xf32, #tpu.memory_space<vmem>>, vector<1x16xf32>,
    %swap3A_67 = arith.constant 1 : i32
    %swap3A_68 = arith.index_cast %swap3A_67 : i32 to index
    %swap3A_69 = arith.constant 48 : index
    %swap3A_70 = tpu.vector_load %arg11[%swap3A_68, %swap3A_69] {strides = array<i32>} : memref<8x128xf32, #tpu.memory_space<vmem>>, vector<1x16xf32>,
    %swap3A_71 = vector.shape_cast %swap3A_70 : vector<1x16xf32> to vector<16xf32>
    %swap3A_72 = vector.shape_cast %broadcast_in_dim3A_1 : vector<16xf32> to vector<1x16xf32>
    tpu.vector_store %arg11[%swap3A_68, %swap3A_69], %swap3A_72 {strides = array<i32>} : memref<8x128xf32, #tpu.memory_space<vmem>>, vector<1x16xf32>,
    %swap3A_73 = arith.constant 1 : i32
    %swap3A_74 = arith.index_cast %swap3A_73 : i32 to index
    %swap3A_75 = arith.constant 64 : index
    %swap3A_76 = tpu.vector_load %arg11[%swap3A_74, %swap3A_75] {strides = array<i32>} : memref<8x128xf32, #tpu.memory_space<vmem>>, vector<1x16xf32>,
    %swap3A_77 = vector.shape_cast %swap3A_76 : vector<1x16xf32> to vector<16xf32>
    %swap3A_78 = vector.shape_cast %broadcast_in_dim3A_1 : vector<16xf32> to vector<1x16xf32>
    tpu.vector_store %arg11[%swap3A_74, %swap3A_75], %swap3A_78 {strides = array<i32>} : memref<8x128xf32, #tpu.memory_space<vmem>>, vector<1x16xf32>,
    %swap3A_79 = arith.constant 1 : i32
    %swap3A_80 = arith.index_cast %swap3A_79 : i32 to index
    %swap3A_81 = arith.constant 80 : index
    %swap3A_82 = tpu.vector_load %arg11[%swap3A_80, %swap3A_81] {strides = array<i32>} : memref<8x128xf32, #tpu.memory_space<vmem>>, vector<1x16xf32>,
    %swap3A_83 = vector.shape_cast %swap3A_82 : vector<1x16xf32> to vector<16xf32>
    %swap3A_84 = vector.shape_cast %broadcast_in_dim3A_1 : vector<16xf32> to vector<1x16xf32>
    tpu.vector_store %arg11[%swap3A_80, %swap3A_81], %swap3A_84 {strides = array<i32>} : memref<8x128xf32, #tpu.memory_space<vmem>>, vector<1x16xf32>,
    %swap3A_85 = arith.constant 1 : i32
    %swap3A_86 = arith.index_cast %swap3A_85 : i32 to index
    %swap3A_87 = arith.constant 96 : index
    %swap3A_88 = tpu.vector_load %arg11[%swap3A_86, %swap3A_87] {strides = array<i32>} : memref<8x128xf32, #tpu.memory_space<vmem>>, vector<1x16xf32>,
    %swap3A_89 = vector.shape_cast %swap3A_88 : vector<1x16xf32> to vector<16xf32>
    %swap3A_90 = vector.shape_cast %broadcast_in_dim3A_1 : vector<16xf32> to vector<1x16xf32>
    tpu.vector_store %arg11[%swap3A_86, %swap3A_87], %swap3A_90 {strides = array<i32>} : memref<8x128xf32, #tpu.memory_space<vmem>>, vector<1x16xf32>,
    %swap3A_91 = arith.constant 1 : i32
    %swap3A_92 = arith.index_cast %swap3A_91 : i32 to index
    %swap3A_93 = arith.constant 112 : index
    %swap3A_94 = tpu.vector_load %arg11[%swap3A_92, %swap3A_93] {strides = array<i32>} : memref<8x128xf32, #tpu.memory_space<vmem>>, vector<1x16xf32>,
    %swap3A_95 = vector.shape_cast %swap3A_94 : vector<1x16xf32> to vector<16xf32>
    %swap3A_96 = vector.shape_cast %broadcast_in_dim3A_1 : vector<16xf32> to vector<1x16xf32>
    tpu.vector_store %arg11[%swap3A_92, %swap3A_93], %swap3A_96 {strides = array<i32>} : memref<8x128xf32, #tpu.memory_space<vmem>>, vector<1x16xf32>,
    %swap3A_97 = arith.constant 2 : i32
    %swap3A_98 = arith.index_cast %swap3A_97 : i32 to index
    %swap3A_99 = arith.constant 0 : index
    %swap3A_100 = tpu.vector_load %arg11[%swap3A_98, %swap3A_99] {strides = array<i32>} : memref<8x128xf32, #tpu.memory_space<vmem>>, vector<1x16xf32>,
    %swap3A_101 = vector.shape_cast %swap3A_100 : vector<1x16xf32> to vector<16xf32>
    %swap3A_102 = vector.shape_cast %broadcast_in_dim3A_1 : vector<16xf32> to vector<1x16xf32>
    tpu.vector_store %arg11[%swap3A_98, %swap3A_99], %swap3A_102 {strides = array<i32>} : memref<8x128xf32, #tpu.memory_space<vmem>>, vector<1x16xf32>,
    %swap3A_103 = arith.constant 2 : i32
    %swap3A_104 = arith.index_cast %swap3A_103 : i32 to index
    %swap3A_105 = arith.constant 16 : index
    %swap3A_106 = tpu.vector_load %arg11[%swap3A_104, %swap3A_105] {strides = array<i32>} : memref<8x128xf32, #tpu.memory_space<vmem>>, vector<1x16xf32>,
    %swap3A_107 = vector.shape_cast %swap3A_106 : vector<1x16xf32> to vector<16xf32>
    %swap3A_108 = vector.shape_cast %broadcast_in_dim3A_1 : vector<16xf32> to vector<1x16xf32>
    tpu.vector_store %arg11[%swap3A_104, %swap3A_105], %swap3A_108 {strides = array<i32>} : memref<8x128xf32, #tpu.memory_space<vmem>>, vector<1x16xf32>,
    %swap3A_109 = arith.constant 2 : i32
    %swap3A_110 = arith.index_cast %swap3A_109 : i32 to index
    %swap3A_111 = arith.constant 32 : index
    %swap3A_112 = tpu.vector_load %arg11[%swap3A_110, %swap3A_111] {strides = array<i32>} : memref<8x128xf32, #tpu.memory_space<vmem>>, vector<1x16xf32>,
    %swap3A_113 = vector.shape_cast %swap3A_112 : vector<1x16xf32> to vector<16xf32>
    %swap3A_114 = vector.shape_cast %broadcast_in_dim3A_1 : vector<16xf32> to vector<1x16xf32>
    tpu.vector_store %arg11[%swap3A_110, %swap3A_111], %swap3A_114 {strides = array<i32>} : memref<8x128xf32, #tpu.memory_space<vmem>>, vector<1x16xf32>,
    %swap3A_115 = arith.constant 2 : i32
    %swap3A_116 = arith.index_cast %swap3A_115 : i32 to index
    %swap3A_117 = arith.constant 48 : index
    %swap3A_118 = tpu.vector_load %arg11[%swap3A_116, %swap3A_117] {strides = array<i32>} : memref<8x128xf32, #tpu.memory_space<vmem>>, vector<1x16xf32>,
    %swap3A_119 = vector.shape_cast %swap3A_118 : vector<1x16xf32> to vector<16xf32>
    %swap3A_120 = vector.shape_cast %broadcast_in_dim3A_1 : vector<16xf32> to vector<1x16xf32>
    tpu.vector_store %arg11[%swap3A_116, %swap3A_117], %swap3A_120 {strides = array<i32>} : memref<8x128xf32, #tpu.memory_space<vmem>>, vector<1x16xf32>,
    %swap3A_121 = arith.constant 2 : i32
    %swap3A_122 = arith.index_cast %swap3A_121 : i32 to index
    %swap3A_123 = arith.constant 64 : index
    %swap3A_124 = tpu.vector_load %arg11[%swap3A_122, %swap3A_123] {strides = array<i32>} : memref<8x128xf32, #tpu.memory_space<vmem>>, vector<1x16xf32>,
    %swap3A_125 = vector.shape_cast %swap3A_124 : vector<1x16xf32> to vector<16xf32>
    %swap3A_126 = vector.shape_cast %broadcast_in_dim3A_1 : vector<16xf32> to vector<1x16xf32>
    tpu.vector_store %arg11[%swap3A_122, %swap3A_123], %swap3A_126 {strides = array<i32>} : memref<8x128xf32, #tpu.memory_space<vmem>>, vector<1x16xf32>,
    %swap3A_127 = arith.constant 2 : i32
    %swap3A_128 = arith.index_cast %swap3A_127 : i32 to index
    %swap3A_129 = arith.constant 80 : index
    %swap3A_130 = tpu.vector_load %arg11[%swap3A_128, %swap3A_129] {strides = array<i32>} : memref<8x128xf32, #tpu.memory_space<vmem>>, vector<1x16xf32>,
    %swap3A_131 = vector.shape_cast %swap3A_130 : vector<1x16xf32> to vector<16xf32>
    %swap3A_132 = vector.shape_cast %broadcast_in_dim3A_1 : vector<16xf32> to vector<1x16xf32>
    tpu.vector_store %arg11[%swap3A_128, %swap3A_129], %swap3A_132 {strides = array<i32>} : memref<8x128xf32, #tpu.memory_space<vmem>>, vector<1x16xf32>,
    %swap3A_133 = arith.constant 2 : i32
    %swap3A_134 = arith.index_cast %swap3A_133 : i32 to index
    %swap3A_135 = arith.constant 96 : index
    %swap3A_136 = tpu.vector_load %arg11[%swap3A_134, %swap3A_135] {strides = array<i32>} : memref<8x128xf32, #tpu.memory_space<vmem>>, vector<1x16xf32>,
    %swap3A_137 = vector.shape_cast %swap3A_136 : vector<1x16xf32> to vector<16xf32>
    %swap3A_138 = vector.shape_cast %broadcast_in_dim3A_1 : vector<16xf32> to vector<1x16xf32>
    tpu.vector_store %arg11[%swap3A_134, %swap3A_135], %swap3A_138 {strides = array<i32>} : memref<8x128xf32, #tpu.memory_space<vmem>>, vector<1x16xf32>,
    %swap3A_139 = arith.constant 2 : i32
    %swap3A_140 = arith.index_cast %swap3A_139 : i32 to index
    %swap3A_141 = arith.constant 112 : index
    %swap3A_142 = tpu.vector_load %arg11[%swap3A_140, %swap3A_141] {strides = array<i32>} : memref<8x128xf32, #tpu.memory_space<vmem>>, vector<1x16xf32>,
    %swap3A_143 = vector.shape_cast %swap3A_142 : vector<1x16xf32> to vector<16xf32>
    %swap3A_144 = vector.shape_cast %broadcast_in_dim3A_1 : vector<16xf32> to vector<1x16xf32>
    tpu.vector_store %arg11[%swap3A_140, %swap3A_141], %swap3A_144 {strides = array<i32>} : memref<8x128xf32, #tpu.memory_space<vmem>>, vector<1x16xf32>,
    %swap3A_145 = arith.constant 3 : i32
    %swap3A_146 = arith.index_cast %swap3A_145 : i32 to index
    %swap3A_147 = arith.constant 0 : index
    %swap3A_148 = tpu.vector_load %arg11[%swap3A_146, %swap3A_147] {strides = array<i32>} : memref<8x128xf32, #tpu.memory_space<vmem>>, vector<1x16xf32>,
    %swap3A_149 = vector.shape_cast %swap3A_148 : vector<1x16xf32> to vector<16xf32>
    %swap3A_150 = vector.shape_cast %broadcast_in_dim3A_1 : vector<16xf32> to vector<1x16xf32>
    tpu.vector_store %arg11[%swap3A_146, %swap3A_147], %swap3A_150 {strides = array<i32>} : memref<8x128xf32, #tpu.memory_space<vmem>>, vector<1x16xf32>,
    %swap3A_151 = arith.constant 3 : i32
    %swap3A_152 = arith.index_cast %swap3A_151 : i32 to index
    %swap3A_153 = arith.constant 16 : index
    %swap3A_154 = tpu.vector_load %arg11[%swap3A_152, %swap3A_153] {strides = array<i32>} : memref<8x128xf32, #tpu.memory_space<vmem>>, vector<1x16xf32>,
    %swap3A_155 = vector.shape_cast %swap3A_154 : vector<1x16xf32> to vector<16xf32>
    %swap3A_156 = vector.shape_cast %broadcast_in_dim3A_1 : vector<16xf32> to vector<1x16xf32>
    tpu.vector_store %arg11[%swap3A_152, %swap3A_153], %swap3A_156 {strides = array<i32>} : memref<8x128xf32, #tpu.memory_space<vmem>>, vector<1x16xf32>,
    %swap3A_157 = arith.constant 3 : i32
    %swap3A_158 = arith.index_cast %swap3A_157 : i32 to index
    %swap3A_159 = arith.constant 32 : index
    %swap3A_160 = tpu.vector_load %arg11[%swap3A_158, %swap3A_159] {strides = array<i32>} : memref<8x128xf32, #tpu.memory_space<vmem>>, vector<1x16xf32>,
    %swap3A_161 = vector.shape_cast %swap3A_160 : vector<1x16xf32> to vector<16xf32>
    %swap3A_162 = vector.shape_cast %broadcast_in_dim3A_1 : vector<16xf32> to vector<1x16xf32>
    tpu.vector_store %arg11[%swap3A_158, %swap3A_159], %swap3A_162 {strides = array<i32>} : memref<8x128xf32, #tpu.memory_space<vmem>>, vector<1x16xf32>,
    %swap3A_163 = arith.constant 3 : i32
    %swap3A_164 = arith.index_cast %swap3A_163 : i32 to index
    %swap3A_165 = arith.constant 48 : index
    %swap3A_166 = tpu.vector_load %arg11[%swap3A_164, %swap3A_165] {strides = array<i32>} : memref<8x128xf32, #tpu.memory_space<vmem>>, vector<1x16xf32>,
    %swap3A_167 = vector.shape_cast %swap3A_166 : vector<1x16xf32> to vector<16xf32>
    %swap3A_168 = vector.shape_cast %broadcast_in_dim3A_1 : vector<16xf32> to vector<1x16xf32>
    tpu.vector_store %arg11[%swap3A_164, %swap3A_165], %swap3A_168 {strides = array<i32>} : memref<8x128xf32, #tpu.memory_space<vmem>>, vector<1x16xf32>,
    %swap3A_169 = arith.constant 3 : i32
    %swap3A_170 = arith.index_cast %swap3A_169 : i32 to index
    %swap3A_171 = arith.constant 64 : index
    %swap3A_172 = tpu.vector_load %arg11[%swap3A_170, %swap3A_171] {strides = array<i32>} : memref<8x128xf32, #tpu.memory_space<vmem>>, vector<1x16xf32>,
    %swap3A_173 = vector.shape_cast %swap3A_172 : vector<1x16xf32> to vector<16xf32>
    %swap3A_174 = vector.shape_cast %broadcast_in_dim3A_1 : vector<16xf32> to vector<1x16xf32>
    tpu.vector_store %arg11[%swap3A_170, %swap3A_171], %swap3A_174 {strides = array<i32>} : memref<8x128xf32, #tpu.memory_space<vmem>>, vector<1x16xf32>,
    %swap3A_175 = arith.constant 3 : i32
    %swap3A_176 = arith.index_cast %swap3A_175 : i32 to index
    %swap3A_177 = arith.constant 80 : index
    %swap3A_178 = tpu.vector_load %arg11[%swap3A_176, %swap3A_177] {strides = array<i32>} : memref<8x128xf32, #tpu.memory_space<vmem>>, vector<1x16xf32>,
    %swap3A_179 = vector.shape_cast %swap3A_178 : vector<1x16xf32> to vector<16xf32>
    %swap3A_180 = vector.shape_cast %broadcast_in_dim3A_1 : vector<16xf32> to vector<1x16xf32>
    tpu.vector_store %arg11[%swap3A_176, %swap3A_177], %swap3A_180 {strides = array<i32>} : memref<8x128xf32, #tpu.memory_space<vmem>>, vector<1x16xf32>,
    %swap3A_181 = arith.constant 3 : i32
    %swap3A_182 = arith.index_cast %swap3A_181 : i32 to index
    %swap3A_183 = arith.constant 96 : index
    %swap3A_184 = tpu.vector_load %arg11[%swap3A_182, %swap3A_183] {strides = array<i32>} : memref<8x128xf32, #tpu.memory_space<vmem>>, vector<1x16xf32>,
    %swap3A_185 = vector.shape_cast %swap3A_184 : vector<1x16xf32> to vector<16xf32>
    %swap3A_186 = vector.shape_cast %broadcast_in_dim3A_1 : vector<16xf32> to vector<1x16xf32>
    tpu.vector_store %arg11[%swap3A_182, %swap3A_183], %swap3A_186 {strides = array<i32>} : memref<8x128xf32, #tpu.memory_space<vmem>>, vector<1x16xf32>,
    %swap3A_187 = arith.constant 3 : i32
    %swap3A_188 = arith.index_cast %swap3A_187 : i32 to index
    %swap3A_189 = arith.constant 112 : index
    %swap3A_190 = tpu.vector_load %arg11[%swap3A_188, %swap3A_189] {strides = array<i32>} : memref<8x128xf32, #tpu.memory_space<vmem>>, vector<1x16xf32>,
    %swap3A_191 = vector.shape_cast %swap3A_190 : vector<1x16xf32> to vector<16xf32>
    %swap3A_192 = vector.shape_cast %broadcast_in_dim3A_1 : vector<16xf32> to vector<1x16xf32>
    tpu.vector_store %arg11[%swap3A_188, %swap3A_189], %swap3A_192 {strides = array<i32>} : memref<8x128xf32, #tpu.memory_space<vmem>>, vector<1x16xf32>,
    %swap3A_193 = arith.constant 4 : i32
    %swap3A_194 = arith.index_cast %swap3A_193 : i32 to index
    %swap3A_195 = arith.constant 0 : index
    %swap3A_196 = tpu.vector_load %arg11[%swap3A_194, %swap3A_195] {strides = array<i32>} : memref<8x128xf32, #tpu.memory_space<vmem>>, vector<1x16xf32>,
    %swap3A_197 = vector.shape_cast %swap3A_196 : vector<1x16xf32> to vector<16xf32>
    %swap3A_198 = vector.shape_cast %broadcast_in_dim3A_1 : vector<16xf32> to vector<1x16xf32>
    tpu.vector_store %arg11[%swap3A_194, %swap3A_195], %swap3A_198 {strides = array<i32>} : memref<8x128xf32, #tpu.memory_space<vmem>>, vector<1x16xf32>,
    %swap3A_199 = arith.constant 4 : i32
    %swap3A_200 = arith.index_cast %swap3A_199 : i32 to index
    %swap3A_201 = arith.constant 16 : index
    %swap3A_202 = tpu.vector_load %arg11[%swap3A_200, %swap3A_201] {strides = array<i32>} : memref<8x128xf32, #tpu.memory_space<vmem>>, vector<1x16xf32>,
    %swap3A_203 = vector.shape_cast %swap3A_202 : vector<1x16xf32> to vector<16xf32>
    %swap3A_204 = vector.shape_cast %broadcast_in_dim3A_1 : vector<16xf32> to vector<1x16xf32>
    tpu.vector_store %arg11[%swap3A_200, %swap3A_201], %swap3A_204 {strides = array<i32>} : memref<8x128xf32, #tpu.memory_space<vmem>>, vector<1x16xf32>,
    %swap3A_205 = arith.constant 4 : i32
    %swap3A_206 = arith.index_cast %swap3A_205 : i32 to index
    %swap3A_207 = arith.constant 32 : index
    %swap3A_208 = tpu.vector_load %arg11[%swap3A_206, %swap3A_207] {strides = array<i32>} : memref<8x128xf32, #tpu.memory_space<vmem>>, vector<1x16xf32>,
    %swap3A_209 = vector.shape_cast %swap3A_208 : vector<1x16xf32> to vector<16xf32>
    %swap3A_210 = vector.shape_cast %broadcast_in_dim3A_1 : vector<16xf32> to vector<1x16xf32>
    tpu.vector_store %arg11[%swap3A_206, %swap3A_207], %swap3A_210 {strides = array<i32>} : memref<8x128xf32, #tpu.memory_space<vmem>>, vector<1x16xf32>,
    %swap3A_211 = arith.constant 4 : i32
    %swap3A_212 = arith.index_cast %swap3A_211 : i32 to index
    %swap3A_213 = arith.constant 48 : index
    %swap3A_214 = tpu.vector_load %arg11[%swap3A_212, %swap3A_213] {strides = array<i32>} : memref<8x128xf32, #tpu.memory_space<vmem>>, vector<1x16xf32>,
    %swap3A_215 = vector.shape_cast %swap3A_214 : vector<1x16xf32> to vector<16xf32>
    %swap3A_216 = vector.shape_cast %broadcast_in_dim3A_1 : vector<16xf32> to vector<1x16xf32>
    tpu.vector_store %arg11[%swap3A_212, %swap3A_213], %swap3A_216 {strides = array<i32>} : memref<8x128xf32, #tpu.memory_space<vmem>>, vector<1x16xf32>,
    %swap3A_217 = arith.constant 4 : i32
    %swap3A_218 = arith.index_cast %swap3A_217 : i32 to index
    %swap3A_219 = arith.constant 64 : index
    %swap3A_220 = tpu.vector_load %arg11[%swap3A_218, %swap3A_219] {strides = array<i32>} : memref<8x128xf32, #tpu.memory_space<vmem>>, vector<1x16xf32>,
    %swap3A_221 = vector.shape_cast %swap3A_220 : vector<1x16xf32> to vector<16xf32>
    %swap3A_222 = vector.shape_cast %broadcast_in_dim3A_1 : vector<16xf32> to vector<1x16xf32>
    tpu.vector_store %arg11[%swap3A_218, %swap3A_219], %swap3A_222 {strides = array<i32>} : memref<8x128xf32, #tpu.memory_space<vmem>>, vector<1x16xf32>,
    %swap3A_223 = arith.constant 4 : i32
    %swap3A_224 = arith.index_cast %swap3A_223 : i32 to index
    %swap3A_225 = arith.constant 80 : index
    %swap3A_226 = tpu.vector_load %arg11[%swap3A_224, %swap3A_225] {strides = array<i32>} : memref<8x128xf32, #tpu.memory_space<vmem>>, vector<1x16xf32>,
    %swap3A_227 = vector.shape_cast %swap3A_226 : vector<1x16xf32> to vector<16xf32>
    %swap3A_228 = vector.shape_cast %broadcast_in_dim3A_1 : vector<16xf32> to vector<1x16xf32>
    tpu.vector_store %arg11[%swap3A_224, %swap3A_225], %swap3A_228 {strides = array<i32>} : memref<8x128xf32, #tpu.memory_space<vmem>>, vector<1x16xf32>,
    %swap3A_229 = arith.constant 4 : i32
    %swap3A_230 = arith.index_cast %swap3A_229 : i32 to index
    %swap3A_231 = arith.constant 96 : index
    %swap3A_232 = tpu.vector_load %arg11[%swap3A_230, %swap3A_231] {strides = array<i32>} : memref<8x128xf32, #tpu.memory_space<vmem>>, vector<1x16xf32>,
    %swap3A_233 = vector.shape_cast %swap3A_232 : vector<1x16xf32> to vector<16xf32>
    %swap3A_234 = vector.shape_cast %broadcast_in_dim3A_1 : vector<16xf32> to vector<1x16xf32>
    tpu.vector_store %arg11[%swap3A_230, %swap3A_231], %swap3A_234 {strides = array<i32>} : memref<8x128xf32, #tpu.memory_space<vmem>>, vector<1x16xf32>,
    %swap3A_235 = arith.constant 4 : i32
    %swap3A_236 = arith.index_cast %swap3A_235 : i32 to index
    %swap3A_237 = arith.constant 112 : index
    %swap3A_238 = tpu.vector_load %arg11[%swap3A_236, %swap3A_237] {strides = array<i32>} : memref<8x128xf32, #tpu.memory_space<vmem>>, vector<1x16xf32>,
    %swap3A_239 = vector.shape_cast %swap3A_238 : vector<1x16xf32> to vector<16xf32>
    %swap3A_240 = vector.shape_cast %broadcast_in_dim3A_1 : vector<16xf32> to vector<1x16xf32>
    tpu.vector_store %arg11[%swap3A_236, %swap3A_237], %swap3A_240 {strides = array<i32>} : memref<8x128xf32, #tpu.memory_space<vmem>>, vector<1x16xf32>,
    %swap3A_241 = arith.constant 5 : i32
    %swap3A_242 = arith.index_cast %swap3A_241 : i32 to index
    %swap3A_243 = arith.constant 0 : index
    %swap3A_244 = tpu.vector_load %arg11[%swap3A_242, %swap3A_243] {strides = array<i32>} : memref<8x128xf32, #tpu.memory_space<vmem>>, vector<1x16xf32>,
    %swap3A_245 = vector.shape_cast %swap3A_244 : vector<1x16xf32> to vector<16xf32>
    %swap3A_246 = vector.shape_cast %broadcast_in_dim3A_1 : vector<16xf32> to vector<1x16xf32>
    tpu.vector_store %arg11[%swap3A_242, %swap3A_243], %swap3A_246 {strides = array<i32>} : memref<8x128xf32, #tpu.memory_space<vmem>>, vector<1x16xf32>,
    %swap3A_247 = arith.constant 5 : i32
    %swap3A_248 = arith.index_cast %swap3A_247 : i32 to index
    %swap3A_249 = arith.constant 16 : index
    %swap3A_250 = tpu.vector_load %arg11[%swap3A_248, %swap3A_249] {strides = array<i32>} : memref<8x128xf32, #tpu.memory_space<vmem>>, vector<1x16xf32>,
    %swap3A_251 = vector.shape_cast %swap3A_250 : vector<1x16xf32> to vector<16xf32>
    %swap3A_252 = vector.shape_cast %broadcast_in_dim3A_1 : vector<16xf32> to vector<1x16xf32>
    tpu.vector_store %arg11[%swap3A_248, %swap3A_249], %swap3A_252 {strides = array<i32>} : memref<8x128xf32, #tpu.memory_space<vmem>>, vector<1x16xf32>,
    %swap3A_253 = arith.constant 5 : i32
    %swap3A_254 = arith.index_cast %swap3A_253 : i32 to index
    %swap3A_255 = arith.constant 32 : index
    %swap3A_256 = tpu.vector_load %arg11[%swap3A_254, %swap3A_255] {strides = array<i32>} : memref<8x128xf32, #tpu.memory_space<vmem>>, vector<1x16xf32>,
    %swap3A_257 = vector.shape_cast %swap3A_256 : vector<1x16xf32> to vector<16xf32>
    %swap3A_258 = vector.shape_cast %broadcast_in_dim3A_1 : vector<16xf32> to vector<1x16xf32>
    tpu.vector_store %arg11[%swap3A_254, %swap3A_255], %swap3A_258 {strides = array<i32>} : memref<8x128xf32, #tpu.memory_space<vmem>>, vector<1x16xf32>,
    %swap3A_259 = arith.constant 5 : i32
    %swap3A_260 = arith.index_cast %swap3A_259 : i32 to index
    %swap3A_261 = arith.constant 48 : index
    %swap3A_262 = tpu.vector_load %arg11[%swap3A_260, %swap3A_261] {strides = array<i32>} : memref<8x128xf32, #tpu.memory_space<vmem>>, vector<1x16xf32>,
    %swap3A_263 = vector.shape_cast %swap3A_262 : vector<1x16xf32> to vector<16xf32>
    %swap3A_264 = vector.shape_cast %broadcast_in_dim3A_1 : vector<16xf32> to vector<1x16xf32>
    tpu.vector_store %arg11[%swap3A_260, %swap3A_261], %swap3A_264 {strides = array<i32>} : memref<8x128xf32, #tpu.memory_space<vmem>>, vector<1x16xf32>,
    %swap3A_265 = arith.constant 5 : i32
    %swap3A_266 = arith.index_cast %swap3A_265 : i32 to index
    %swap3A_267 = arith.constant 64 : index
    %swap3A_268 = tpu.vector_load %arg11[%swap3A_266, %swap3A_267] {strides = array<i32>} : memref<8x128xf32, #tpu.memory_space<vmem>>, vector<1x16xf32>,
    %swap3A_269 = vector.shape_cast %swap3A_268 : vector<1x16xf32> to vector<16xf32>
    %swap3A_270 = vector.shape_cast %broadcast_in_dim3A_1 : vector<16xf32> to vector<1x16xf32>
    tpu.vector_store %arg11[%swap3A_266, %swap3A_267], %swap3A_270 {strides = array<i32>} : memref<8x128xf32, #tpu.memory_space<vmem>>, vector<1x16xf32>,
    %swap3A_271 = arith.constant 5 : i32
    %swap3A_272 = arith.index_cast %swap3A_271 : i32 to index
    %swap3A_273 = arith.constant 80 : index
    %swap3A_274 = tpu.vector_load %arg11[%swap3A_272, %swap3A_273] {strides = array<i32>} : memref<8x128xf32, #tpu.memory_space<vmem>>, vector<1x16xf32>,
    %swap3A_275 = vector.shape_cast %swap3A_274 : vector<1x16xf32> to vector<16xf32>
    %swap3A_276 = vector.shape_cast %broadcast_in_dim3A_1 : vector<16xf32> to vector<1x16xf32>
    tpu.vector_store %arg11[%swap3A_272, %swap3A_273], %swap3A_276 {strides = array<i32>} : memref<8x128xf32, #tpu.memory_space<vmem>>, vector<1x16xf32>,
    %swap3A_277 = arith.constant 5 : i32
    %swap3A_278 = arith.index_cast %swap3A_277 : i32 to index
    %swap3A_279 = arith.constant 96 : index
    %swap3A_280 = tpu.vector_load %arg11[%swap3A_278, %swap3A_279] {strides = array<i32>} : memref<8x128xf32, #tpu.memory_space<vmem>>, vector<1x16xf32>,
    %swap3A_281 = vector.shape_cast %swap3A_280 : vector<1x16xf32> to vector<16xf32>
    %swap3A_282 = vector.shape_cast %broadcast_in_dim3A_1 : vector<16xf32> to vector<1x16xf32>
    tpu.vector_store %arg11[%swap3A_278, %swap3A_279], %swap3A_282 {strides = array<i32>} : memref<8x128xf32, #tpu.memory_space<vmem>>, vector<1x16xf32>,
    %swap3A_283 = arith.constant 5 : i32
    %swap3A_284 = arith.index_cast %swap3A_283 : i32 to index
    %swap3A_285 = arith.constant 112 : index
    %swap3A_286 = tpu.vector_load %arg11[%swap3A_284, %swap3A_285] {strides = array<i32>} : memref<8x128xf32, #tpu.memory_space<vmem>>, vector<1x16xf32>,
    %swap3A_287 = vector.shape_cast %swap3A_286 : vector<1x16xf32> to vector<16xf32>
    %swap3A_288 = vector.shape_cast %broadcast_in_dim3A_1 : vector<16xf32> to vector<1x16xf32>
    tpu.vector_store %arg11[%swap3A_284, %swap3A_285], %swap3A_288 {strides = array<i32>} : memref<8x128xf32, #tpu.memory_space<vmem>>, vector<1x16xf32>,
    %swap3A_289 = arith.constant 6 : i32
    %swap3A_290 = arith.index_cast %swap3A_289 : i32 to index
    %swap3A_291 = arith.constant 0 : index
    %swap3A_292 = tpu.vector_load %arg11[%swap3A_290, %swap3A_291] {strides = array<i32>} : memref<8x128xf32, #tpu.memory_space<vmem>>, vector<1x16xf32>,
    %swap3A_293 = vector.shape_cast %swap3A_292 : vector<1x16xf32> to vector<16xf32>
    %swap3A_294 = vector.shape_cast %broadcast_in_dim3A_1 : vector<16xf32> to vector<1x16xf32>
    tpu.vector_store %arg11[%swap3A_290, %swap3A_291], %swap3A_294 {strides = array<i32>} : memref<8x128xf32, #tpu.memory_space<vmem>>, vector<1x16xf32>,
    %swap3A_295 = arith.constant 6 : i32
    %swap3A_296 = arith.index_cast %swap3A_295 : i32 to index
    %swap3A_297 = arith.constant 16 : index
    %swap3A_298 = tpu.vector_load %arg11[%swap3A_296, %swap3A_297] {strides = array<i32>} : memref<8x128xf32, #tpu.memory_space<vmem>>, vector<1x16xf32>,
    %swap3A_299 = vector.shape_cast %swap3A_298 : vector<1x16xf32> to vector<16xf32>
    %swap3A_300 = vector.shape_cast %broadcast_in_dim3A_1 : vector<16xf32> to vector<1x16xf32>
    tpu.vector_store %arg11[%swap3A_296, %swap3A_297], %swap3A_300 {strides = array<i32>} : memref<8x128xf32, #tpu.memory_space<vmem>>, vector<1x16xf32>,
    %swap3A_301 = arith.constant 6 : i32
    %swap3A_302 = arith.index_cast %swap3A_301 : i32 to index
    %swap3A_303 = arith.constant 32 : index
    %swap3A_304 = tpu.vector_load %arg11[%swap3A_302, %swap3A_303] {strides = array<i32>} : memref<8x128xf32, #tpu.memory_space<vmem>>, vector<1x16xf32>,
    %swap3A_305 = vector.shape_cast %swap3A_304 : vector<1x16xf32> to vector<16xf32>
    %swap3A_306 = vector.shape_cast %broadcast_in_dim3A_1 : vector<16xf32> to vector<1x16xf32>
    tpu.vector_store %arg11[%swap3A_302, %swap3A_303], %swap3A_306 {strides = array<i32>} : memref<8x128xf32, #tpu.memory_space<vmem>>, vector<1x16xf32>,
    %swap3A_307 = arith.constant 6 : i32
    %swap3A_308 = arith.index_cast %swap3A_307 : i32 to index
    %swap3A_309 = arith.constant 48 : index
    %swap3A_310 = tpu.vector_load %arg11[%swap3A_308, %swap3A_309] {strides = array<i32>} : memref<8x128xf32, #tpu.memory_space<vmem>>, vector<1x16xf32>,
    %swap3A_311 = vector.shape_cast %swap3A_310 : vector<1x16xf32> to vector<16xf32>
    %swap3A_312 = vector.shape_cast %broadcast_in_dim3A_1 : vector<16xf32> to vector<1x16xf32>
    tpu.vector_store %arg11[%swap3A_308, %swap3A_309], %swap3A_312 {strides = array<i32>} : memref<8x128xf32, #tpu.memory_space<vmem>>, vector<1x16xf32>,
    %swap3A_313 = arith.constant 6 : i32
    %swap3A_314 = arith.index_cast %swap3A_313 : i32 to index
    %swap3A_315 = arith.constant 64 : index
    %swap3A_316 = tpu.vector_load %arg11[%swap3A_314, %swap3A_315] {strides = array<i32>} : memref<8x128xf32, #tpu.memory_space<vmem>>, vector<1x16xf32>,
    %swap3A_317 = vector.shape_cast %swap3A_316 : vector<1x16xf32> to vector<16xf32>
    %swap3A_318 = vector.shape_cast %broadcast_in_dim3A_1 : vector<16xf32> to vector<1x16xf32>
    tpu.vector_store %arg11[%swap3A_314, %swap3A_315], %swap3A_318 {strides = array<i32>} : memref<8x128xf32, #tpu.memory_space<vmem>>, vector<1x16xf32>,
    %swap3A_319 = arith.constant 6 : i32
    %swap3A_320 = arith.index_cast %swap3A_319 : i32 to index
    %swap3A_321 = arith.constant 80 : index
    %swap3A_322 = tpu.vector_load %arg11[%swap3A_320, %swap3A_321] {strides = array<i32>} : memref<8x128xf32, #tpu.memory_space<vmem>>, vector<1x16xf32>,
    %swap3A_323 = vector.shape_cast %swap3A_322 : vector<1x16xf32> to vector<16xf32>
    %swap3A_324 = vector.shape_cast %broadcast_in_dim3A_1 : vector<16xf32> to vector<1x16xf32>
    tpu.vector_store %arg11[%swap3A_320, %swap3A_321], %swap3A_324 {strides = array<i32>} : memref<8x128xf32, #tpu.memory_space<vmem>>, vector<1x16xf32>,
    %swap3A_325 = arith.constant 6 : i32
    %swap3A_326 = arith.index_cast %swap3A_325 : i32 to index
    %swap3A_327 = arith.constant 96 : index
    %swap3A_328 = tpu.vector_load %arg11[%swap3A_326, %swap3A_327] {strides = array<i32>} : memref<8x128xf32, #tpu.memory_space<vmem>>, vector<1x16xf32>,
    %swap3A_329 = vector.shape_cast %swap3A_328 : vector<1x16xf32> to vector<16xf32>
    %swap3A_330 = vector.shape_cast %broadcast_in_dim3A_1 : vector<16xf32> to vector<1x16xf32>
    tpu.vector_store %arg11[%swap3A_326, %swap3A_327], %swap3A_330 {strides = array<i32>} : memref<8x128xf32, #tpu.memory_space<vmem>>, vector<1x16xf32>,
    %swap3A_331 = arith.constant 6 : i32
    %swap3A_332 = arith.index_cast %swap3A_331 : i32 to index
    %swap3A_333 = arith.constant 112 : index
    %swap3A_334 = tpu.vector_load %arg11[%swap3A_332, %swap3A_333] {strides = array<i32>} : memref<8x128xf32, #tpu.memory_space<vmem>>, vector<1x16xf32>,
    %swap3A_335 = vector.shape_cast %swap3A_334 : vector<1x16xf32> to vector<16xf32>
    %swap3A_336 = vector.shape_cast %broadcast_in_dim3A_1 : vector<16xf32> to vector<1x16xf32>
    tpu.vector_store %arg11[%swap3A_332, %swap3A_333], %swap3A_336 {strides = array<i32>} : memref<8x128xf32, #tpu.memory_space<vmem>>, vector<1x16xf32>,
    %swap3A_337 = arith.constant 7 : i32
    %swap3A_338 = arith.index_cast %swap3A_337 : i32 to index
    %swap3A_339 = arith.constant 0 : index
    %swap3A_340 = tpu.vector_load %arg11[%swap3A_338, %swap3A_339] {strides = array<i32>} : memref<8x128xf32, #tpu.memory_space<vmem>>, vector<1x16xf32>,
    %swap3A_341 = vector.shape_cast %swap3A_340 : vector<1x16xf32> to vector<16xf32>
    %swap3A_342 = vector.shape_cast %broadcast_in_dim3A_1 : vector<16xf32> to vector<1x16xf32>
    tpu.vector_store %arg11[%swap3A_338, %swap3A_339], %swap3A_342 {strides = array<i32>} : memref<8x128xf32, #tpu.memory_space<vmem>>, vector<1x16xf32>,
    %swap3A_343 = arith.constant 7 : i32
    %swap3A_344 = arith.index_cast %swap3A_343 : i32 to index
    %swap3A_345 = arith.constant 16 : index
    %swap3A_346 = tpu.vector_load %arg11[%swap3A_344, %swap3A_345] {strides = array<i32>} : memref<8x128xf32, #tpu.memory_space<vmem>>, vector<1x16xf32>,
    %swap3A_347 = vector.shape_cast %swap3A_346 : vector<1x16xf32> to vector<16xf32>
    %swap3A_348 = vector.shape_cast %broadcast_in_dim3A_1 : vector<16xf32> to vector<1x16xf32>
    tpu.vector_store %arg11[%swap3A_344, %swap3A_345], %swap3A_348 {strides = array<i32>} : memref<8x128xf32, #tpu.memory_space<vmem>>, vector<1x16xf32>,
    %swap3A_349 = arith.constant 7 : i32
    %swap3A_350 = arith.index_cast %swap3A_349 : i32 to index
    %swap3A_351 = arith.constant 32 : index
    %swap3A_352 = tpu.vector_load %arg11[%swap3A_350, %swap3A_351] {strides = array<i32>} : memref<8x128xf32, #tpu.memory_space<vmem>>, vector<1x16xf32>,
    %swap3A_353 = vector.shape_cast %swap3A_352 : vector<1x16xf32> to vector<16xf32>
    %swap3A_354 = vector.shape_cast %broadcast_in_dim3A_1 : vector<16xf32> to vector<1x16xf32>
    tpu.vector_store %arg11[%swap3A_350, %swap3A_351], %swap3A_354 {strides = array<i32>} : memref<8x128xf32, #tpu.memory_space<vmem>>, vector<1x16xf32>,
    %swap3A_355 = arith.constant 7 : i32
    %swap3A_356 = arith.index_cast %swap3A_355 : i32 to index
    %swap3A_357 = arith.constant 48 : index
    %swap3A_358 = tpu.vector_load %arg11[%swap3A_356, %swap3A_357] {strides = array<i32>} : memref<8x128xf32, #tpu.memory_space<vmem>>, vector<1x16xf32>,
    %swap3A_359 = vector.shape_cast %swap3A_358 : vector<1x16xf32> to vector<16xf32>
    %swap3A_360 = vector.shape_cast %broadcast_in_dim3A_1 : vector<16xf32> to vector<1x16xf32>
    tpu.vector_store %arg11[%swap3A_356, %swap3A_357], %swap3A_360 {strides = array<i32>} : memref<8x128xf32, #tpu.memory_space<vmem>>, vector<1x16xf32>,
    %swap3A_361 = arith.constant 7 : i32
    %swap3A_362 = arith.index_cast %swap3A_361 : i32 to index
    %swap3A_363 = arith.constant 64 : index
    %swap3A_364 = tpu.vector_load %arg11[%swap3A_362, %swap3A_363] {strides = array<i32>} : memref<8x128xf32, #tpu.memory_space<vmem>>, vector<1x16xf32>,
    %swap3A_365 = vector.shape_cast %swap3A_364 : vector<1x16xf32> to vector<16xf32>
    %swap3A_366 = vector.shape_cast %broadcast_in_dim3A_1 : vector<16xf32> to vector<1x16xf32>
    tpu.vector_store %arg11[%swap3A_362, %swap3A_363], %swap3A_366 {strides = array<i32>} : memref<8x128xf32, #tpu.memory_space<vmem>>, vector<1x16xf32>,
    %swap3A_367 = arith.constant 7 : i32
    %swap3A_368 = arith.index_cast %swap3A_367 : i32 to index
    %swap3A_369 = arith.constant 80 : index
    %swap3A_370 = tpu.vector_load %arg11[%swap3A_368, %swap3A_369] {strides = array<i32>} : memref<8x128xf32, #tpu.memory_space<vmem>>, vector<1x16xf32>,
    %swap3A_371 = vector.shape_cast %swap3A_370 : vector<1x16xf32> to vector<16xf32>
    %swap3A_372 = vector.shape_cast %broadcast_in_dim3A_1 : vector<16xf32> to vector<1x16xf32>
    tpu.vector_store %arg11[%swap3A_368, %swap3A_369], %swap3A_372 {strides = array<i32>} : memref<8x128xf32, #tpu.memory_space<vmem>>, vector<1x16xf32>,
    %swap3A_373 = arith.constant 7 : i32
    %swap3A_374 = arith.index_cast %swap3A_373 : i32 to index
    %swap3A_375 = arith.constant 96 : index
    %swap3A_376 = tpu.vector_load %arg11[%swap3A_374, %swap3A_375] {strides = array<i32>} : memref<8x128xf32, #tpu.memory_space<vmem>>, vector<1x16xf32>,
    %swap3A_377 = vector.shape_cast %swap3A_376 : vector<1x16xf32> to vector<16xf32>
    %swap3A_378 = vector.shape_cast %broadcast_in_dim3A_1 : vector<16xf32> to vector<1x16xf32>
    tpu.vector_store %arg11[%swap3A_374, %swap3A_375], %swap3A_378 {strides = array<i32>} : memref<8x128xf32, #tpu.memory_space<vmem>>, vector<1x16xf32>,
    %swap3A_379 = arith.constant 7 : i32
    %swap3A_380 = arith.index_cast %swap3A_379 : i32 to index
    %swap3A_381 = arith.constant 112 : index
    %swap3A_382 = tpu.vector_load %arg11[%swap3A_380, %swap3A_381] {strides = array<i32>} : memref<8x128xf32, #tpu.memory_space<vmem>>, vector<1x16xf32>,
    %swap3A_383 = vector.shape_cast %swap3A_382 : vector<1x16xf32> to vector<16xf32>
    %swap3A_384 = vector.shape_cast %broadcast_in_dim3A_1 : vector<16xf32> to vector<1x16xf32>
    tpu.vector_store %arg11[%swap3A_380, %swap3A_381], %swap3A_384 {strides = array<i32>} : memref<8x128xf32, #tpu.memory_space<vmem>>, vector<1x16xf32>,
    %scan3A = arith.constant 0 : i32
    %scan3A_385 = arith.constant 0 : i32
    %scan3A_386 = arith.constant 80 : i32
    %scan3A_387 = arith.addi %scan3A_385, %scan3A_386 : i32
    %scan3A_388 = arith.constant 1 : i32
    scf.for %scan3A_435 = %scan3A_385 to %scan3A_387 step %scan3A_388  : i32 {
      %mul3A_436 = arith.constant 640 : i32
      %mul3A_437 = arith.muli %arg1, %mul3A_436 : i32
      %mul3A_438 = arith.constant 8 : i32
      %mul3A_439 = arith.muli %scan3A_435, %mul3A_438 : i32
      %add3A_440 = arith.addi %mul3A_437, %mul3A_439 : i32
      %dma_start3A_441 = arith.constant 0 : i32
      %dma_start3A_442 = tpu.memref_slice %arg17[%add3A_440, %dma_start3A_441] : memref<10240x128xf32, #tpu.memory_space<vmem_shared>> -> memref<8x128xf32, #tpu.memory_space<vmem_shared>>
      %dma_start3A_443 = arith.constant 0 : i32
      %dma_start3A_444 = tpu.memref_slice %arg17[%add3A_440, %dma_start3A_443] : memref<10240x128xf32, #tpu.memory_space<vmem_shared>> -> memref<8x128xf32, #tpu.memory_space<vmem_shared>>
      tpu.enqueue_dma source(%arg11 : memref<8x128xf32, #tpu.memory_space<vmem>>) target(%dma_start3A_444 : memref<8x128xf32, #tpu.memory_space<vmem_shared>>) target_semaphore(%arg16 : memref<!tpu.dma_semaphore, #tpu.memory_space<semaphore_mem>>)
    }
    %scan3A_389 = arith.constant 80 : i32
    "tpu.region"() ({
      %run_scoped3A = tpu.sem_alloc : memref<!tpu.dma_semaphore, #tpu.memory_space<semaphore_mem>>
      %dma_start3A_435 = arith.constant 0 : i32
      %dma_start3A_436 = arith.constant 0 : i32
      %dma_start3A_437 = tpu.memref_slice %arg3[%add3A, %dma_start3A_435, %dma_start3A_436] : memref<32x80x128xi32, #tpu.memory_space<hbm>> -> memref<1x80x128xi32, #tpu.memory_space<hbm>>
      %dma_start3A_438 = tpu.memref_squeeze %dma_start3A_437 : memref<1x80x128xi32, #tpu.memory_space<hbm>> -> memref<80x128xi32, #tpu.memory_space<hbm>>
      %dma_start3A_439 = arith.constant 0 : i32
      %dma_start3A_440 = arith.constant 0 : i32
      %dma_start3A_441 = tpu.memref_slice %arg3[%add3A, %dma_start3A_439, %dma_start3A_440] : memref<32x80x128xi32, #tpu.memory_space<hbm>> -> memref<1x80x128xi32, #tpu.memory_space<hbm>>
      %dma_start3A_442 = tpu.memref_squeeze %dma_start3A_441 : memref<1x80x128xi32, #tpu.memory_space<hbm>> -> memref<80x128xi32, #tpu.memory_space<hbm>>
      tpu.enqueue_dma source(%dma_start3A_442 : memref<80x128xi32, #tpu.memory_space<hbm>>) target(%arg6 : memref<80x128xi32, #tpu.memory_space<vmem>>) target_semaphore(%run_scoped3A : memref<!tpu.dma_semaphore, #tpu.memory_space<semaphore_mem>>)
      %dma_wait3A = arith.constant 0 : i32
      %dma_wait3A_443 = arith.constant 0 : i32
      %dma_wait3A_444 = tpu.memref_slice %arg3[%add3A, %dma_wait3A, %dma_wait3A_443] : memref<32x80x128xi32, #tpu.memory_space<hbm>> -> memref<1x80x128xi32, #tpu.memory_space<hbm>>
      %dma_wait3A_445 = tpu.memref_squeeze %dma_wait3A_444 : memref<1x80x128xi32, #tpu.memory_space<hbm>> -> memref<80x128xi32, #tpu.memory_space<hbm>>
      %dma_wait3A_446 = arith.constant 0 : i32
      %dma_wait3A_447 = arith.constant 0 : i32
      %dma_wait3A_448 = tpu.memref_slice %arg3[%add3A, %dma_wait3A_446, %dma_wait3A_447] : memref<32x80x128xi32, #tpu.memory_space<hbm>> -> memref<1x80x128xi32, #tpu.memory_space<hbm>>
      %dma_wait3A_449 = tpu.memref_squeeze %dma_wait3A_448 : memref<1x80x128xi32, #tpu.memory_space<hbm>> -> memref<80x128xi32, #tpu.memory_space<hbm>>
      tpu.wait_dma2 semaphore(%run_scoped3A : memref<!tpu.dma_semaphore, #tpu.memory_space<semaphore_mem>>) src(%dma_wait3A_449 : memref<80x128xi32, #tpu.memory_space<hbm>>) dst(%arg6 : memref<80x128xi32, #tpu.memory_space<vmem>>)
      tpu.yield
    }) : () -> ()
    %mul3A_390 = arith.constant 80 : i32
    %mul3A_391 = arith.muli %add3A, %mul3A_390 : i32
    %dma_start3A = arith.constant 0 : i32
    %dma_start3A_392 = tpu.memref_slice %arg4[%mul3A_391, %dma_start3A] : memref<2560x128xi32, #tpu.memory_space<hbm>> -> memref<8x128xi32, #tpu.memory_space<hbm>>
    %dma_start3A_393 = arith.constant 0 : i32
    %dma_start3A_394 = tpu.memref_slice %arg4[%mul3A_391, %dma_start3A_393] : memref<2560x128xi32, #tpu.memory_space<hbm>> -> memref<8x128xi32, #tpu.memory_space<hbm>>
    tpu.enqueue_dma source(%dma_start3A_394 : memref<8x128xi32, #tpu.memory_space<hbm>>) target(%arg7 : memref<8x128xi32, #tpu.memory_space<vmem>>) target_semaphore(%arg14 : memref<!tpu.dma_semaphore, #tpu.memory_space<semaphore_mem>>)
    %add3A_395 = arith.constant 8 : i32
    %add3A_396 = arith.addi %mul3A_391, %add3A_395 : i32
    %dma_start3A_397 = arith.constant 0 : i32
    %dma_start3A_398 = tpu.memref_slice %arg4[%add3A_396, %dma_start3A_397] : memref<2560x128xi32, #tpu.memory_space<hbm>> -> memref<8x128xi32, #tpu.memory_space<hbm>>
    %dma_start3A_399 = arith.constant 0 : i32
    %dma_start3A_400 = tpu.memref_slice %arg4[%add3A_396, %dma_start3A_399] : memref<2560x128xi32, #tpu.memory_space<hbm>> -> memref<8x128xi32, #tpu.memory_space<hbm>>
    tpu.enqueue_dma source(%dma_start3A_400 : memref<8x128xi32, #tpu.memory_space<hbm>>) target(%arg8 : memref<8x128xi32, #tpu.memory_space<vmem>>) target_semaphore(%arg15 : memref<!tpu.dma_semaphore, #tpu.memory_space<semaphore_mem>>)
    %dma_start3A_401 = arith.constant 0 : i32
    %dma_start3A_402 = arith.constant 0 : i32
    %dma_start3A_403 = tpu.memref_slice %arg6[%dma_start3A_401, %dma_start3A_402] : memref<80x128xi32, #tpu.memory_space<vmem>> -> memref<1x128xi32, #tpu.memory_space<vmem>>
    %dma_start3A_404 = tpu.memref_squeeze %dma_start3A_403 : memref<1x128xi32, #tpu.memory_space<vmem>> -> memref<128xi32, #tpu.memory_space<vmem>>
    %dma_start3A_405 = arith.constant 0 : i32
    %dma_start3A_406 = arith.constant 0 : i32
    %dma_start3A_407 = tpu.memref_slice %arg2[%dma_start3A_405, %dma_start3A_406] : memref<10000x128xf32, #tpu.memory_space<hbm>> -> memref<10000x128xf32, #tpu.memory_space<hbm>>
    tpu.enqueue_indirect_dma source(%dma_start3A_407 : memref<10000x128xf32, #tpu.memory_space<hbm>>) target(%arg9 : memref<128x128xf32, #tpu.memory_space<vmem>>) offsets(%dma_start3A_404 : memref<128xi32, #tpu.memory_space<vmem>>) semaphore(%arg12 : memref<!tpu.dma_semaphore, #tpu.memory_space<semaphore_mem>>)
    %dma_start3A_408 = arith.constant 1 : i32
    %dma_start3A_409 = arith.constant 0 : i32
    %dma_start3A_410 = tpu.memref_slice %arg6[%dma_start3A_408, %dma_start3A_409] : memref<80x128xi32, #tpu.memory_space<vmem>> -> memref<1x128xi32, #tpu.memory_space<vmem>>
    %dma_start3A_411 = tpu.memref_squeeze %dma_start3A_410 : memref<1x128xi32, #tpu.memory_space<vmem>> -> memref<128xi32, #tpu.memory_space<vmem>>
    %dma_start3A_412 = arith.constant 0 : i32
    %dma_start3A_413 = arith.constant 0 : i32
    %dma_start3A_414 = tpu.memref_slice %arg2[%dma_start3A_412, %dma_start3A_413] : memref<10000x128xf32, #tpu.memory_space<hbm>> -> memref<10000x128xf32, #tpu.memory_space<hbm>>
    tpu.enqueue_indirect_dma source(%dma_start3A_414 : memref<10000x128xf32, #tpu.memory_space<hbm>>) target(%arg10 : memref<128x128xf32, #tpu.memory_space<vmem>>) offsets(%dma_start3A_411 : memref<128xi32, #tpu.memory_space<vmem>>) semaphore(%arg13 : memref<!tpu.dma_semaphore, #tpu.memory_space<semaphore_mem>>)
    %scan3A_415 = arith.constant 0 : i32
    %scan3A_416 = arith.constant 0 : i32
    %scan3A_417 = arith.constant 80 : i32
    %scan3A_418 = arith.addi %scan3A_416, %scan3A_417 : i32
    %scan3A_419 = arith.constant 1 : i32
    scf.for %scan3A_435 = %scan3A_416 to %scan3A_418 step %scan3A_419  : i32 {
      %mul3A_436 = arith.constant 640 : i32
      %mul3A_437 = arith.muli %arg1, %mul3A_436 : i32
      %mul3A_438 = arith.constant 8 : i32
      %mul3A_439 = arith.muli %scan3A_435, %mul3A_438 : i32
      %add3A_440 = arith.addi %mul3A_437, %mul3A_439 : i32
      %dma_wait3A = arith.constant 0 : i32
      %dma_wait3A_441 = tpu.memref_slice %arg17[%add3A_440, %dma_wait3A] : memref<10240x128xf32, #tpu.memory_space<vmem_shared>> -> memref<8x128xf32, #tpu.memory_space<vmem_shared>>
      %dma_wait3A_442 = arith.constant 0 : i32
      %dma_wait3A_443 = tpu.memref_slice %arg17[%add3A_440, %dma_wait3A_442] : memref<10240x128xf32, #tpu.memory_space<vmem_shared>> -> memref<8x128xf32, #tpu.memory_space<vmem_shared>>
      tpu.wait_dma2 semaphore(%arg16 : memref<!tpu.dma_semaphore, #tpu.memory_space<semaphore_mem>>) src(%arg11 : memref<8x128xf32, #tpu.memory_space<vmem>>) dst(%dma_wait3A_443 : memref<8x128xf32, #tpu.memory_space<vmem_shared>>)
    }
    %scan3A_420 = arith.constant 80 : i32
    %barrier3A = arith.constant 0 : index
    tpu.barrier barrier_id(%barrier3A)
    %scan3A_421 = arith.constant 0 : i32
    %scan3A_422 = arith.constant 0 : i32
    %scan3A_423 = arith.constant 5 : i32
    %scan3A_424 = arith.addi %scan3A_422, %scan3A_423 : i32
    %scan3A_425 = arith.constant 1 : i32
    scf.for %scan3A_435 = %scan3A_422 to %scan3A_424 step %scan3A_425  : i32 {
      %mul3A_436 = arith.constant 2 : i32
      %mul3A_437 = arith.muli %mul3A_436, %scan3A_435 : i32
      %add3A_438 = arith.constant 0 : i32
      %add3A_439 = arith.addi %mul3A_437, %add3A_438 : i32
      %mul3A_440 = arith.constant 8 : i32
      %mul3A_441 = arith.muli %mul3A_440, %add3A_439 : i32
      %add3A_442 = arith.addi %mul3A_391, %mul3A_441 : i32
      %dma_wait3A = arith.constant 0 : i32
      %dma_wait3A_443 = tpu.memref_slice %arg4[%add3A_442, %dma_wait3A] : memref<2560x128xi32, #tpu.memory_space<hbm>> -> memref<8x128xi32, #tpu.memory_space<hbm>>
      %dma_wait3A_444 = arith.constant 0 : i32
      %dma_wait3A_445 = tpu.memref_slice %arg4[%add3A_442, %dma_wait3A_444] : memref<2560x128xi32, #tpu.memory_space<hbm>> -> memref<8x128xi32, #tpu.memory_space<hbm>>
      tpu.wait_dma2 semaphore(%arg14 : memref<!tpu.dma_semaphore, #tpu.memory_space<semaphore_mem>>) src(%dma_wait3A_445 : memref<8x128xi32, #tpu.memory_space<hbm>>) dst(%arg7 : memref<8x128xi32, #tpu.memory_space<vmem>>)
      %scan3A_446 = arith.constant 0 : i32
      %scan3A_447 = arith.constant 0 : i32
      %scan3A_448 = arith.constant 4 : i32
      %scan3A_449 = arith.addi %scan3A_447, %scan3A_448 : i32
      %scan3A_450 = arith.constant 1 : i32
      scf.for %scan3A_480 = %scan3A_447 to %scan3A_449 step %scan3A_450  : i32 {
        %mul3A_481 = arith.constant 2 : i32
        %mul3A_482 = arith.muli %mul3A_481, %scan3A_480 : i32
        %add3A_483 = arith.constant 0 : i32
        %add3A_484 = arith.addi %mul3A_482, %add3A_483 : i32
        %mul3A_485 = arith.constant 8 : i32
        %mul3A_486 = arith.muli %mul3A_485, %add3A_439 : i32
        %add3A_487 = arith.addi %mul3A_486, %add3A_484 : i32
        %dma_wait3A_488 = arith.constant 0 : i32
        %dma_wait3A_489 = tpu.memref_slice %arg6[%add3A_487, %dma_wait3A_488] : memref<80x128xi32, #tpu.memory_space<vmem>> -> memref<1x128xi32, #tpu.memory_space<vmem>>
        %dma_wait3A_490 = tpu.memref_squeeze %dma_wait3A_489 : memref<1x128xi32, #tpu.memory_space<vmem>> -> memref<128xi32, #tpu.memory_space<vmem>>
        %dma_wait3A_491 = arith.constant 0 : i32
        %dma_wait3A_492 = arith.constant 0 : i32
        %dma_wait3A_493 = tpu.memref_slice %arg2[%dma_wait3A_491, %dma_wait3A_492] : memref<10000x128xf32, #tpu.memory_space<hbm>> -> memref<10000x128xf32, #tpu.memory_space<hbm>>
        tpu.wait_indirect_dma semaphore(%arg12 : memref<!tpu.dma_semaphore, #tpu.memory_space<semaphore_mem>>) src(%dma_wait3A_493 : memref<10000x128xf32, #tpu.memory_space<hbm>>) dst(%arg9 : memref<128x128xf32, #tpu.memory_space<vmem>>)
        "tpu.region"() ({
          %run_scoped3A = tpu.sem_alloc : memref<!tpu.dma_semaphore, #tpu.memory_space<semaphore_mem>>
          %dma_start3A_521 = arith.constant 0 : i32
          %dma_start3A_522 = tpu.memref_slice %arg7[%add3A_484, %dma_start3A_521] : memref<8x128xi32, #tpu.memory_space<vmem>> -> memref<1x128xi32, #tpu.memory_space<vmem>>
          %dma_start3A_523 = tpu.memref_squeeze %dma_start3A_522 : memref<1x128xi32, #tpu.memory_space<vmem>> -> memref<128xi32, #tpu.memory_space<vmem>>
          %dma_start3A_524 = arith.constant 0 : i32
          %dma_start3A_525 = arith.constant 0 : i32
          %dma_start3A_526 = tpu.memref_slice %arg17[%dma_start3A_524, %dma_start3A_525] : memref<10240x128xf32, #tpu.memory_space<vmem_shared>> -> memref<10240x128xf32, #tpu.memory_space<vmem_shared>>
          tpu.enqueue_indirect_dma source(%arg9 : memref<128x128xf32, #tpu.memory_space<vmem>>) target(%dma_start3A_526 : memref<10240x128xf32, #tpu.memory_space<vmem_shared>>) offsets(%dma_start3A_523 : memref<128xi32, #tpu.memory_space<vmem>>) semaphore(%run_scoped3A : memref<!tpu.dma_semaphore, #tpu.memory_space<semaphore_mem>>) {add = true}
          %dma_wait3A_527 = arith.constant 0 : i32
          %dma_wait3A_528 = tpu.memref_slice %arg7[%add3A_484, %dma_wait3A_527] : memref<8x128xi32, #tpu.memory_space<vmem>> -> memref<1x128xi32, #tpu.memory_space<vmem>>
          %dma_wait3A_529 = tpu.memref_squeeze %dma_wait3A_528 : memref<1x128xi32, #tpu.memory_space<vmem>> -> memref<128xi32, #tpu.memory_space<vmem>>
          %dma_wait3A_530 = arith.constant 0 : i32
          %dma_wait3A_531 = arith.constant 0 : i32
          %dma_wait3A_532 = tpu.memref_slice %arg17[%dma_wait3A_530, %dma_wait3A_531] : memref<10240x128xf32, #tpu.memory_space<vmem_shared>> -> memref<10240x128xf32, #tpu.memory_space<vmem_shared>>
          tpu.wait_indirect_dma semaphore(%run_scoped3A : memref<!tpu.dma_semaphore, #tpu.memory_space<semaphore_mem>>) src(%arg9 : memref<128x128xf32, #tpu.memory_space<vmem>>) dst(%dma_wait3A_532 : memref<10240x128xf32, #tpu.memory_space<vmem_shared>>)
          tpu.yield
        }) : () -> ()
        %add3A_494 = arith.constant 2 : i32
        %add3A_495 = arith.addi %add3A_487, %add3A_494 : i32
        %lt3A_496 = arith.constant 80 : i32
        %lt3A_497 = arith.cmpi slt, %add3A_495, %lt3A_496 : i32
        %convert_element_type3A_498 = arith.extui %lt3A_497 : i1 to i32
        %cond3A_499 = arith.constant 0 : i32
        %cond3A_500 = arith.cmpi ne, %convert_element_type3A_498, %cond3A_499 : i32
        scf.if %cond3A_500 {
          %add3A_521 = arith.constant 2 : i32
          %add3A_522 = arith.addi %add3A_487, %add3A_521 : i32
          %dma_start3A_523 = arith.constant 0 : i32
          %dma_start3A_524 = tpu.memref_slice %arg6[%add3A_522, %dma_start3A_523] : memref<80x128xi32, #tpu.memory_space<vmem>> -> memref<1x128xi32, #tpu.memory_space<vmem>>
          %dma_start3A_525 = tpu.memref_squeeze %dma_start3A_524 : memref<1x128xi32, #tpu.memory_space<vmem>> -> memref<128xi32, #tpu.memory_space<vmem>>
          %dma_start3A_526 = arith.constant 0 : i32
          %dma_start3A_527 = arith.constant 0 : i32
          %dma_start3A_528 = tpu.memref_slice %arg2[%dma_start3A_526, %dma_start3A_527] : memref<10000x128xf32, #tpu.memory_space<hbm>> -> memref<10000x128xf32, #tpu.memory_space<hbm>>
          tpu.enqueue_indirect_dma source(%dma_start3A_528 : memref<10000x128xf32, #tpu.memory_space<hbm>>) target(%arg9 : memref<128x128xf32, #tpu.memory_space<vmem>>) offsets(%dma_start3A_525 : memref<128xi32, #tpu.memory_space<vmem>>) semaphore(%arg12 : memref<!tpu.dma_semaphore, #tpu.memory_space<semaphore_mem>>)
        } else {
        }
        %mul3A_501 = arith.constant 2 : i32
        %mul3A_502 = arith.muli %mul3A_501, %scan3A_480 : i32
        %add3A_503 = arith.constant 1 : i32
        %add3A_504 = arith.addi %mul3A_502, %add3A_503 : i32
        %mul3A_505 = arith.constant 8 : i32
        %mul3A_506 = arith.muli %mul3A_505, %add3A_439 : i32
        %add3A_507 = arith.addi %mul3A_506, %add3A_504 : i32
        %dma_wait3A_508 = arith.constant 0 : i32
        %dma_wait3A_509 = tpu.memref_slice %arg6[%add3A_507, %dma_wait3A_508] : memref<80x128xi32, #tpu.memory_space<vmem>> -> memref<1x128xi32, #tpu.memory_space<vmem>>
        %dma_wait3A_510 = tpu.memref_squeeze %dma_wait3A_509 : memref<1x128xi32, #tpu.memory_space<vmem>> -> memref<128xi32, #tpu.memory_space<vmem>>
        %dma_wait3A_511 = arith.constant 0 : i32
        %dma_wait3A_512 = arith.constant 0 : i32
        %dma_wait3A_513 = tpu.memref_slice %arg2[%dma_wait3A_511, %dma_wait3A_512] : memref<10000x128xf32, #tpu.memory_space<hbm>> -> memref<10000x128xf32, #tpu.memory_space<hbm>>
        tpu.wait_indirect_dma semaphore(%arg13 : memref<!tpu.dma_semaphore, #tpu.memory_space<semaphore_mem>>) src(%dma_wait3A_513 : memref<10000x128xf32, #tpu.memory_space<hbm>>) dst(%arg10 : memref<128x128xf32, #tpu.memory_space<vmem>>)
        "tpu.region"() ({
          %run_scoped3A = tpu.sem_alloc : memref<!tpu.dma_semaphore, #tpu.memory_space<semaphore_mem>>
          %dma_start3A_521 = arith.constant 0 : i32
          %dma_start3A_522 = tpu.memref_slice %arg7[%add3A_504, %dma_start3A_521] : memref<8x128xi32, #tpu.memory_space<vmem>> -> memref<1x128xi32, #tpu.memory_space<vmem>>
          %dma_start3A_523 = tpu.memref_squeeze %dma_start3A_522 : memref<1x128xi32, #tpu.memory_space<vmem>> -> memref<128xi32, #tpu.memory_space<vmem>>
          %dma_start3A_524 = arith.constant 0 : i32
          %dma_start3A_525 = arith.constant 0 : i32
          %dma_start3A_526 = tpu.memref_slice %arg17[%dma_start3A_524, %dma_start3A_525] : memref<10240x128xf32, #tpu.memory_space<vmem_shared>> -> memref<10240x128xf32, #tpu.memory_space<vmem_shared>>
          tpu.enqueue_indirect_dma source(%arg10 : memref<128x128xf32, #tpu.memory_space<vmem>>) target(%dma_start3A_526 : memref<10240x128xf32, #tpu.memory_space<vmem_shared>>) offsets(%dma_start3A_523 : memref<128xi32, #tpu.memory_space<vmem>>) semaphore(%run_scoped3A : memref<!tpu.dma_semaphore, #tpu.memory_space<semaphore_mem>>) {add = true}
          %dma_wait3A_527 = arith.constant 0 : i32
          %dma_wait3A_528 = tpu.memref_slice %arg7[%add3A_504, %dma_wait3A_527] : memref<8x128xi32, #tpu.memory_space<vmem>> -> memref<1x128xi32, #tpu.memory_space<vmem>>
          %dma_wait3A_529 = tpu.memref_squeeze %dma_wait3A_528 : memref<1x128xi32, #tpu.memory_space<vmem>> -> memref<128xi32, #tpu.memory_space<vmem>>
          %dma_wait3A_530 = arith.constant 0 : i32
          %dma_wait3A_531 = arith.constant 0 : i32
          %dma_wait3A_532 = tpu.memref_slice %arg17[%dma_wait3A_530, %dma_wait3A_531] : memref<10240x128xf32, #tpu.memory_space<vmem_shared>> -> memref<10240x128xf32, #tpu.memory_space<vmem_shared>>
          tpu.wait_indirect_dma semaphore(%run_scoped3A : memref<!tpu.dma_semaphore, #tpu.memory_space<semaphore_mem>>) src(%arg10 : memref<128x128xf32, #tpu.memory_space<vmem>>) dst(%dma_wait3A_532 : memref<10240x128xf32, #tpu.memory_space<vmem_shared>>)
          tpu.yield
        }) : () -> ()
        %add3A_514 = arith.constant 2 : i32
        %add3A_515 = arith.addi %add3A_507, %add3A_514 : i32
        %lt3A_516 = arith.constant 80 : i32
        %lt3A_517 = arith.cmpi slt, %add3A_515, %lt3A_516 : i32
        %convert_element_type3A_518 = arith.extui %lt3A_517 : i1 to i32
        %cond3A_519 = arith.constant 0 : i32
        %cond3A_520 = arith.cmpi ne, %convert_element_type3A_518, %cond3A_519 : i32
        scf.if %cond3A_520 {
          %add3A_521 = arith.constant 2 : i32
          %add3A_522 = arith.addi %add3A_507, %add3A_521 : i32
          %dma_start3A_523 = arith.constant 0 : i32
          %dma_start3A_524 = tpu.memref_slice %arg6[%add3A_522, %dma_start3A_523] : memref<80x128xi32, #tpu.memory_space<vmem>> -> memref<1x128xi32, #tpu.memory_space<vmem>>
          %dma_start3A_525 = tpu.memref_squeeze %dma_start3A_524 : memref<1x128xi32, #tpu.memory_space<vmem>> -> memref<128xi32, #tpu.memory_space<vmem>>
          %dma_start3A_526 = arith.constant 0 : i32
          %dma_start3A_527 = arith.constant 0 : i32
          %dma_start3A_528 = tpu.memref_slice %arg2[%dma_start3A_526, %dma_start3A_527] : memref<10000x128xf32, #tpu.memory_space<hbm>> -> memref<10000x128xf32, #tpu.memory_space<hbm>>
          tpu.enqueue_indirect_dma source(%dma_start3A_528 : memref<10000x128xf32, #tpu.memory_space<hbm>>) target(%arg10 : memref<128x128xf32, #tpu.memory_space<vmem>>) offsets(%dma_start3A_525 : memref<128xi32, #tpu.memory_space<vmem>>) semaphore(%arg13 : memref<!tpu.dma_semaphore, #tpu.memory_space<semaphore_mem>>)
        } else {
        }
      }
      %scan3A_451 = arith.constant 4 : i32
      %add3A_452 = arith.constant 2 : i32
      %add3A_453 = arith.addi %add3A_439, %add3A_452 : i32
      %lt3A = arith.constant 10 : i32
      %lt3A_454 = arith.cmpi slt, %add3A_453, %lt3A : i32
      %convert_element_type3A = arith.extui %lt3A_454 : i1 to i32
      %cond3A = arith.constant 0 : i32
      %cond3A_455 = arith.cmpi ne, %convert_element_type3A, %cond3A : i32
      scf.if %cond3A_455 {
        %add3A_480 = arith.constant 2 : i32
        %add3A_481 = arith.addi %add3A_439, %add3A_480 : i32
        %mul3A_482 = arith.constant 8 : i32
        %mul3A_483 = arith.muli %mul3A_482, %add3A_481 : i32
        %add3A_484 = arith.addi %mul3A_391, %mul3A_483 : i32
        %dma_start3A_485 = arith.constant 0 : i32
        %dma_start3A_486 = tpu.memref_slice %arg4[%add3A_484, %dma_start3A_485] : memref<2560x128xi32, #tpu.memory_space<hbm>> -> memref<8x128xi32, #tpu.memory_space<hbm>>
        %dma_start3A_487 = arith.constant 0 : i32
        %dma_start3A_488 = tpu.memref_slice %arg4[%add3A_484, %dma_start3A_487] : memref<2560x128xi32, #tpu.memory_space<hbm>> -> memref<8x128xi32, #tpu.memory_space<hbm>>
        tpu.enqueue_dma source(%dma_start3A_488 : memref<8x128xi32, #tpu.memory_space<hbm>>) target(%arg7 : memref<8x128xi32, #tpu.memory_space<vmem>>) target_semaphore(%arg14 : memref<!tpu.dma_semaphore, #tpu.memory_space<semaphore_mem>>)
      } else {
      }
      %mul3A_456 = arith.constant 2 : i32
      %mul3A_457 = arith.muli %mul3A_456, %scan3A_435 : i32
      %add3A_458 = arith.constant 1 : i32
      %add3A_459 = arith.addi %mul3A_457, %add3A_458 : i32
      %mul3A_460 = arith.constant 8 : i32
      %mul3A_461 = arith.muli %mul3A_460, %add3A_459 : i32
      %add3A_462 = arith.addi %mul3A_391, %mul3A_461 : i32
      %dma_wait3A_463 = arith.constant 0 : i32
      %dma_wait3A_464 = tpu.memref_slice %arg4[%add3A_462, %dma_wait3A_463] : memref<2560x128xi32, #tpu.memory_space<hbm>> -> memref<8x128xi32, #tpu.memory_space<hbm>>
      %dma_wait3A_465 = arith.constant 0 : i32
      %dma_wait3A_466 = tpu.memref_slice %arg4[%add3A_462, %dma_wait3A_465] : memref<2560x128xi32, #tpu.memory_space<hbm>> -> memref<8x128xi32, #tpu.memory_space<hbm>>
      tpu.wait_dma2 semaphore(%arg15 : memref<!tpu.dma_semaphore, #tpu.memory_space<semaphore_mem>>) src(%dma_wait3A_466 : memref<8x128xi32, #tpu.memory_space<hbm>>) dst(%arg8 : memref<8x128xi32, #tpu.memory_space<vmem>>)
      %scan3A_467 = arith.constant 0 : i32
      %scan3A_468 = arith.constant 0 : i32
      %scan3A_469 = arith.constant 4 : i32
      %scan3A_470 = arith.addi %scan3A_468, %scan3A_469 : i32
      %scan3A_471 = arith.constant 1 : i32
      scf.for %scan3A_480 = %scan3A_468 to %scan3A_470 step %scan3A_471  : i32 {
        %mul3A_481 = arith.constant 2 : i32
        %mul3A_482 = arith.muli %mul3A_481, %scan3A_480 : i32
        %add3A_483 = arith.constant 0 : i32
        %add3A_484 = arith.addi %mul3A_482, %add3A_483 : i32
        %mul3A_485 = arith.constant 8 : i32
        %mul3A_486 = arith.muli %mul3A_485, %add3A_459 : i32
        %add3A_487 = arith.addi %mul3A_486, %add3A_484 : i32
        %dma_wait3A_488 = arith.constant 0 : i32
        %dma_wait3A_489 = tpu.memref_slice %arg6[%add3A_487, %dma_wait3A_488] : memref<80x128xi32, #tpu.memory_space<vmem>> -> memref<1x128xi32, #tpu.memory_space<vmem>>
        %dma_wait3A_490 = tpu.memref_squeeze %dma_wait3A_489 : memref<1x128xi32, #tpu.memory_space<vmem>> -> memref<128xi32, #tpu.memory_space<vmem>>
        %dma_wait3A_491 = arith.constant 0 : i32
        %dma_wait3A_492 = arith.constant 0 : i32
        %dma_wait3A_493 = tpu.memref_slice %arg2[%dma_wait3A_491, %dma_wait3A_492] : memref<10000x128xf32, #tpu.memory_space<hbm>> -> memref<10000x128xf32, #tpu.memory_space<hbm>>
        tpu.wait_indirect_dma semaphore(%arg12 : memref<!tpu.dma_semaphore, #tpu.memory_space<semaphore_mem>>) src(%dma_wait3A_493 : memref<10000x128xf32, #tpu.memory_space<hbm>>) dst(%arg9 : memref<128x128xf32, #tpu.memory_space<vmem>>)
        "tpu.region"() ({
          %run_scoped3A = tpu.sem_alloc : memref<!tpu.dma_semaphore, #tpu.memory_space<semaphore_mem>>
          %dma_start3A_521 = arith.constant 0 : i32
          %dma_start3A_522 = tpu.memref_slice %arg8[%add3A_484, %dma_start3A_521] : memref<8x128xi32, #tpu.memory_space<vmem>> -> memref<1x128xi32, #tpu.memory_space<vmem>>
          %dma_start3A_523 = tpu.memref_squeeze %dma_start3A_522 : memref<1x128xi32, #tpu.memory_space<vmem>> -> memref<128xi32, #tpu.memory_space<vmem>>
          %dma_start3A_524 = arith.constant 0 : i32
          %dma_start3A_525 = arith.constant 0 : i32
          %dma_start3A_526 = tpu.memref_slice %arg17[%dma_start3A_524, %dma_start3A_525] : memref<10240x128xf32, #tpu.memory_space<vmem_shared>> -> memref<10240x128xf32, #tpu.memory_space<vmem_shared>>
          tpu.enqueue_indirect_dma source(%arg9 : memref<128x128xf32, #tpu.memory_space<vmem>>) target(%dma_start3A_526 : memref<10240x128xf32, #tpu.memory_space<vmem_shared>>) offsets(%dma_start3A_523 : memref<128xi32, #tpu.memory_space<vmem>>) semaphore(%run_scoped3A : memref<!tpu.dma_semaphore, #tpu.memory_space<semaphore_mem>>) {add = true}
          %dma_wait3A_527 = arith.constant 0 : i32
          %dma_wait3A_528 = tpu.memref_slice %arg8[%add3A_484, %dma_wait3A_527] : memref<8x128xi32, #tpu.memory_space<vmem>> -> memref<1x128xi32, #tpu.memory_space<vmem>>
          %dma_wait3A_529 = tpu.memref_squeeze %dma_wait3A_528 : memref<1x128xi32, #tpu.memory_space<vmem>> -> memref<128xi32, #tpu.memory_space<vmem>>
          %dma_wait3A_530 = arith.constant 0 : i32
          %dma_wait3A_531 = arith.constant 0 : i32
          %dma_wait3A_532 = tpu.memref_slice %arg17[%dma_wait3A_530, %dma_wait3A_531] : memref<10240x128xf32, #tpu.memory_space<vmem_shared>> -> memref<10240x128xf32, #tpu.memory_space<vmem_shared>>
          tpu.wait_indirect_dma semaphore(%run_scoped3A : memref<!tpu.dma_semaphore, #tpu.memory_space<semaphore_mem>>) src(%arg9 : memref<128x128xf32, #tpu.memory_space<vmem>>) dst(%dma_wait3A_532 : memref<10240x128xf32, #tpu.memory_space<vmem_shared>>)
          tpu.yield
        }) : () -> ()
        %add3A_494 = arith.constant 2 : i32
        %add3A_495 = arith.addi %add3A_487, %add3A_494 : i32
        %lt3A_496 = arith.constant 80 : i32
        %lt3A_497 = arith.cmpi slt, %add3A_495, %lt3A_496 : i32
        %convert_element_type3A_498 = arith.extui %lt3A_497 : i1 to i32
        %cond3A_499 = arith.constant 0 : i32
        %cond3A_500 = arith.cmpi ne, %convert_element_type3A_498, %cond3A_499 : i32
        scf.if %cond3A_500 {
          %add3A_521 = arith.constant 2 : i32
          %add3A_522 = arith.addi %add3A_487, %add3A_521 : i32
          %dma_start3A_523 = arith.constant 0 : i32
          %dma_start3A_524 = tpu.memref_slice %arg6[%add3A_522, %dma_start3A_523] : memref<80x128xi32, #tpu.memory_space<vmem>> -> memref<1x128xi32, #tpu.memory_space<vmem>>
          %dma_start3A_525 = tpu.memref_squeeze %dma_start3A_524 : memref<1x128xi32, #tpu.memory_space<vmem>> -> memref<128xi32, #tpu.memory_space<vmem>>
          %dma_start3A_526 = arith.constant 0 : i32
          %dma_start3A_527 = arith.constant 0 : i32
          %dma_start3A_528 = tpu.memref_slice %arg2[%dma_start3A_526, %dma_start3A_527] : memref<10000x128xf32, #tpu.memory_space<hbm>> -> memref<10000x128xf32, #tpu.memory_space<hbm>>
          tpu.enqueue_indirect_dma source(%dma_start3A_528 : memref<10000x128xf32, #tpu.memory_space<hbm>>) target(%arg9 : memref<128x128xf32, #tpu.memory_space<vmem>>) offsets(%dma_start3A_525 : memref<128xi32, #tpu.memory_space<vmem>>) semaphore(%arg12 : memref<!tpu.dma_semaphore, #tpu.memory_space<semaphore_mem>>)
        } else {
        }
        %mul3A_501 = arith.constant 2 : i32
        %mul3A_502 = arith.muli %mul3A_501, %scan3A_480 : i32
        %add3A_503 = arith.constant 1 : i32
        %add3A_504 = arith.addi %mul3A_502, %add3A_503 : i32
        %mul3A_505 = arith.constant 8 : i32
        %mul3A_506 = arith.muli %mul3A_505, %add3A_459 : i32
        %add3A_507 = arith.addi %mul3A_506, %add3A_504 : i32
        %dma_wait3A_508 = arith.constant 0 : i32
        %dma_wait3A_509 = tpu.memref_slice %arg6[%add3A_507, %dma_wait3A_508] : memref<80x128xi32, #tpu.memory_space<vmem>> -> memref<1x128xi32, #tpu.memory_space<vmem>>
        %dma_wait3A_510 = tpu.memref_squeeze %dma_wait3A_509 : memref<1x128xi32, #tpu.memory_space<vmem>> -> memref<128xi32, #tpu.memory_space<vmem>>
        %dma_wait3A_511 = arith.constant 0 : i32
        %dma_wait3A_512 = arith.constant 0 : i32
        %dma_wait3A_513 = tpu.memref_slice %arg2[%dma_wait3A_511, %dma_wait3A_512] : memref<10000x128xf32, #tpu.memory_space<hbm>> -> memref<10000x128xf32, #tpu.memory_space<hbm>>
        tpu.wait_indirect_dma semaphore(%arg13 : memref<!tpu.dma_semaphore, #tpu.memory_space<semaphore_mem>>) src(%dma_wait3A_513 : memref<10000x128xf32, #tpu.memory_space<hbm>>) dst(%arg10 : memref<128x128xf32, #tpu.memory_space<vmem>>)
        "tpu.region"() ({
          %run_scoped3A = tpu.sem_alloc : memref<!tpu.dma_semaphore, #tpu.memory_space<semaphore_mem>>
          %dma_start3A_521 = arith.constant 0 : i32
          %dma_start3A_522 = tpu.memref_slice %arg8[%add3A_504, %dma_start3A_521] : memref<8x128xi32, #tpu.memory_space<vmem>> -> memref<1x128xi32, #tpu.memory_space<vmem>>
          %dma_start3A_523 = tpu.memref_squeeze %dma_start3A_522 : memref<1x128xi32, #tpu.memory_space<vmem>> -> memref<128xi32, #tpu.memory_space<vmem>>
          %dma_start3A_524 = arith.constant 0 : i32
          %dma_start3A_525 = arith.constant 0 : i32
          %dma_start3A_526 = tpu.memref_slice %arg17[%dma_start3A_524, %dma_start3A_525] : memref<10240x128xf32, #tpu.memory_space<vmem_shared>> -> memref<10240x128xf32, #tpu.memory_space<vmem_shared>>
          tpu.enqueue_indirect_dma source(%arg10 : memref<128x128xf32, #tpu.memory_space<vmem>>) target(%dma_start3A_526 : memref<10240x128xf32, #tpu.memory_space<vmem_shared>>) offsets(%dma_start3A_523 : memref<128xi32, #tpu.memory_space<vmem>>) semaphore(%run_scoped3A : memref<!tpu.dma_semaphore, #tpu.memory_space<semaphore_mem>>) {add = true}
          %dma_wait3A_527 = arith.constant 0 : i32
          %dma_wait3A_528 = tpu.memref_slice %arg8[%add3A_504, %dma_wait3A_527] : memref<8x128xi32, #tpu.memory_space<vmem>> -> memref<1x128xi32, #tpu.memory_space<vmem>>
          %dma_wait3A_529 = tpu.memref_squeeze %dma_wait3A_528 : memref<1x128xi32, #tpu.memory_space<vmem>> -> memref<128xi32, #tpu.memory_space<vmem>>
          %dma_wait3A_530 = arith.constant 0 : i32
          %dma_wait3A_531 = arith.constant 0 : i32
          %dma_wait3A_532 = tpu.memref_slice %arg17[%dma_wait3A_530, %dma_wait3A_531] : memref<10240x128xf32, #tpu.memory_space<vmem_shared>> -> memref<10240x128xf32, #tpu.memory_space<vmem_shared>>
          tpu.wait_indirect_dma semaphore(%run_scoped3A : memref<!tpu.dma_semaphore, #tpu.memory_space<semaphore_mem>>) src(%arg10 : memref<128x128xf32, #tpu.memory_space<vmem>>) dst(%dma_wait3A_532 : memref<10240x128xf32, #tpu.memory_space<vmem_shared>>)
          tpu.yield
        }) : () -> ()
        %add3A_514 = arith.constant 2 : i32
        %add3A_515 = arith.addi %add3A_507, %add3A_514 : i32
        %lt3A_516 = arith.constant 80 : i32
        %lt3A_517 = arith.cmpi slt, %add3A_515, %lt3A_516 : i32
        %convert_element_type3A_518 = arith.extui %lt3A_517 : i1 to i32
        %cond3A_519 = arith.constant 0 : i32
        %cond3A_520 = arith.cmpi ne, %convert_element_type3A_518, %cond3A_519 : i32
        scf.if %cond3A_520 {
          %add3A_521 = arith.constant 2 : i32
          %add3A_522 = arith.addi %add3A_507, %add3A_521 : i32
          %dma_start3A_523 = arith.constant 0 : i32
          %dma_start3A_524 = tpu.memref_slice %arg6[%add3A_522, %dma_start3A_523] : memref<80x128xi32, #tpu.memory_space<vmem>> -> memref<1x128xi32, #tpu.memory_space<vmem>>
          %dma_start3A_525 = tpu.memref_squeeze %dma_start3A_524 : memref<1x128xi32, #tpu.memory_space<vmem>> -> memref<128xi32, #tpu.memory_space<vmem>>
          %dma_start3A_526 = arith.constant 0 : i32
          %dma_start3A_527 = arith.constant 0 : i32
          %dma_start3A_528 = tpu.memref_slice %arg2[%dma_start3A_526, %dma_start3A_527] : memref<10000x128xf32, #tpu.memory_space<hbm>> -> memref<10000x128xf32, #tpu.memory_space<hbm>>
          tpu.enqueue_indirect_dma source(%dma_start3A_528 : memref<10000x128xf32, #tpu.memory_space<hbm>>) target(%arg10 : memref<128x128xf32, #tpu.memory_space<vmem>>) offsets(%dma_start3A_525 : memref<128xi32, #tpu.memory_space<vmem>>) semaphore(%arg13 : memref<!tpu.dma_semaphore, #tpu.memory_space<semaphore_mem>>)
        } else {
        }
      }
      %scan3A_472 = arith.constant 4 : i32
      %add3A_473 = arith.constant 2 : i32
      %add3A_474 = arith.addi %add3A_459, %add3A_473 : i32
      %lt3A_475 = arith.constant 10 : i32
      %lt3A_476 = arith.cmpi slt, %add3A_474, %lt3A_475 : i32
      %convert_element_type3A_477 = arith.extui %lt3A_476 : i1 to i32
      %cond3A_478 = arith.constant 0 : i32
      %cond3A_479 = arith.cmpi ne, %convert_element_type3A_477, %cond3A_478 : i32
      scf.if %cond3A_479 {
        %add3A_480 = arith.constant 2 : i32
        %add3A_481 = arith.addi %add3A_459, %add3A_480 : i32
        %mul3A_482 = arith.constant 8 : i32
        %mul3A_483 = arith.muli %mul3A_482, %add3A_481 : i32
        %add3A_484 = arith.addi %mul3A_391, %mul3A_483 : i32
        %dma_start3A_485 = arith.constant 0 : i32
        %dma_start3A_486 = tpu.memref_slice %arg4[%add3A_484, %dma_start3A_485] : memref<2560x128xi32, #tpu.memory_space<hbm>> -> memref<8x128xi32, #tpu.memory_space<hbm>>
        %dma_start3A_487 = arith.constant 0 : i32
        %dma_start3A_488 = tpu.memref_slice %arg4[%add3A_484, %dma_start3A_487] : memref<2560x128xi32, #tpu.memory_space<hbm>> -> memref<8x128xi32, #tpu.memory_space<hbm>>
        tpu.enqueue_dma source(%dma_start3A_488 : memref<8x128xi32, #tpu.memory_space<hbm>>) target(%arg8 : memref<8x128xi32, #tpu.memory_space<vmem>>) target_semaphore(%arg15 : memref<!tpu.dma_semaphore, #tpu.memory_space<semaphore_mem>>)
      } else {
      }
    }
    %scan3A_426 = arith.constant 5 : i32
    %barrier3A_427 = arith.constant 0 : index
    tpu.barrier barrier_id(%barrier3A_427)
    %mul3A_428 = arith.constant 10240 : i32
    %mul3A_429 = arith.muli %arg0, %mul3A_428 : i32
    %mul3A_430 = arith.constant 640 : i32
    %mul3A_431 = arith.muli %arg1, %mul3A_430 : i32
    %add3A_432 = arith.addi %mul3A_429, %mul3A_431 : i32
    %mul3A_433 = arith.constant 640 : i32
    %mul3A_434 = arith.muli %arg1, %mul3A_433 : i32
    "tpu.region"() ({
      %run_scoped3A = tpu.sem_alloc : memref<!tpu.dma_semaphore, #tpu.memory_space<semaphore_mem>>
      %dma_start3A_435 = arith.constant 0 : i32
      %dma_start3A_436 = tpu.memref_slice %arg5[%add3A_432, %dma_start3A_435] : memref<20480x128xf32, #tpu.memory_space<hbm>> -> memref<640x128xf32, #tpu.memory_space<hbm>>
      %dma_start3A_437 = arith.constant 0 : i32
      %dma_start3A_438 = tpu.memref_slice %arg17[%mul3A_434, %dma_start3A_437] : memref<10240x128xf32, #tpu.memory_space<vmem_shared>> -> memref<640x128xf32, #tpu.memory_space<vmem_shared>>
      tpu.enqueue_dma source(%dma_start3A_438 : memref<640x128xf32, #tpu.memory_space<vmem_shared>>) target(%dma_start3A_436 : memref<640x128xf32, #tpu.memory_space<hbm>>) target_semaphore(%run_scoped3A : memref<!tpu.dma_semaphore, #tpu.memory_space<semaphore_mem>>)
      %dma_wait3A = arith.constant 0 : i32
      %dma_wait3A_439 = tpu.memref_slice %arg5[%add3A_432, %dma_wait3A] : memref<20480x128xf32, #tpu.memory_space<hbm>> -> memref<640x128xf32, #tpu.memory_space<hbm>>
      %dma_wait3A_440 = arith.constant 0 : i32
      %dma_wait3A_441 = tpu.memref_slice %arg17[%mul3A_434, %dma_wait3A_440] : memref<10240x128xf32, #tpu.memory_space<vmem_shared>> -> memref<640x128xf32, #tpu.memory_space<vmem_shared>>
      tpu.wait_dma2 semaphore(%run_scoped3A : memref<!tpu.dma_semaphore, #tpu.memory_space<semaphore_mem>>) src(%dma_wait3A_441 : memref<640x128xf32, #tpu.memory_space<vmem_shared>>) dst(%dma_wait3A_439 : memref<640x128xf32, #tpu.memory_space<hbm>>)
      tpu.yield
    }) : () -> ()
    return
  }
}

#map = affine_map<(d0, d1) -> (0, 0, 0)>
#map1 = affine_map<(d0, d1) -> (0)>
module attributes {stable_mosaic.version = 14 : i64} {
  func.func @_deg_body(%arg0: i32, %arg1: i32, %arg2: memref<32x80x128xi32, #tpu.memory_space<hbm>>, %arg3: memref<10240xf32, #tpu.memory_space<hbm>>, %arg4: memref<20480xf32, #tpu.memory_space<hbm>>, %arg5: memref<80x128xi32, #tpu.memory_space<vmem>>, %arg6: memref<10240xf32, #tpu.memory_space<vmem>>, %arg7: memref<16x640xf32, #tpu.memory_space<vmem>>, %arg8: memref<16x10240xf32, #tpu.memory_space<vmem_shared>>) attributes {dimension_semantics = [#tpu.dimension_semantics<core_parallel>, #tpu.dimension_semantics<subcore_parallel>], iteration_bounds = array<i64: 2, 16>, scalar_prefetch = 0 : i64, scratch_operands = 4 : i64, tpu.core_type = #tpu.core_type<sc_vector_subcore>, window_params = [{transform_indices = #map}, {transform_indices = #map1}, {transform_indices = #map1}]} {
    %mul3A = arith.constant 16 : i32
    %mul3A_0 = arith.muli %arg0, %mul3A : i32
    %add3A = arith.addi %mul3A_0, %arg1 : i32
    "tpu.region"() ({
      %run_scoped3A = tpu.sem_alloc : memref<!tpu.dma_semaphore, #tpu.memory_space<semaphore_mem>>
      tpu.enqueue_dma source(%arg3 : memref<10240xf32, #tpu.memory_space<hbm>>) target(%arg6 : memref<10240xf32, #tpu.memory_space<vmem>>) target_semaphore(%run_scoped3A : memref<!tpu.dma_semaphore, #tpu.memory_space<semaphore_mem>>)
      tpu.wait_dma2 semaphore(%run_scoped3A : memref<!tpu.dma_semaphore, #tpu.memory_space<semaphore_mem>>) src(%arg3 : memref<10240xf32, #tpu.memory_space<hbm>>) dst(%arg6 : memref<10240xf32, #tpu.memory_space<vmem>>)
      tpu.yield
    }) : () -> ()
    "tpu.region"() ({
      %run_scoped3A = tpu.sem_alloc : memref<!tpu.dma_semaphore, #tpu.memory_space<semaphore_mem>>
      %dma_start3A = arith.constant 0 : i32
      %dma_start3A_20 = arith.constant 0 : i32
      %dma_start3A_21 = tpu.memref_slice %arg2[%add3A, %dma_start3A, %dma_start3A_20] : memref<32x80x128xi32, #tpu.memory_space<hbm>> -> memref<1x80x128xi32, #tpu.memory_space<hbm>>
      %dma_start3A_22 = tpu.memref_squeeze %dma_start3A_21 : memref<1x80x128xi32, #tpu.memory_space<hbm>> -> memref<80x128xi32, #tpu.memory_space<hbm>>
      %dma_start3A_23 = arith.constant 0 : i32
      %dma_start3A_24 = arith.constant 0 : i32
      %dma_start3A_25 = tpu.memref_slice %arg2[%add3A, %dma_start3A_23, %dma_start3A_24] : memref<32x80x128xi32, #tpu.memory_space<hbm>> -> memref<1x80x128xi32, #tpu.memory_space<hbm>>
      %dma_start3A_26 = tpu.memref_squeeze %dma_start3A_25 : memref<1x80x128xi32, #tpu.memory_space<hbm>> -> memref<80x128xi32, #tpu.memory_space<hbm>>
      tpu.enqueue_dma source(%dma_start3A_26 : memref<80x128xi32, #tpu.memory_space<hbm>>) target(%arg5 : memref<80x128xi32, #tpu.memory_space<vmem>>) target_semaphore(%run_scoped3A : memref<!tpu.dma_semaphore, #tpu.memory_space<semaphore_mem>>)
      %dma_wait3A = arith.constant 0 : i32
      %dma_wait3A_27 = arith.constant 0 : i32
      %dma_wait3A_28 = tpu.memref_slice %arg2[%add3A, %dma_wait3A, %dma_wait3A_27] : memref<32x80x128xi32, #tpu.memory_space<hbm>> -> memref<1x80x128xi32, #tpu.memory_space<hbm>>
      %dma_wait3A_29 = tpu.memref_squeeze %dma_wait3A_28 : memref<1x80x128xi32, #tpu.memory_space<hbm>> -> memref<80x128xi32, #tpu.memory_space<hbm>>
      %dma_wait3A_30 = arith.constant 0 : i32
      %dma_wait3A_31 = arith.constant 0 : i32
      %dma_wait3A_32 = tpu.memref_slice %arg2[%add3A, %dma_wait3A_30, %dma_wait3A_31] : memref<32x80x128xi32, #tpu.memory_space<hbm>> -> memref<1x80x128xi32, #tpu.memory_space<hbm>>
      %dma_wait3A_33 = tpu.memref_squeeze %dma_wait3A_32 : memref<1x80x128xi32, #tpu.memory_space<hbm>> -> memref<80x128xi32, #tpu.memory_space<hbm>>
      tpu.wait_dma2 semaphore(%run_scoped3A : memref<!tpu.dma_semaphore, #tpu.memory_space<semaphore_mem>>) src(%dma_wait3A_33 : memref<80x128xi32, #tpu.memory_space<hbm>>) dst(%arg5 : memref<80x128xi32, #tpu.memory_space<vmem>>)
      tpu.yield
    }) : () -> ()
    %broadcast_in_dim3A = arith.constant 1.000000e+00 : f32
    %broadcast_in_dim3A_1 = vector.broadcast %broadcast_in_dim3A : f32 to vector<16xf32>
    %scan3A = arith.constant 0 : i32
    %scan3A_2 = arith.constant 0 : i32
    %scan3A_3 = arith.constant 80 : i32
    %scan3A_4 = arith.addi %scan3A_2, %scan3A_3 : i32
    %scan3A_5 = arith.constant 1 : i32
    scf.for %scan3A_20 = %scan3A_2 to %scan3A_4 step %scan3A_5  : i32 {
      %scan3A_21 = arith.constant 0 : i32
      %scan3A_22 = arith.constant 8 : i32
      %scan3A_23 = arith.addi %scan3A_21, %scan3A_22 : i32
      %scan3A_24 = arith.constant 1 : i32
      scf.for %scan3A_26 = %scan3A_21 to %scan3A_23 step %scan3A_24  : i32 {
        %mul3A_27 = arith.constant 16 : i32
        %mul3A_28 = arith.muli %scan3A_26, %mul3A_27 : i32
        %get3A = arith.index_cast %scan3A_20 : i32 to index
        %get3A_29 = arith.index_cast %mul3A_28 : i32 to index
        %get3A_30 = tpu.vector_load %arg5[%get3A, %get3A_29] {strides = array<i32>} : memref<80x128xi32, #tpu.memory_space<vmem>>, vector<16xi32>,
        tpu.vector_store_idx %arg6[%get3A_30], %broadcast_in_dim3A_1 {add = true} : memref<10240xf32, #tpu.memory_space<vmem>>[vector<16xi32>], vector<16xf32>,
      }
      %scan3A_25 = arith.constant 8 : i32
    }
    %scan3A_6 = arith.constant 80 : i32
    "tpu.region"() ({
      %run_scoped3A = tpu.sem_alloc : memref<!tpu.dma_semaphore, #tpu.memory_space<semaphore_mem>>
      %dma_start3A = arith.constant 0 : i32
      %dma_start3A_20 = tpu.memref_slice %arg8[%arg1, %dma_start3A] : memref<16x10240xf32, #tpu.memory_space<vmem_shared>> -> memref<1x10240xf32, #tpu.memory_space<vmem_shared>>
      %dma_start3A_21 = tpu.memref_squeeze %dma_start3A_20 : memref<1x10240xf32, #tpu.memory_space<vmem_shared>> -> memref<10240xf32, #tpu.memory_space<vmem_shared>>
      %dma_start3A_22 = arith.constant 0 : i32
      %dma_start3A_23 = tpu.memref_slice %arg8[%arg1, %dma_start3A_22] : memref<16x10240xf32, #tpu.memory_space<vmem_shared>> -> memref<1x10240xf32, #tpu.memory_space<vmem_shared>>
      %dma_start3A_24 = tpu.memref_squeeze %dma_start3A_23 : memref<1x10240xf32, #tpu.memory_space<vmem_shared>> -> memref<10240xf32, #tpu.memory_space<vmem_shared>>
      tpu.enqueue_dma source(%arg6 : memref<10240xf32, #tpu.memory_space<vmem>>) target(%dma_start3A_24 : memref<10240xf32, #tpu.memory_space<vmem_shared>>) target_semaphore(%run_scoped3A : memref<!tpu.dma_semaphore, #tpu.memory_space<semaphore_mem>>)
      %dma_wait3A = arith.constant 0 : i32
      %dma_wait3A_25 = tpu.memref_slice %arg8[%arg1, %dma_wait3A] : memref<16x10240xf32, #tpu.memory_space<vmem_shared>> -> memref<1x10240xf32, #tpu.memory_space<vmem_shared>>
      %dma_wait3A_26 = tpu.memref_squeeze %dma_wait3A_25 : memref<1x10240xf32, #tpu.memory_space<vmem_shared>> -> memref<10240xf32, #tpu.memory_space<vmem_shared>>
      %dma_wait3A_27 = arith.constant 0 : i32
      %dma_wait3A_28 = tpu.memref_slice %arg8[%arg1, %dma_wait3A_27] : memref<16x10240xf32, #tpu.memory_space<vmem_shared>> -> memref<1x10240xf32, #tpu.memory_space<vmem_shared>>
      %dma_wait3A_29 = tpu.memref_squeeze %dma_wait3A_28 : memref<1x10240xf32, #tpu.memory_space<vmem_shared>> -> memref<10240xf32, #tpu.memory_space<vmem_shared>>
      tpu.wait_dma2 semaphore(%run_scoped3A : memref<!tpu.dma_semaphore, #tpu.memory_space<semaphore_mem>>) src(%arg6 : memref<10240xf32, #tpu.memory_space<vmem>>) dst(%dma_wait3A_29 : memref<10240xf32, #tpu.memory_space<vmem_shared>>)
      tpu.yield
    }) : () -> ()
    %barrier3A = arith.constant 0 : index
    tpu.barrier barrier_id(%barrier3A)
    %mul3A_7 = arith.constant 640 : i32
    %mul3A_8 = arith.muli %arg1, %mul3A_7 : i32
    "tpu.region"() ({
      %run_scoped3A = tpu.sem_alloc : memref<!tpu.dma_semaphore, #tpu.memory_space<semaphore_mem>>
      %dma_start3A = arith.constant 0 : i32
      %dma_start3A_20 = tpu.memref_slice %arg8[%dma_start3A, %mul3A_8] : memref<16x10240xf32, #tpu.memory_space<vmem_shared>> -> memref<16x640xf32, #tpu.memory_space<vmem_shared>>
      %dma_start3A_21 = arith.constant 0 : i32
      %dma_start3A_22 = tpu.memref_slice %arg8[%dma_start3A_21, %mul3A_8] : memref<16x10240xf32, #tpu.memory_space<vmem_shared>> -> memref<16x640xf32, #tpu.memory_space<vmem_shared>>
      tpu.enqueue_dma source(%dma_start3A_22 : memref<16x640xf32, #tpu.memory_space<vmem_shared>>) target(%arg7 : memref<16x640xf32, #tpu.memory_space<vmem>>) target_semaphore(%run_scoped3A : memref<!tpu.dma_semaphore, #tpu.memory_space<semaphore_mem>>)
      %dma_wait3A = arith.constant 0 : i32
      %dma_wait3A_23 = tpu.memref_slice %arg8[%dma_wait3A, %mul3A_8] : memref<16x10240xf32, #tpu.memory_space<vmem_shared>> -> memref<16x640xf32, #tpu.memory_space<vmem_shared>>
      %dma_wait3A_24 = arith.constant 0 : i32
      %dma_wait3A_25 = tpu.memref_slice %arg8[%dma_wait3A_24, %mul3A_8] : memref<16x10240xf32, #tpu.memory_space<vmem_shared>> -> memref<16x640xf32, #tpu.memory_space<vmem_shared>>
      tpu.wait_dma2 semaphore(%run_scoped3A : memref<!tpu.dma_semaphore, #tpu.memory_space<semaphore_mem>>) src(%dma_wait3A_25 : memref<16x640xf32, #tpu.memory_space<vmem_shared>>) dst(%arg7 : memref<16x640xf32, #tpu.memory_space<vmem>>)
      tpu.yield
    }) : () -> ()
    %scan3A_9 = arith.constant 0 : i32
    %scan3A_10 = arith.constant 0 : i32
    %scan3A_11 = arith.constant 40 : i32
    %scan3A_12 = arith.addi %scan3A_10, %scan3A_11 : i32
    %scan3A_13 = arith.constant 1 : i32
    scf.for %scan3A_20 = %scan3A_10 to %scan3A_12 step %scan3A_13  : i32 {
      %mul3A_21 = arith.constant 16 : i32
      %mul3A_22 = arith.muli %scan3A_20, %mul3A_21 : i32
      %get3A = arith.constant 0 : i32
      %get3A_23 = arith.index_cast %get3A : i32 to index
      %get3A_24 = arith.index_cast %mul3A_22 : i32 to index
      %get3A_25 = tpu.vector_load %arg7[%get3A_23, %get3A_24] {strides = array<i32>} : memref<16x640xf32, #tpu.memory_space<vmem>>, vector<16xf32>,
      %mul3A_26 = arith.constant 16 : i32
      %mul3A_27 = arith.muli %scan3A_20, %mul3A_26 : i32
      %get3A_28 = arith.constant 1 : i32
      %get3A_29 = arith.index_cast %get3A_28 : i32 to index
      %get3A_30 = arith.index_cast %mul3A_27 : i32 to index
      %get3A_31 = tpu.vector_load %arg7[%get3A_29, %get3A_30] {strides = array<i32>} : memref<16x640xf32, #tpu.memory_space<vmem>>, vector<16xf32>,
      %add3A_32 = arith.addf %get3A_25, %get3A_31 : vector<16xf32>
      %mul3A_33 = arith.constant 16 : i32
      %mul3A_34 = arith.muli %scan3A_20, %mul3A_33 : i32
      %get3A_35 = arith.constant 2 : i32
      %get3A_36 = arith.index_cast %get3A_35 : i32 to index
      %get3A_37 = arith.index_cast %mul3A_34 : i32 to index
      %get3A_38 = tpu.vector_load %arg7[%get3A_36, %get3A_37] {strides = array<i32>} : memref<16x640xf32, #tpu.memory_space<vmem>>, vector<16xf32>,
      %add3A_39 = arith.addf %add3A_32, %get3A_38 : vector<16xf32>
      %mul3A_40 = arith.constant 16 : i32
      %mul3A_41 = arith.muli %scan3A_20, %mul3A_40 : i32
      %get3A_42 = arith.constant 3 : i32
      %get3A_43 = arith.index_cast %get3A_42 : i32 to index
      %get3A_44 = arith.index_cast %mul3A_41 : i32 to index
      %get3A_45 = tpu.vector_load %arg7[%get3A_43, %get3A_44] {strides = array<i32>} : memref<16x640xf32, #tpu.memory_space<vmem>>, vector<16xf32>,
      %add3A_46 = arith.addf %add3A_39, %get3A_45 : vector<16xf32>
      %mul3A_47 = arith.constant 16 : i32
      %mul3A_48 = arith.muli %scan3A_20, %mul3A_47 : i32
      %get3A_49 = arith.constant 4 : i32
      %get3A_50 = arith.index_cast %get3A_49 : i32 to index
      %get3A_51 = arith.index_cast %mul3A_48 : i32 to index
      %get3A_52 = tpu.vector_load %arg7[%get3A_50, %get3A_51] {strides = array<i32>} : memref<16x640xf32, #tpu.memory_space<vmem>>, vector<16xf32>,
      %add3A_53 = arith.addf %add3A_46, %get3A_52 : vector<16xf32>
      %mul3A_54 = arith.constant 16 : i32
      %mul3A_55 = arith.muli %scan3A_20, %mul3A_54 : i32
      %get3A_56 = arith.constant 5 : i32
      %get3A_57 = arith.index_cast %get3A_56 : i32 to index
      %get3A_58 = arith.index_cast %mul3A_55 : i32 to index
      %get3A_59 = tpu.vector_load %arg7[%get3A_57, %get3A_58] {strides = array<i32>} : memref<16x640xf32, #tpu.memory_space<vmem>>, vector<16xf32>,
      %add3A_60 = arith.addf %add3A_53, %get3A_59 : vector<16xf32>
      %mul3A_61 = arith.constant 16 : i32
      %mul3A_62 = arith.muli %scan3A_20, %mul3A_61 : i32
      %get3A_63 = arith.constant 6 : i32
      %get3A_64 = arith.index_cast %get3A_63 : i32 to index
      %get3A_65 = arith.index_cast %mul3A_62 : i32 to index
      %get3A_66 = tpu.vector_load %arg7[%get3A_64, %get3A_65] {strides = array<i32>} : memref<16x640xf32, #tpu.memory_space<vmem>>, vector<16xf32>,
      %add3A_67 = arith.addf %add3A_60, %get3A_66 : vector<16xf32>
      %mul3A_68 = arith.constant 16 : i32
      %mul3A_69 = arith.muli %scan3A_20, %mul3A_68 : i32
      %get3A_70 = arith.constant 7 : i32
      %get3A_71 = arith.index_cast %get3A_70 : i32 to index
      %get3A_72 = arith.index_cast %mul3A_69 : i32 to index
      %get3A_73 = tpu.vector_load %arg7[%get3A_71, %get3A_72] {strides = array<i32>} : memref<16x640xf32, #tpu.memory_space<vmem>>, vector<16xf32>,
      %add3A_74 = arith.addf %add3A_67, %get3A_73 : vector<16xf32>
      %mul3A_75 = arith.constant 16 : i32
      %mul3A_76 = arith.muli %scan3A_20, %mul3A_75 : i32
      %get3A_77 = arith.constant 8 : i32
      %get3A_78 = arith.index_cast %get3A_77 : i32 to index
      %get3A_79 = arith.index_cast %mul3A_76 : i32 to index
      %get3A_80 = tpu.vector_load %arg7[%get3A_78, %get3A_79] {strides = array<i32>} : memref<16x640xf32, #tpu.memory_space<vmem>>, vector<16xf32>,
      %add3A_81 = arith.addf %add3A_74, %get3A_80 : vector<16xf32>
      %mul3A_82 = arith.constant 16 : i32
      %mul3A_83 = arith.muli %scan3A_20, %mul3A_82 : i32
      %get3A_84 = arith.constant 9 : i32
      %get3A_85 = arith.index_cast %get3A_84 : i32 to index
      %get3A_86 = arith.index_cast %mul3A_83 : i32 to index
      %get3A_87 = tpu.vector_load %arg7[%get3A_85, %get3A_86] {strides = array<i32>} : memref<16x640xf32, #tpu.memory_space<vmem>>, vector<16xf32>,
      %add3A_88 = arith.addf %add3A_81, %get3A_87 : vector<16xf32>
      %mul3A_89 = arith.constant 16 : i32
      %mul3A_90 = arith.muli %scan3A_20, %mul3A_89 : i32
      %get3A_91 = arith.constant 10 : i32
      %get3A_92 = arith.index_cast %get3A_91 : i32 to index
      %get3A_93 = arith.index_cast %mul3A_90 : i32 to index
      %get3A_94 = tpu.vector_load %arg7[%get3A_92, %get3A_93] {strides = array<i32>} : memref<16x640xf32, #tpu.memory_space<vmem>>, vector<16xf32>,
      %add3A_95 = arith.addf %add3A_88, %get3A_94 : vector<16xf32>
      %mul3A_96 = arith.constant 16 : i32
      %mul3A_97 = arith.muli %scan3A_20, %mul3A_96 : i32
      %get3A_98 = arith.constant 11 : i32
      %get3A_99 = arith.index_cast %get3A_98 : i32 to index
      %get3A_100 = arith.index_cast %mul3A_97 : i32 to index
      %get3A_101 = tpu.vector_load %arg7[%get3A_99, %get3A_100] {strides = array<i32>} : memref<16x640xf32, #tpu.memory_space<vmem>>, vector<16xf32>,
      %add3A_102 = arith.addf %add3A_95, %get3A_101 : vector<16xf32>
      %mul3A_103 = arith.constant 16 : i32
      %mul3A_104 = arith.muli %scan3A_20, %mul3A_103 : i32
      %get3A_105 = arith.constant 12 : i32
      %get3A_106 = arith.index_cast %get3A_105 : i32 to index
      %get3A_107 = arith.index_cast %mul3A_104 : i32 to index
      %get3A_108 = tpu.vector_load %arg7[%get3A_106, %get3A_107] {strides = array<i32>} : memref<16x640xf32, #tpu.memory_space<vmem>>, vector<16xf32>,
      %add3A_109 = arith.addf %add3A_102, %get3A_108 : vector<16xf32>
      %mul3A_110 = arith.constant 16 : i32
      %mul3A_111 = arith.muli %scan3A_20, %mul3A_110 : i32
      %get3A_112 = arith.constant 13 : i32
      %get3A_113 = arith.index_cast %get3A_112 : i32 to index
      %get3A_114 = arith.index_cast %mul3A_111 : i32 to index
      %get3A_115 = tpu.vector_load %arg7[%get3A_113, %get3A_114] {strides = array<i32>} : memref<16x640xf32, #tpu.memory_space<vmem>>, vector<16xf32>,
      %add3A_116 = arith.addf %add3A_109, %get3A_115 : vector<16xf32>
      %mul3A_117 = arith.constant 16 : i32
      %mul3A_118 = arith.muli %scan3A_20, %mul3A_117 : i32
      %get3A_119 = arith.constant 14 : i32
      %get3A_120 = arith.index_cast %get3A_119 : i32 to index
      %get3A_121 = arith.index_cast %mul3A_118 : i32 to index
      %get3A_122 = tpu.vector_load %arg7[%get3A_120, %get3A_121] {strides = array<i32>} : memref<16x640xf32, #tpu.memory_space<vmem>>, vector<16xf32>,
      %add3A_123 = arith.addf %add3A_116, %get3A_122 : vector<16xf32>
      %mul3A_124 = arith.constant 16 : i32
      %mul3A_125 = arith.muli %scan3A_20, %mul3A_124 : i32
      %get3A_126 = arith.constant 15 : i32
      %get3A_127 = arith.index_cast %get3A_126 : i32 to index
      %get3A_128 = arith.index_cast %mul3A_125 : i32 to index
      %get3A_129 = tpu.vector_load %arg7[%get3A_127, %get3A_128] {strides = array<i32>} : memref<16x640xf32, #tpu.memory_space<vmem>>, vector<16xf32>,
      %add3A_130 = arith.addf %add3A_123, %get3A_129 : vector<16xf32>
      %mul3A_131 = arith.constant 16 : i32
      %mul3A_132 = arith.muli %scan3A_20, %mul3A_131 : i32
      %swap3A = arith.index_cast %mul3A_132 : i32 to index
      %swap3A_133 = tpu.vector_load %arg6[%swap3A] {strides = array<i32>} : memref<10240xf32, #tpu.memory_space<vmem>>, vector<16xf32>,
      tpu.vector_store %arg6[%swap3A], %add3A_130 {strides = array<i32>} : memref<10240xf32, #tpu.memory_space<vmem>>, vector<16xf32>,
    }
    %scan3A_14 = arith.constant 40 : i32
    %mul3A_15 = arith.constant 10240 : i32
    %mul3A_16 = arith.muli %arg0, %mul3A_15 : i32
    %mul3A_17 = arith.constant 640 : i32
    %mul3A_18 = arith.muli %arg1, %mul3A_17 : i32
    %add3A_19 = arith.addi %mul3A_16, %mul3A_18 : i32
    "tpu.region"() ({
      %run_scoped3A = tpu.sem_alloc : memref<!tpu.dma_semaphore, #tpu.memory_space<semaphore_mem>>
      %dma_start3A = arith.constant 0 : i32
      %dma_start3A_20 = tpu.memref_slice %arg6[%dma_start3A] : memref<10240xf32, #tpu.memory_space<vmem>> -> memref<640xf32, #tpu.memory_space<vmem>>
      %dma_start3A_21 = tpu.memref_slice %arg4[%add3A_19] : memref<20480xf32, #tpu.memory_space<hbm>> -> memref<640xf32, #tpu.memory_space<hbm>>
      %dma_start3A_22 = tpu.memref_slice %arg4[%add3A_19] : memref<20480xf32, #tpu.memory_space<hbm>> -> memref<640xf32, #tpu.memory_space<hbm>>
      %dma_start3A_23 = arith.constant 0 : i32
      %dma_start3A_24 = tpu.memref_slice %arg6[%dma_start3A_23] : memref<10240xf32, #tpu.memory_space<vmem>> -> memref<640xf32, #tpu.memory_space<vmem>>
      tpu.enqueue_dma source(%dma_start3A_24 : memref<640xf32, #tpu.memory_space<vmem>>) target(%dma_start3A_22 : memref<640xf32, #tpu.memory_space<hbm>>) target_semaphore(%run_scoped3A : memref<!tpu.dma_semaphore, #tpu.memory_space<semaphore_mem>>)
      %dma_wait3A = arith.constant 0 : i32
      %dma_wait3A_25 = tpu.memref_slice %arg6[%dma_wait3A] : memref<10240xf32, #tpu.memory_space<vmem>> -> memref<640xf32, #tpu.memory_space<vmem>>
      %dma_wait3A_26 = tpu.memref_slice %arg4[%add3A_19] : memref<20480xf32, #tpu.memory_space<hbm>> -> memref<640xf32, #tpu.memory_space<hbm>>
      %dma_wait3A_27 = tpu.memref_slice %arg4[%add3A_19] : memref<20480xf32, #tpu.memory_space<hbm>> -> memref<640xf32, #tpu.memory_space<hbm>>
      %dma_wait3A_28 = arith.constant 0 : i32
      %dma_wait3A_29 = tpu.memref_slice %arg6[%dma_wait3A_28] : memref<10240xf32, #tpu.memory_space<vmem>> -> memref<640xf32, #tpu.memory_space<vmem>>
      tpu.wait_dma2 semaphore(%run_scoped3A : memref<!tpu.dma_semaphore, #tpu.memory_space<semaphore_mem>>) src(%dma_wait3A_29 : memref<640xf32, #tpu.memory_space<vmem>>) dst(%dma_wait3A_27 : memref<640xf32, #tpu.memory_space<hbm>>)
      tpu.yield
    }) : () -> ()
    return
  }
}

module attributes {stable_mosaic.version = 14 : i64} {
  func.func @_relu_body(%arg0: i32, %arg1: memref<1000x128xf32, #tpu.memory_space<vmem>>, %arg2: memref<1000x128xf32, #tpu.memory_space<vmem>>) attributes {dimension_semantics = [#tpu.dimension_semantics<arbitrary>], iteration_bounds = array<i64: 10>, scalar_prefetch = 0 : i64, scratch_operands = 0 : i64, tpu.core_type = #tpu.core_type<tc>, window_params = [{transform_indices = @transform_0, window_bounds = array<i64: 1000, 128>}, {transform_indices = @transform_1, window_bounds = array<i64: 1000, 128>}]} {
    %get3A = arith.constant 0 : index
    %get3A_0 = arith.constant 0 : index
    %get3A_1 = vector.load %arg1[%get3A, %get3A_0] : memref<1000x128xf32, #tpu.memory_space<vmem>>, vector<1000x128xf32>
    %max3A = arith.constant 0.000000e+00 : f32
    %max3A_2 = vector.broadcast %max3A : f32 to vector<1000x128xf32>
    %max3A_3 = arith.maximumf %get3A_1, %max3A_2 : vector<1000x128xf32>
    %swap3A = arith.constant 0 : index
    %swap3A_4 = arith.constant 0 : index
    %swap3A_5 = vector.load %arg2[%swap3A, %swap3A_4] : memref<1000x128xf32, #tpu.memory_space<vmem>>, vector<1000x128xf32>
    tpu.vector_store %arg2[%swap3A, %swap3A_4], %max3A_3 {strides = array<i32>} : memref<1000x128xf32, #tpu.memory_space<vmem>>, vector<1000x128xf32>,
    return
  }
  func.func @transform_0(%arg0: i32) -> (i32, i32) {
    %c0_i32 = arith.constant 0 : i32
    %c0_i32_0 = arith.constant 0 : i32
    return %arg0, %c0_i32 : i32, i32
  }
  func.func @transform_1(%arg0: i32) -> (i32, i32) {
    %c0_i32 = arith.constant 0 : i32
    %c0_i32_0 = arith.constant 0 : i32
    return %arg0, %c0_i32 : i32, i32
  }
}

module attributes {stable_mosaic.version = 14 : i64} {
  func.func @body(%arg0: i32, %arg1: memref<2x1000x128xf32, #tpu.memory_space<vmem>>, %arg2: memref<1000x2xf32, #tpu.memory_space<vmem>>, %arg3: memref<1000x128xf32, #tpu.memory_space<vmem>>, %arg4: memref<128x128xf32, #tpu.memory_space<vmem>>, %arg5: memref<128x128xf32, #tpu.memory_space<vmem>>, %arg6: memref<1x128xf32, #tpu.memory_space<vmem>>, %arg7: memref<1000x128xf32, #tpu.memory_space<vmem>>) attributes {dimension_semantics = [#tpu.dimension_semantics<arbitrary>], iteration_bounds = array<i64: 10>, scalar_prefetch = 0 : i64, scratch_operands = 0 : i64, tpu.core_type = #tpu.core_type<tc>, window_params = [{transform_indices = @transform_0, window_bounds = array<i64: 2, 1000, 128>}, {transform_indices = @transform_1, window_bounds = array<i64: 1000, 2>}, {transform_indices = @transform_2, window_bounds = array<i64: 1000, 128>}, {pipeline_mode = #tpu.pipeline_mode<synchronous>, transform_indices = @transform_3, window_bounds = array<i64: 128, 128>}, {pipeline_mode = #tpu.pipeline_mode<synchronous>, transform_indices = @transform_4, window_bounds = array<i64: 128, 128>}, {pipeline_mode = #tpu.pipeline_mode<synchronous>, transform_indices = @transform_5, window_bounds = array<i64: 1, 128>}, {transform_indices = @transform_6, window_bounds = array<i64: 1000, 128>}]} {
    %get3A = arith.constant 0 : index
    %get3A_0 = arith.constant 0 : index
    %get3A_1 = vector.load %arg2[%get3A, %get3A_0] : memref<1000x2xf32, #tpu.memory_space<vmem>>, vector<1000x2xf32>
    %reduce_sum3A = arith.constant dense<0.000000e+00> : vector<1000xf32>
    %reduce_sum3A_2 = vector.multi_reduction <add>, %get3A_1, %reduce_sum3A [1] : vector<1000x2xf32> to vector<1000xf32>
    %max3A = arith.constant 1.000000e+00 : f32
    %max3A_3 = vector.broadcast %max3A : f32 to vector<1000xf32>
    %max3A_4 = arith.maximumf %reduce_sum3A_2, %max3A_3 : vector<1000xf32>
    %broadcast_in_dim3A = vector.shape_cast %max3A_4 : vector<1000xf32> to vector<1000x1xf32>
    %get3A_5 = arith.constant 0 : index
    %get3A_6 = arith.constant 0 : index
    %get3A_7 = arith.constant 0 : index
    %get3A_8 = vector.load %arg1[%get3A_5, %get3A_6, %get3A_7] : memref<2x1000x128xf32, #tpu.memory_space<vmem>>, vector<1x1000x128xf32>
    %get3A_9 = vector.shape_cast %get3A_8 : vector<1x1000x128xf32> to vector<1000x128xf32>
    %get3A_10 = arith.constant 1 : index
    %get3A_11 = arith.constant 0 : index
    %get3A_12 = arith.constant 0 : index
    %get3A_13 = vector.load %arg1[%get3A_10, %get3A_11, %get3A_12] : memref<2x1000x128xf32, #tpu.memory_space<vmem>>, vector<1x1000x128xf32>
    %get3A_14 = vector.shape_cast %get3A_13 : vector<1x1000x128xf32> to vector<1000x128xf32>
    %add3A = arith.addf %get3A_9, %get3A_14 : vector<1000x128xf32>
    %div3A = vector.broadcast %broadcast_in_dim3A : vector<1000x1xf32> to vector<1000x128xf32>
    %div3A_15 = arith.divf %add3A, %div3A : vector<1000x128xf32>
    %get3A_16 = arith.constant 0 : index
    %get3A_17 = arith.constant 0 : index
    %get3A_18 = vector.load %arg4[%get3A_16, %get3A_17] : memref<128x128xf32, #tpu.memory_space<vmem>>, vector<128x128xf32>
    %dot_general3A = arith.constant dense<0.000000e+00> : vector<1000x128xf32>
    %dot_general3A_19 = tpu.matmul %div3A_15, %get3A_18, %dot_general3A {dimension_numbers = #tpu.dot_dimension_numbers<[1], [0], [0], [1], [0, 0, 1, 1], [], []>, transpose_lhs_hint = false} : vector<1000x128xf32>, vector<128x128xf32>, vector<1000x128xf32> -> vector<1000x128xf32>
    %get3A_20 = arith.constant 0 : index
    %get3A_21 = arith.constant 0 : index
    %get3A_22 = vector.load %arg3[%get3A_20, %get3A_21] : memref<1000x128xf32, #tpu.memory_space<vmem>>, vector<1000x128xf32>
    %get3A_23 = arith.constant 0 : index
    %get3A_24 = arith.constant 0 : index
    %get3A_25 = vector.load %arg5[%get3A_23, %get3A_24] : memref<128x128xf32, #tpu.memory_space<vmem>>, vector<128x128xf32>
    %dot_general3A_26 = arith.constant dense<0.000000e+00> : vector<1000x128xf32>
    %dot_general3A_27 = tpu.matmul %get3A_22, %get3A_25, %dot_general3A_26 {dimension_numbers = #tpu.dot_dimension_numbers<[1], [0], [0], [1], [0, 0, 1, 1], [], []>, transpose_lhs_hint = false} : vector<1000x128xf32>, vector<128x128xf32>, vector<1000x128xf32> -> vector<1000x128xf32>
    %add3A_28 = arith.addf %dot_general3A_19, %dot_general3A_27 : vector<1000x128xf32>
    %get3A_29 = arith.constant 0 : index
    %get3A_30 = arith.constant 0 : index
    %get3A_31 = vector.load %arg6[%get3A_29, %get3A_30] : memref<1x128xf32, #tpu.memory_space<vmem>>, vector<1x128xf32>
    %add3A_32 = vector.broadcast %get3A_31 : vector<1x128xf32> to vector<1000x128xf32>
    %add3A_33 = arith.addf %add3A_28, %add3A_32 : vector<1000x128xf32>
    %swap3A = arith.constant 0 : index
    %swap3A_34 = arith.constant 0 : index
    %swap3A_35 = vector.load %arg7[%swap3A, %swap3A_34] : memref<1000x128xf32, #tpu.memory_space<vmem>>, vector<1000x128xf32>
    tpu.vector_store %arg7[%swap3A, %swap3A_34], %add3A_33 {strides = array<i32>} : memref<1000x128xf32, #tpu.memory_space<vmem>>, vector<1000x128xf32>,
    return
  }
  func.func @transform_0(%arg0: i32) -> (i32, i32, i32) {
    %c0_i32 = arith.constant 0 : i32
    %c0_i32_0 = arith.constant 0 : i32
    %c0_i32_1 = arith.constant 0 : i32
    return %c0_i32, %arg0, %c0_i32_0 : i32, i32, i32
  }
  func.func @transform_1(%arg0: i32) -> (i32, i32) {
    %c0_i32 = arith.constant 0 : i32
    %c0_i32_0 = arith.constant 0 : i32
    return %arg0, %c0_i32 : i32, i32
  }
  func.func @transform_2(%arg0: i32) -> (i32, i32) {
    %c0_i32 = arith.constant 0 : i32
    %c0_i32_0 = arith.constant 0 : i32
    return %arg0, %c0_i32 : i32, i32
  }
  func.func @transform_3(%arg0: i32) -> (i32, i32) {
    %c0_i32 = arith.constant 0 : i32
    %c0_i32_0 = arith.constant 0 : i32
    %c0_i32_1 = arith.constant 0 : i32
    return %c0_i32, %c0_i32_0 : i32, i32
  }
  func.func @transform_4(%arg0: i32) -> (i32, i32) {
    %c0_i32 = arith.constant 0 : i32
    %c0_i32_0 = arith.constant 0 : i32
    %c0_i32_1 = arith.constant 0 : i32
    return %c0_i32, %c0_i32_0 : i32, i32
  }
  func.func @transform_5(%arg0: i32) -> (i32, i32) {
    %c0_i32 = arith.constant 0 : i32
    %c0_i32_0 = arith.constant 0 : i32
    %c0_i32_1 = arith.constant 0 : i32
    return %c0_i32, %c0_i32_0 : i32, i32
  }
  func.func @transform_6(%arg0: i32) -> (i32, i32) {
    %c0_i32 = arith.constant 0 : i32
    %c0_i32_0 = arith.constant 0 : i32
    return %arg0, %c0_i32 : i32, i32
  }
}

module attributes {stable_mosaic.version = 14 : i64} {
  func.func @body(%arg0: i32, %arg1: memref<2x1000x128xf32, #tpu.memory_space<vmem>>, %arg2: memref<1000x2xf32, #tpu.memory_space<vmem>>, %arg3: memref<1000x128xf32, #tpu.memory_space<vmem>>, %arg4: memref<128x128xf32, #tpu.memory_space<vmem>>, %arg5: memref<128x128xf32, #tpu.memory_space<vmem>>, %arg6: memref<1x128xf32, #tpu.memory_space<vmem>>, %arg7: memref<1000x128xf32, #tpu.memory_space<vmem>>) attributes {dimension_semantics = [#tpu.dimension_semantics<arbitrary>], iteration_bounds = array<i64: 10>, scalar_prefetch = 0 : i64, scratch_operands = 0 : i64, tpu.core_type = #tpu.core_type<tc>, window_params = [{transform_indices = @transform_0, window_bounds = array<i64: 2, 1000, 128>}, {transform_indices = @transform_1, window_bounds = array<i64: 1000, 2>}, {transform_indices = @transform_2, window_bounds = array<i64: 1000, 128>}, {pipeline_mode = #tpu.pipeline_mode<synchronous>, transform_indices = @transform_3, window_bounds = array<i64: 128, 128>}, {pipeline_mode = #tpu.pipeline_mode<synchronous>, transform_indices = @transform_4, window_bounds = array<i64: 128, 128>}, {pipeline_mode = #tpu.pipeline_mode<synchronous>, transform_indices = @transform_5, window_bounds = array<i64: 1, 128>}, {transform_indices = @transform_6, window_bounds = array<i64: 1000, 128>}]} {
    %get3A = arith.constant 0 : index
    %get3A_0 = arith.constant 0 : index
    %get3A_1 = vector.load %arg2[%get3A, %get3A_0] : memref<1000x2xf32, #tpu.memory_space<vmem>>, vector<1000x2xf32>
    %reduce_sum3A = arith.constant dense<0.000000e+00> : vector<1000xf32>
    %reduce_sum3A_2 = vector.multi_reduction <add>, %get3A_1, %reduce_sum3A [1] : vector<1000x2xf32> to vector<1000xf32>
    %max3A = arith.constant 1.000000e+00 : f32
    %max3A_3 = vector.broadcast %max3A : f32 to vector<1000xf32>
    %max3A_4 = arith.maximumf %reduce_sum3A_2, %max3A_3 : vector<1000xf32>
    %broadcast_in_dim3A = vector.shape_cast %max3A_4 : vector<1000xf32> to vector<1000x1xf32>
    %get3A_5 = arith.constant 0 : index
    %get3A_6 = arith.constant 0 : index
    %get3A_7 = arith.constant 0 : index
    %get3A_8 = vector.load %arg1[%get3A_5, %get3A_6, %get3A_7] : memref<2x1000x128xf32, #tpu.memory_space<vmem>>, vector<1x1000x128xf32>
    %get3A_9 = vector.shape_cast %get3A_8 : vector<1x1000x128xf32> to vector<1000x128xf32>
    %get3A_10 = arith.constant 1 : index
    %get3A_11 = arith.constant 0 : index
    %get3A_12 = arith.constant 0 : index
    %get3A_13 = vector.load %arg1[%get3A_10, %get3A_11, %get3A_12] : memref<2x1000x128xf32, #tpu.memory_space<vmem>>, vector<1x1000x128xf32>
    %get3A_14 = vector.shape_cast %get3A_13 : vector<1x1000x128xf32> to vector<1000x128xf32>
    %add3A = arith.addf %get3A_9, %get3A_14 : vector<1000x128xf32>
    %div3A = vector.broadcast %broadcast_in_dim3A : vector<1000x1xf32> to vector<1000x128xf32>
    %div3A_15 = arith.divf %add3A, %div3A : vector<1000x128xf32>
    %get3A_16 = arith.constant 0 : index
    %get3A_17 = arith.constant 0 : index
    %get3A_18 = vector.load %arg4[%get3A_16, %get3A_17] : memref<128x128xf32, #tpu.memory_space<vmem>>, vector<128x128xf32>
    %dot_general3A = arith.constant dense<0.000000e+00> : vector<1000x128xf32>
    %dot_general3A_19 = tpu.matmul %div3A_15, %get3A_18, %dot_general3A {dimension_numbers = #tpu.dot_dimension_numbers<[1], [0], [0], [1], [0, 0, 1, 1], [], []>, transpose_lhs_hint = false} : vector<1000x128xf32>, vector<128x128xf32>, vector<1000x128xf32> -> vector<1000x128xf32>
    %get3A_20 = arith.constant 0 : index
    %get3A_21 = arith.constant 0 : index
    %get3A_22 = vector.load %arg3[%get3A_20, %get3A_21] : memref<1000x128xf32, #tpu.memory_space<vmem>>, vector<1000x128xf32>
    %get3A_23 = arith.constant 0 : index
    %get3A_24 = arith.constant 0 : index
    %get3A_25 = vector.load %arg5[%get3A_23, %get3A_24] : memref<128x128xf32, #tpu.memory_space<vmem>>, vector<128x128xf32>
    %dot_general3A_26 = arith.constant dense<0.000000e+00> : vector<1000x128xf32>
    %dot_general3A_27 = tpu.matmul %get3A_22, %get3A_25, %dot_general3A_26 {dimension_numbers = #tpu.dot_dimension_numbers<[1], [0], [0], [1], [0, 0, 1, 1], [], []>, transpose_lhs_hint = false} : vector<1000x128xf32>, vector<128x128xf32>, vector<1000x128xf32> -> vector<1000x128xf32>
    %add3A_28 = arith.addf %dot_general3A_19, %dot_general3A_27 : vector<1000x128xf32>
    %get3A_29 = arith.constant 0 : index
    %get3A_30 = arith.constant 0 : index
    %get3A_31 = vector.load %arg6[%get3A_29, %get3A_30] : memref<1x128xf32, #tpu.memory_space<vmem>>, vector<1x128xf32>
    %add3A_32 = vector.broadcast %get3A_31 : vector<1x128xf32> to vector<1000x128xf32>
    %add3A_33 = arith.addf %add3A_28, %add3A_32 : vector<1000x128xf32>
    %max3A_34 = arith.constant 0.000000e+00 : f32
    %max3A_35 = vector.broadcast %max3A_34 : f32 to vector<1000x128xf32>
    %max3A_36 = arith.maximumf %add3A_33, %max3A_35 : vector<1000x128xf32>
    %swap3A = arith.constant 0 : index
    %swap3A_37 = arith.constant 0 : index
    %swap3A_38 = vector.load %arg7[%swap3A, %swap3A_37] : memref<1000x128xf32, #tpu.memory_space<vmem>>, vector<1000x128xf32>
    tpu.vector_store %arg7[%swap3A, %swap3A_37], %max3A_36 {strides = array<i32>} : memref<1000x128xf32, #tpu.memory_space<vmem>>, vector<1000x128xf32>,
    return
  }
  func.func @transform_0(%arg0: i32) -> (i32, i32, i32) {
    %c0_i32 = arith.constant 0 : i32
    %c0_i32_0 = arith.constant 0 : i32
    %c0_i32_1 = arith.constant 0 : i32
    return %c0_i32, %arg0, %c0_i32_0 : i32, i32, i32
  }
  func.func @transform_1(%arg0: i32) -> (i32, i32) {
    %c0_i32 = arith.constant 0 : i32
    %c0_i32_0 = arith.constant 0 : i32
    return %arg0, %c0_i32 : i32, i32
  }
  func.func @transform_2(%arg0: i32) -> (i32, i32) {
    %c0_i32 = arith.constant 0 : i32
    %c0_i32_0 = arith.constant 0 : i32
    return %arg0, %c0_i32 : i32, i32
  }
  func.func @transform_3(%arg0: i32) -> (i32, i32) {
    %c0_i32 = arith.constant 0 : i32
    %c0_i32_0 = arith.constant 0 : i32
    %c0_i32_1 = arith.constant 0 : i32
    return %c0_i32, %c0_i32_0 : i32, i32
  }
  func.func @transform_4(%arg0: i32) -> (i32, i32) {
    %c0_i32 = arith.constant 0 : i32
    %c0_i32_0 = arith.constant 0 : i32
    %c0_i32_1 = arith.constant 0 : i32
    return %c0_i32, %c0_i32_0 : i32, i32
  }
  func.func @transform_5(%arg0: i32) -> (i32, i32) {
    %c0_i32 = arith.constant 0 : i32
    %c0_i32_0 = arith.constant 0 : i32
    %c0_i32_1 = arith.constant 0 : i32
    return %c0_i32, %c0_i32_0 : i32, i32
  }
  func.func @transform_6(%arg0: i32) -> (i32, i32) {
    %c0_i32 = arith.constant 0 : i32
    %c0_i32_0 = arith.constant 0 : i32
    return %arg0, %c0_i32 : i32, i32
  }
}

</mosaic_0001>

<sc_bundles>
// kernel: kernel.11.cloned.1.call-start
scs
__scs_entry_jumppad:
0x0: {  	(pc) =	sbr.rel $0x88, $3  }
0x1: {  	(tag) =	ssettag $0x0;
	lr =	simm.s32 $0x1  }
0x2: {  	[smem:$0x3F99] =	sst lr;
	_ =	strace $0xD0000000  }
0x3: {  	_ = 	snop  }
0x4: {  	_ = 	snop  }
0x5: {  	_ = 	snop  }
0x6: {  	_ = 	snop  }
0x7: {  	_ = 	snop  }
__scs_overlays_trampoline_lowered:
0x8: {  	[smem:$0x3FA8] =	sst s0  }
0x9: {  	[smem:$0x3FA9] =	sst s1  }
0xa: {  	[smem:$0x3FAA] =	sst s2  }
0xb: {  	[smem:$0x3FAB] =	sst s3  }
0xc: {  	[smem:$0x3FAC] =	sst s4  }
0xd: {  	[smem:$0x3FAD] =	sst s5  }
0xe: {  	[smem:$0x3FAE] =	sst s6  }
0xf: {  	[smem:$0x3FAF] =	sst s7  }
0x10: {  	[smem:$0x3FB0] =	sst s8  }
0x11: {  	[smem:$0x3FB1] =	sst s9;
	s0 =	simm.s32 @!p0 $0x0  }
0x12: {  	s1 =	sld [smem:$0x3F97];
	s0 =	simm.s32 @p0 $0x1  }
0x13: {  	[smem:$0x3FB2] =	sst s0;
	s0 =	simm.s32 @!p1 $0x0  }
0x14: {  	s2 =	sld [smem:$0x3F96];
	s0 =	simm.s32 @p1 $0x1  }
0x15: {  	[smem:$0x3FB3] =	sst s0;
	s0 =	simm.s32 @!p2 $0x0  }
0x16: {  	s3 =	sld [smem:$0x3FDB];
	s0 =	simm.s32 @p2 $0x1  }
0x17: {  	s4 =	simm.s32 $0x1BF5;
	[smem:$0x3FB5] =	sst s0  }
0x18: {  	s0 =	sld [smem:$0x3F98];
	_ =	swait.ge [sflag:s4], $0x0  }
0x19: {  	s7 =	sld [smem:$0x3F99]  }
0x1a: {  	s8 =	sadd.s32 $0xFFFFE003, lr  }
0x1b: {  	s9 =	sadd.s32 $0xFFFFFEF7, lr;
	s5 =	simm.s32 $0xFFFFFFFF;
	p2 =	slt.u32 s8, $0xFFFFF086  }
0x1c: {  	p1 =	slt.u32 s9, $0xF7A;
	s5 =	simm.s32 @!p2 $0x0  }
0x1d: {  	s5 =	simm.s32 @p1 $0x1;
	p0 =	seq.s32 s7, s2  }
0x1e: {  	s7 =	smul.u32 @!p0 $0xF7A, s2;
	p2 =	seq.s32 @!p0 s5, $0x0  }
0x1f: {  	s9 =	smul.u32 $0xF7A, s1;
	s8 =	simm.s32 @!p0 $0x1BF5;
	p2 =	por !p2, p0  }
0x20: {  	[sflag:s8] =	ssyncset.s32 @!p0 $0xFFFFF086;
	s6 =	sadd.s32 @!p0 s3, s7;
	s7 =	simm.s32 @!p0 $0x108  }
0x21: {  	s3 =	sadd.s32 s3, s9;
	s6 =	sadd.s32 @!p0 $0x88, s6;
	s7 =	simm.s32 @p2 $0x1082  }
0x22: {  	[simem:s7], [sflag:s8] =	dma.local @!p0 [hbm:s6], $0xF7A  }
0x23: {  	s9 =	sor.u32 $0xD0000000, s2;
	s6 =	simm.s32 $0x108;
	_ =	swait.ge @!p0 [sflag:s8], $0x0  }
0x24: {  	s3 =	sadd.s32 $0x88, s3;
	s6 =	simm.s32 @!p1 $0x1082;
	[sflag:s4] =	ssyncset.s32 $0xFFFFF086  }
0x25: {  	[simem:s6], [sflag:s4] =	dma.local [hbm:s3], $0xF7A  }
0x26: {  	[smem:$0x3F99] =	sst s1;
	(tag) =	ssettag s2;
	_ =	strace s9  }
0x27: {  	s1 =	sld [smem:$0x3FA9]  }
0x28: {  	s2 =	sld [smem:$0x3FAA]  }
0x29: {  	s4 =	sld [smem:$0x3FAC]  }
0x2a: {  	p0 =	seq.s32 s5, $0x0;
	s5 =	sld [smem:$0x3FAD]  }
0x2b: {  	s6 =	sld [smem:$0x3FAE]  }
0x2c: {  	s7 =	sld [smem:$0x3FAF]  }
0x2d: {  	s3 =	simm.s32 $0x108;
	s8 =	sld [smem:$0x3FB0]  }
0x2e: {  	s3 =	simm.s32 @!p0 $0x1082;
	s9 =	sld [smem:$0x3FB1]  }
0x2f: {  	lr =	sadd.s32 s0, s3;
	s0 =	sld [smem:$0x3FA8]  }
0x30: {  	s3 =	sld [smem:$0x3FAB]  }
0x31: {  	[smem:$0x3FB4] =	sst s10  }
0x32: {  	s10 =	sld [smem:$0x3FB2];
	_ =	sdelay $0x3  }
0x33: {  	p0 =	seq.s32 s10, $0x1;
	s10 =	sld [smem:$0x3FB4];
	_ =	sdelay $0x3  }
0x34: {  	[smem:$0x3FB4] =	sst s10  }
0x35: {  	s10 =	sld [smem:$0x3FB3];
	_ =	sdelay $0x3  }
0x36: {  	p1 =	seq.s32 s10, $0x1;
	s10 =	sld [smem:$0x3FB4];
	_ =	sdelay $0x3  }
0x37: {  	[smem:$0x3FB4] =	sst s10  }
0x38: {  	s10 =	sld [smem:$0x3FB5]  }
0x39: {  	_ = 	snop;
	(pc) =	sbr.ind lr, $3  }
0x3a: {  	_ = 	snop  }
0x3b: {  	_ = 	snop  }
0x3c: {  	p2 =	seq.s32 s10, $0x1;
	s10 =	sld [smem:$0x3FB4]  }
0x3d: {  	_ =	shalt  }
0x3e: {  	_ =	shalt  }
0x3f: {  	_ =	shalt  }
0x40: {  	_ =	shalt  }
0x41: {  	_ =	shalt  }
0x42: {  	_ =	shalt  }
0x43: {  	_ =	shalt  }
0x44: {  	_ =	shalt  }
0x45: {  	_ =	shalt  }
0x46: {  	_ =	shalt  }
0x47: {  	_ =	shalt  }
0x48: {  	_ =	shalt  }
0x49: {  	_ =	shalt  }
0x4a: {  	_ =	shalt  }
0x4b: {  	_ =	shalt  }
0x4c: {  	_ =	shalt  }
0x4d: {  	_ =	shalt  }
0x4e: {  	_ =	shalt  }
0x4f: {  	_ =	shalt  }
0x50: {  	_ =	shalt  }
0x51: {  	_ =	shalt  }
0x52: {  	_ =	shalt  }
0x53: {  	_ =	shalt  }
0x54: {  	_ =	shalt  }
0x55: {  	_ =	shalt  }
0x56: {  	_ =	shalt  }
0x57: {  	_ =	shalt  }
0x58: {  	_ =	shalt  }
0x59: {  	_ =	shalt  }
0x5a: {  	_ =	shalt  }
0x5b: {  	_ =	shalt  }
0x5c: {  	_ =	shalt  }
0x5d: {  	_ =	shalt  }
0x5e: {  	_ =	shalt  }
0x5f: {  	_ =	shalt  }
0x60: {  	_ =	shalt  }
0x61: {  	_ =	shalt  }
0x62: {  	_ =	shalt  }
0x63: {  	_ =	shalt  }
0x64: {  	_ =	shalt  }
0x65: {  	_ =	shalt  }
0x66: {  	_ =	shalt  }
0x67: {  	_ =	shalt  }
0x68: {  	_ =	shalt  }
0x69: {  	_ =	shalt  }
0x6a: {  	_ =	shalt  }
0x6b: {  	_ =	shalt  }
0x6c: {  	_ =	shalt  }
0x6d: {  	_ =	shalt  }
0x6e: {  	_ =	shalt  }
0x6f: {  	_ =	shalt  }
0x70: {  	_ =	shalt  }
0x71: {  	_ =	shalt  }
0x72: {  	_ =	shalt  }
0x73: {  	_ =	shalt  }
0x74: {  	_ =	shalt  }
0x75: {  	_ =	shalt  }
0x76: {  	_ =	shalt  }
0x77: {  	_ =	shalt  }
0x78: {  	_ =	shalt  }
0x79: {  	_ =	shalt  }
0x7a: {  	_ =	shalt  }
0x7b: {  	_ =	shalt  }
0x7c: {  	_ =	shalt  }
0x7d: {  	_ =	shalt  }
0x7e: {  	_ =	shalt  }
0x7f: {  	_ =	shalt  }
0x80: {  	_ =	shalt  }
0x81: {  	_ =	shalt  }
0x82: {  	_ =	shalt  }
0x83: {  	_ =	shalt  }
0x84: {  	_ =	shalt  }
0x85: {  	_ =	shalt  }
0x86: {  	_ =	shalt  }
0x87: {  	_ =	shalt  }
.Lfunc_end0:
.L_simem_size_0:
called_computation.1_lowered:
.L_overlay_start_0:
0x88: {  	s2 =	sld [smem:$0x3FD9]  }
0x89: {  	s3 =	sld [smem:$0x3FFE];
	_ =	sdelay $0x1  }
0x8a: {  	s1 =	srdreg.scid  }
0x8b: {  	s0 =	sand.u32 $0x1, s1  }
0x8c: {  	s17 =	sshll.u32 s0, $0xA;
	s2 =	sadd.s32 s3, s2  }
0x8d: {  	s2 =	sadd.s32 s2, s17  }
0x8e: {  	[smem:$0x3FC0] =	sst s2  }
0x8f: {  	_ = 	snop  }
0x90: {  	s18 =	sld [smem:$0x3FD0];
	(tm) =	ssettm $0x1  }
0x91: {  	s19 =	sld [smem:$0x3FFB];
	_ =	sdelay $0x3  }
0x92: {  	_ =	strace s19  }
0x93: {  	s2 =	sld [smem:$0x3FFC];
	_ =	sdelay $0x3  }
0x94: {  	_ =	strace s2  }
0x95: {  	s2 =	sld [smem:$0x3FFD];
	_ =	sdelay $0x3  }
0x96: {  	_ =	strace s2  }
0x97: {  	_ =	strace $0x8FFFFFFF  }
0x98: {  	s20 =	sld [smem:$0x3FDB];
	_ =	sdelay $0x1  }
0x99: {  	s4 =	simm.s32 $_scs_section_size  }
0x9a: {  	s5 =	simm.s32 $_size__tile_overlayer_lowered;
	s6 =	simm.s32 $_tile_overlayer_lowered  }
0x9b: {  	s7 =	simm.s32 $0x1BFF;
	s21 =	sshll.u32 s6, $0x1;
	s4 =	sadd.s32 s4, s20  }
0x9c: {  	s22 =	simm.s32 $0x0;
	s5 =	sshll.u32 s5, $0x1;
	s6 =	sadd.s32 s21, s4  }
0x9d: {  	[timem:s22], [sflag:s7] =	dma.local [hbm:s6], s5  }
0x9e: {  	_ =	swait.ge [sflag:s7], s5  }
0x9f: {  	s5 =	ssub.s32 $0x0, s5;
	[sflag:s7] =	ssyncset.done $0x0  }
0xa0: {  	[sflag:s7] =	ssyncadd.s32 s5;
	_ =	sdelay $0x1  }
0xa1: {  	s23 =	simm.s32 $0x1B8B  }
0xa2: {  	_ =	swait.ge [sflag:s23], $0x1  }
0xa3: {  	[sflag:s23] =	ssyncset.done $0x0  }
0xa4: {  	[sflag:s23] =	ssyncadd.s32 $0xFFFFFFFF  }
0xa5: {  	s5 =	sld [smem:$0x0]  }
0xa6: {  	s6 =	sand.u32 $0xFFFFFFFE, s1  }
0xa7: {  	p0 =	sne.s32 s1, s6  }
0xa8: {  	s6 =	sshll.u32 @p0 s6, $0xE  }
0xa9: {  	s6 =	sadd.s32 @p0 $0x11B8D, s6;
	s7 =	sshll.u32 @p0 s5, $0x11  }
0xaa: {  	s6 =	sor.u32 @p0 s7, s6  }
0xab: {  	[sflag:s6] =	ssyncadd.remote.s32 @p0 $0x1;
	_ =	sdelay $0x1  }
0xac: {  	s6 =	simm.s32 @p0 $0x1B8D  }
0xad: {  	_ =	swait.eq @p0 [sflag:s6], $0x1  }
0xae: {  	[sflag:s6] =	ssyncadd.s32 @p0 $0xFFFFFFFF  }
0xaf: {  	s7 =	sshll.u32 @!p0 s1, $0xE  }
0xb0: {  	s7 =	sor.u32 @!p0 $0x4000, s7;
	s6 =	simm.s32 @!p0 $0x1B8D  }
0xb1: {  	s5 =	sshll.u32 @!p0 s5, $0x11;
	s7 =	sadd.s32 @!p0 $0x11B8D, s7;
	_ =	swait.eq @!p0 [sflag:s6], $0x1  }
0xb2: {  	s5 =	sor.u32 @!p0 s5, s7;
	[sflag:s6] =	ssyncadd.s32 @!p0 $0xFFFFFFFF  }
0xb3: {  	s25 =	simm.s32 $0x1B8E;
	s24 =	sld [smem:$0x3FFE];
	[sflag:s5] =	ssyncadd.remote.s32 @!p0 $0x1  }
0xb4: {  	s26 =	simm.s32 $execute0_lowered;
	[smem:$0x3FD2] =	sst s25  }
0xb5: {  	s6 =	sshll.u32 s26, $0x1;
	_ =	strace $0x80000049;
	[dreg:$0x1] =	wrdreg $0xFFFFFFFF  }
0xb6: {  	s28 =	simm.s32 $_size_execute0_lowered;
	s4 =	sadd.s32 s4, s6;
	[dreg:$0x0] =	wrdreg $0x0  }
0xb7: {  	s6 =	sshll.u32 s28, $0x1;
	[dreg:$0x2] =	wrdreg s4  }
0xb8: {  	[dreg:$0x3] =	wrdreg s6  }
0xb9: {  	[dreg:$0x4] =	wrdreg $0xC0  }
0xba: {  	_ =	task [dreg:s22], $0x5FFFF  }
0xbb: {  	[dreg:$0x1] =	wrdreg $0xFFFFFFFF  }
0xbc: {  	[dreg:$0x0] =	wrdreg $0x60  }
0xbd: {  	[dreg:$0x2] =	wrdreg s18  }
0xbe: {  	[dreg:$0x3] =	wrdreg s24  }
0xbf: {  	[dreg:$0x4] =	wrdreg $0xB4000  }
0xc0: {  	[dreg:$0x5] =	wrdreg $0xA  }
0xc1: {  	_ =	task.clear_ibuf [dreg:s22], $0x6FFFF;
	_ =	strace $0x90000049  }
0xc2: {  	s29 =	simm.s32 $0xA;
	_ =	strace $0x8000004B  }
0xc3: {  	_ =	swait.ge [sflag:s29], $0x1  }
0xc4: {  	[sflag:s29] =	ssyncadd.s32 $0xFFFFFFFF  }
0xc5: {  	_ =	strace $0x9000004B  }
0xc6: {  	_ =	sfence  }
0xc7: {  	s30 =	sld [smem:$0x0];
	_ =	sdelay $0x2  }
0xc8: {  	s31 =	sshll.u32 s1, $0xD;
	s1 =	sshrl.u32 s1, $0x2  }
0xc9: {  	s4 =	sand.u32 $0x4000, s31;
	s1 =	sadd.s32 s1, s30  }
0xca: {  	s0 =	sor.u32 s4, s0;
	s1 =	sshll.u32 s1, $0x11  }
0xcb: {  	s0 =	sor.u32 s1, s0  }
0xcc: {  	s0 =	sadd.s32 $0x8F2B, s0  }
0xcd: {  	[sflag:s0] =	ssyncadd.remote.s32 $0x1  }
0xce: {  	_ =	sfence.sel $0xFFFF  }
0xcf: {  	[dreg:$0x0] =	wrdreg $0xFFFFFFFF;
	(pc) =	sbr.abs _section_cstart, $3  }
0xd0: {  	[dreg:$0x1] =	wrdreg $0xFFFFFFFF  }
0xd1: {  	_ =	task.clear_ibuf [dreg:s22], $0x2FFFF;
	_ =	strace $0x9FFFFFFF  }
0xd2: {  	(tm) =	ssettm $0x7FFFFFFF  }
0xd3: {  	_ =	shalt  }
tec
execute0_lowered:
.L_overlay_start_1:
0x0: {  	(tag) =	ssettag $0x1  }
0x1: {  	s0 =	srdreg.scid;
	s1 =	rddreg [dreg:$0x0]  }
0x2: {  	s11 =	stileid.u32;
	s4 =	rddreg [dreg:$0x1]  }
0x3: {  	s3 =	rddreg [dreg:$0x2];
	s6 =	simm.s32 $0x0;
	s17 =	smul.u32 $0x2800, s11  }
0x4: {  	s13 =	simm.s32 $0xB000;
	s14 =	simm.s32 $0x6;
	s9 =	smul.u32 $0x50000, s11  }
0x5: {  	s16 =	simm.s32 $0x2C00;
	s30 =	simm.s32 $0x2B00;
	s21 =	smul.u32 $0xA, s11  }
0x6: {  	s31 =	simm.s32 $0x2B80;
	s0 =	sand.u32 $0x1, s0;
	s22 =	smul.u32 $0x500, s11  }
0x7: {  	s29 =	simm.s32 $0x0;
	[smem:$0x7FF] =	sst s6;
	s5 =	smul.u32 $0x28000, s0  }
0x8: {  	s8 =	sadd.s32 $0xC200, s4;
	s2 =	sshll.u32 s0, $0x4;
	s10 =	smul.u32 $0xA0, s0  }
0x9: {  	_ =	strace $0x8000004A;
	s18 =	ssub.s32 $0x2, s0;
	s0 =	smul.u32 $0x5000, s0  }
0xa: {  	s2 =	sor.u32 s11, s2;
	s19 =	sshrl.u32 s18, $0x1;
	s20 =	sshrl.u32 s9, $0x2  }
0xb: {  	s9 =	simm.s32 $0x2E00;
	s11 =	simm.s32 $0x2F80;
	s2 =	smul.u32 $0x500, s2  }
0xc: {  	s5 =	sadd.s32 s17, s5;
	s6 =	ssub.s32 s18, s19;
	s23 =	sadd.s32 s21, s10  }
0xd: {  	s0 =	sadd.s32 s0, s8;
	s17 =	simm.s32 $0x80;
	s18 =	simm.s32 $0x3000  }
0xe: {  	s19 =	simm.s32 $0x7000;
	s21 =	simm.s32 $0x3;
	s10 =	simm.s32 $0x2E80  }
0xf: {  	s0 =	sadd.s32 s22, s0;
	s26 =	smax.u32 s6, $0x1;
	s22 =	simm.s32 $0x1  }
0x10: {  	s6 =	simm.s32 $0x2D00;
	s7 =	sadd.s32 s2, s4;
	s4 =	sadd.s32 s5, s4  }
0x11: {  	s5 =	sadd.s32 s20, s3;
	s12 =	sadd.s32 s8, s2;
	[dreg:$0x8] =	wrdreg s26  }
0x12: {  	s0 =	sadd.s32 $0x180, s0;
	s20 =	simm.s32 $0x5;
	s2 =	simm.s32 $0x4  }
0x13: {  	s7 =	sadd.s32 $0x2200, s7;
	[dreg:$0x5] =	wrdreg s12;
	s24 =	sadd.s32 $0x80, s12  }
.Ltmp0:
0x14: {  	s4 =	sadd.s32 $0x17200, s4;
	[dreg:$0x9] =	wrdreg s0;
	(pc) =	sbr.rel .LBB2_1-.Ltmp0, $4  }
0x15: {  	s0 =	simm.s32 $0x2C80;
	[dreg:$0x4] =	wrdreg s7;
	s7 =	sshll.u32 s23, $0x7  }
0x16: {  	s12 =	simm.s32 $0x0;
	[dreg:$0x6] =	wrdreg s24;
	s25 =	sadd.s32 s8, s7  }
0x17: {  	[dreg:$0x7] =	wrdreg s4;
	s23 =	simm.s32 $0x2;
	s28 =	sadd.s32 $0x100, s25  }
0x18: {  	v0 =	vimm.f32 $0.0e+00;
	s8 =	simm.s32 $0x2D80;
	s7 =	simm.s32 $0x2F00;
	[dreg:$0xa] =	wrdreg s28  }
.LBB2_8:
0x19: {  	s4 =	stileid.u32  }
0x1a: {  	[bflag:$0x0] =	sbarrier.arrive $0xFFFF;
	s4 =	sshll.u32 s4, $0x6  }
0x1b: {  	s12 =	sshrl.u32 s5, $0x3;
	s15 =	rddreg [dreg:$0x7];
	s4 =	sor.u32 $0x1C06, s4  }
0x1c: {  	[hbm:s15], [sflag:s4] =	dma.local [spmem:s12], $0x2800  }
0x1d: {  	_ =	swait.ge [sflag:s14], $0x2800  }
0x1e: {  	s26 =	rddreg [dreg:$0xb]  }
0x1f: {  	s28 =	rddreg [dreg:$0x8];
	s12 =	sadd.s32 $0x1, s26  }
0x20: {  	p0 =	sne.s32 s12, s28  }
.Ltmp1:
0x21: {  	_ = 	snop;
	(pc) =	sbr.rel @!p0 .LBB2_9-.Ltmp1, $3  }
0x22: {  	_ =	sdelay $0x1  }
0x23: {  	[sflag:s14] =	ssyncset.done $0x0  }
0x24: {  	[sflag:s14] =	ssyncadd.s32 $0xFFFFD800  }
.LBB2_1:
0x25: {  	[tilespmem:$0xB000] =	vst v0  }
0x26: {  	[tilespmem:$0xB010] =	vst v0  }
0x27: {  	[tilespmem:$0xB020] =	vst v0  }
0x28: {  	[tilespmem:$0xB030] =	vst v0  }
0x29: {  	[tilespmem:$0xB040] =	vst v0  }
0x2a: {  	[tilespmem:$0xB050] =	vst v0  }
0x2b: {  	[tilespmem:$0xB060] =	vst v0  }
0x2c: {  	[tilespmem:$0xB070] =	vst v0  }
0x2d: {  	[tilespmem:$0xB080] =	vst v0  }
0x2e: {  	[tilespmem:$0xB090] =	vst v0  }
0x2f: {  	[tilespmem:$0xB0A0] =	vst v0  }
0x30: {  	[tilespmem:$0xB0B0] =	vst v0  }
0x31: {  	[tilespmem:$0xB0C0] =	vst v0  }
0x32: {  	[tilespmem:$0xB0D0] =	vst v0  }
0x33: {  	[tilespmem:$0xB0E0] =	vst v0  }
0x34: {  	[tilespmem:$0xB0F0] =	vst v0  }
0x35: {  	[tilespmem:$0xB100] =	vst v0  }
0x36: {  	[tilespmem:$0xB110] =	vst v0  }
0x37: {  	[tilespmem:$0xB120] =	vst v0  }
0x38: {  	[tilespmem:$0xB130] =	vst v0  }
0x39: {  	[tilespmem:$0xB140] =	vst v0  }
0x3a: {  	[tilespmem:$0xB150] =	vst v0  }
0x3b: {  	[tilespmem:$0xB160] =	vst v0  }
0x3c: {  	[tilespmem:$0xB170] =	vst v0  }
0x3d: {  	[tilespmem:$0xB180] =	vst v0  }
0x3e: {  	[tilespmem:$0xB190] =	vst v0  }
0x3f: {  	[tilespmem:$0xB1A0] =	vst v0  }
0x40: {  	[tilespmem:$0xB1B0] =	vst v0  }
0x41: {  	[tilespmem:$0xB1C0] =	vst v0  }
0x42: {  	[tilespmem:$0xB1D0] =	vst v0  }
0x43: {  	[tilespmem:$0xB1E0] =	vst v0  }
0x44: {  	[tilespmem:$0xB1F0] =	vst v0  }
0x45: {  	[tilespmem:$0xB200] =	vst v0  }
0x46: {  	[tilespmem:$0xB210] =	vst v0  }
0x47: {  	[tilespmem:$0xB220] =	vst v0  }
0x48: {  	[tilespmem:$0xB230] =	vst v0  }
0x49: {  	[tilespmem:$0xB240] =	vst v0  }
0x4a: {  	[tilespmem:$0xB250] =	vst v0  }
0x4b: {  	[tilespmem:$0xB260] =	vst v0  }
0x4c: {  	[tilespmem:$0xB270] =	vst v0  }
0x4d: {  	[tilespmem:$0xB280] =	vst v0  }
0x4e: {  	[tilespmem:$0xB290] =	vst v0  }
0x4f: {  	[tilespmem:$0xB2A0] =	vst v0  }
0x50: {  	[tilespmem:$0xB2B0] =	vst v0  }
0x51: {  	[tilespmem:$0xB2C0] =	vst v0  }
0x52: {  	[tilespmem:$0xB2D0] =	vst v0  }
0x53: {  	[tilespmem:$0xB2E0] =	vst v0  }
0x54: {  	[tilespmem:$0xB2F0] =	vst v0  }
0x55: {  	[tilespmem:$0xB300] =	vst v0  }
0x56: {  	[tilespmem:$0xB310] =	vst v0  }
0x57: {  	[tilespmem:$0xB320] =	vst v0  }
0x58: {  	[tilespmem:$0xB330] =	vst v0  }
0x59: {  	[tilespmem:$0xB340] =	vst v0  }
0x5a: {  	[tilespmem:$0xB350] =	vst v0  }
0x5b: {  	[tilespmem:$0xB360] =	vst v0  }
0x5c: {  	[tilespmem:$0xB370] =	vst v0  }
0x5d: {  	[tilespmem:$0xB380] =	vst v0  }
0x5e: {  	[tilespmem:$0xB390] =	vst v0  }
0x5f: {  	[tilespmem:$0xB3A0] =	vst v0  }
0x60: {  	[tilespmem:$0xB3B0] =	vst v0  }
0x61: {  	[tilespmem:$0xB3C0] =	vst v0  }
0x62: {  	[tilespmem:$0xB3D0] =	vst v0  }
0x63: {  	[tilespmem:$0xB3E0] =	vst v0  }
0x64: {  	[dreg:$0xb] =	wrdreg s12;
	[tilespmem:$0xB3F0] =	vst v0;
	s4 =	simm.s32 $0x1000;
	s12 =	sadd.s32 $0x0, s5  }
.LBB2_2:
0x65: {  	[spmem:s12] =	stream.linear.scatter [tilespmem:s13], [sflag:$0x5], $0x400, $0x38;
	[tilespmem:$0x1F400] =	vst v63  }
0x66: {  	s12 =	smov.u32 s4;
	p0 =	sne.s32 s4, $0x4F000  }
.Ltmp2:
0x67: {  	s4 =	sadd.s32 $0x1000, s4;
	(pc) =	sbr.rel @p0 .LBB2_2-.Ltmp2, $3  }
0x68: {  	_ =	sdelay $0x1  }
0x69: {  	s12 =	sshra.s32 s12, $0x2  }
0x6a: {  	s12 =	sadd.s32 s12, s5  }
0x6b: {  	[spmem:s12] =	stream.linear.scatter [tilespmem:s13], [sflag:$0x5], $0x400, $0x38;
	[tilespmem:$0x1F400] =	vst v63  }
0x6c: {  	s4 =	simm.s32 $0x0;
	s25 =	rddreg [dreg:$0x4]  }
0x6d: {  	[tilespmem:s4], [sflag:$0x6] =	stream.linear.gather [hbm4b:s25+s4], $0x2800, $0x38;
	[tilespmem:$0x1F400] =	vst v63  }
0x6e: {  	_ =	swait.ge [sflag:s14], $0x2800  }
0x6f: {  	[sflag:s14] =	ssyncset.done $0x0  }
0x70: {  	s15 =	simm.s32 $0x2800;
	s26 =	rddreg [dreg:$0x5];
	[sflag:s14] =	ssyncadd.s32 $0xFFFFD800  }
0x71: {  	[tilespmem:s15], [sflag:$0x3] =	stream.linear.gather [hbm4b:s26+s4], $0x400, $0x38;
	[tilespmem:$0x1F400] =	vst v63  }
0x72: {  	s28 =	rddreg [dreg:$0x6]  }
0x73: {  	[tilespmem:s16], [sflag:$0x4] =	stream.linear.gather [hbm4b:s28+s4], $0x400, $0x38;
	[tilespmem:$0x1F400] =	vst v63  }
0x74: {  	_ = 	snop  }
0x75: {  	[tilespmem:s18], [sflag:$0x1] =	stream.indirect.gather [hbm4b:s1+s17], $0x80, s4, s17, $0xb8;
	[tilespmem:$0x1F400] =	vst v63  }
0x76: {  	_ = 	snop  }
0x77: {  	[tilespmem:s19], [sflag:$0x2] =	stream.indirect.gather [hbm4b:s1+s17], $0x80, s17, s17, $0xb8;
	[tilespmem:$0x1F400] =	vst v63  }
0x78: {  	_ =	swait.ge [sflag:s20], $0x400  }
0x79: {  	s4 =	simm.s32 $0x4F;
	[sflag:s20] =	ssyncset.done $0x0  }
.LBB2_4:
0x7a: {  	p0 =	sne.s32 s4, $0x1;
	s4 =	sadd.s32 $0xFFFFFFFF, s4;
	[sflag:s20] =	ssyncadd.s32 $0xFFFFFC00  }
.Ltmp3:
0x7b: {  	(pc) =	sbr.rel @p0 .LBB2_4-.Ltmp3, $3  }
0x7c: {  	_ =	sdelay $0x1  }
0x7d: {  	_ =	swait.ge [sflag:s20], $0x400  }
0x7e: {  	[sflag:s20] =	ssyncset.done $0x0  }
0x7f: {  	[sflag:s20] =	ssyncadd.s32 $0xFFFFFC00  }
0x80: {  	[bflag:$0x0] =	sbarrier.arrive $0xFFFF  }
0x81: {  	s24 =	rddreg [dreg:$0xa]  }
0x82: {  	s12 =	simm.s32 $0x0;
	s4 =	simm.s32 $0xF;
	s25 =	rddreg [dreg:$0x9]  }
.LBB2_6:
0x83: {  	_ =	swait.ge [sflag:s21], $0x400  }
0x84: {  	[sflag:s21] =	ssyncset.done $0x0  }
0x85: {  	[sflag:s21] =	ssyncadd.s32 $0xFFFFFC00  }
0x86: {  	_ =	swait.ge [sflag:s22], $0x4000  }
0x87: {  	[sflag:s22] =	ssyncset.done $0x0  }
0x88: {  	s15 =	simm.s32 $0x2800;
	[sflag:s22] =	ssyncadd.s32 $0xFFFFC000  }
0x89: {  	[spmem:s3] =	stream.indirect.scatter.add.f32 [tilespmem:s18], [sflag:$0x6], $0x80, s15, s17, $0xb8;
	[tilespmem:$0x1F400] =	vst v63  }
0x8a: {  	_ =	swait.ge [sflag:s14], $0x4000  }
0x8b: {  	s15 =	sshra.s32 s12, $0x2;
	[sflag:s14] =	ssyncset.done $0x0  }
0x8c: {  	s26 =	sadd.s32 $0x100, s15;
	[sflag:s14] =	ssyncadd.s32 $0xFFFFC000  }
0x8d: {  	[tilespmem:s18], [sflag:$0x1] =	stream.indirect.gather [hbm4b:s1+s17], $0x80, s26, s17, $0xb8;
	[tilespmem:$0x1F400] =	vst v63  }
0x8e: {  	_ =	swait.ge [sflag:s23], $0x4000  }
0x8f: {  	[sflag:s23] =	ssyncset.done $0x0  }
0x90: {  	s28 =	simm.s32 $0x2880;
	[sflag:s23] =	ssyncadd.s32 $0xFFFFC000  }
0x91: {  	[spmem:s3] =	stream.indirect.scatter.add.f32 [tilespmem:s19], [sflag:$0x6], $0x80, s28, s17, $0xb8;
	[tilespmem:$0x1F400] =	vst v63  }
0x92: {  	_ =	swait.ge [sflag:s14], $0x4000  }
0x93: {  	[sflag:s14] =	ssyncset.done $0x0  }
0x94: {  	s28 =	sadd.s32 $0x180, s15;
	[sflag:s14] =	ssyncadd.s32 $0xFFFFC000  }
0x95: {  	[tilespmem:s19], [sflag:$0x2] =	stream.indirect.gather [hbm4b:s1+s17], $0x80, s28, s17, $0xb8;
	[tilespmem:$0x1F400] =	vst v63  }
0x96: {  	_ =	swait.ge [sflag:s22], $0x4000  }
0x97: {  	[sflag:s22] =	ssyncset.done $0x0  }
0x98: {  	s28 =	simm.s32 $0x2900;
	[sflag:s22] =	ssyncadd.s32 $0xFFFFC000  }
0x99: {  	[spmem:s3] =	stream.indirect.scatter.add.f32 [tilespmem:s18], [sflag:$0x6], $0x80, s28, s17, $0xb8;
	[tilespmem:$0x1F400] =	vst v63  }
0x9a: {  	_ =	swait.ge [sflag:s14], $0x4000  }
0x9b: {  	[sflag:s14] =	ssyncset.done $0x0  }
0x9c: {  	s28 =	sadd.s32 $0x200, s15;
	[sflag:s14] =	ssyncadd.s32 $0xFFFFC000  }
0x9d: {  	[tilespmem:s18], [sflag:$0x1] =	stream.indirect.gather [hbm4b:s1+s17], $0x80, s28, s17, $0xb8;
	[tilespmem:$0x1F400] =	vst v63  }
0x9e: {  	_ =	swait.ge [sflag:s23], $0x4000  }
0x9f: {  	[sflag:s23] =	ssyncset.done $0x0  }
0xa0: {  	s28 =	simm.s32 $0x2980;
	[sflag:s23] =	ssyncadd.s32 $0xFFFFC000  }
0xa1: {  	[spmem:s3] =	stream.indirect.scatter.add.f32 [tilespmem:s19], [sflag:$0x6], $0x80, s28, s17, $0xb8;
	[tilespmem:$0x1F400] =	vst v63  }
0xa2: {  	_ =	swait.ge [sflag:s14], $0x4000  }
0xa3: {  	[sflag:s14] =	ssyncset.done $0x0  }
0xa4: {  	s28 =	sadd.s32 $0x280, s15;
	[sflag:s14] =	ssyncadd.s32 $0xFFFFC000  }
0xa5: {  	[tilespmem:s19], [sflag:$0x2] =	stream.indirect.gather [hbm4b:s1+s17], $0x80, s28, s17, $0xb8;
	[tilespmem:$0x1F400] =	vst v63  }
0xa6: {  	_ =	swait.ge [sflag:s22], $0x4000  }
0xa7: {  	[sflag:s22] =	ssyncset.done $0x0  }
0xa8: {  	s28 =	simm.s32 $0x2A00;
	[sflag:s22] =	ssyncadd.s32 $0xFFFFC000  }
0xa9: {  	[spmem:s3] =	stream.indirect.scatter.add.f32 [tilespmem:s18], [sflag:$0x6], $0x80, s28, s17, $0xb8;
	[tilespmem:$0x1F400] =	vst v63  }
0xaa: {  	_ =	swait.ge [sflag:s14], $0x4000  }
0xab: {  	[sflag:s14] =	ssyncset.done $0x0  }
0xac: {  	s28 =	sadd.s32 $0x300, s15;
	[sflag:s14] =	ssyncadd.s32 $0xFFFFC000  }
0xad: {  	[tilespmem:s18], [sflag:$0x1] =	stream.indirect.gather [hbm4b:s1+s17], $0x80, s28, s17, $0xb8;
	[tilespmem:$0x1F400] =	vst v63  }
0xae: {  	_ =	swait.ge [sflag:s23], $0x4000  }
0xaf: {  	[sflag:s23] =	ssyncset.done $0x0  }
0xb0: {  	s28 =	simm.s32 $0x2A80;
	[sflag:s23] =	ssyncadd.s32 $0xFFFFC000  }
0xb1: {  	[spmem:s3] =	stream.indirect.scatter.add.f32 [tilespmem:s19], [sflag:$0x6], $0x80, s28, s17, $0xb8;
	[tilespmem:$0x1F400] =	vst v63  }
0xb2: {  	_ =	swait.ge [sflag:s14], $0x4000  }
0xb3: {  	[sflag:s14] =	ssyncset.done $0x0  }
0xb4: {  	s28 =	sadd.s32 $0x380, s15;
	[sflag:s14] =	ssyncadd.s32 $0xFFFFC000  }
0xb5: {  	[tilespmem:s19], [sflag:$0x2] =	stream.indirect.gather [hbm4b:s1+s17], $0x80, s28, s17, $0xb8;
	[tilespmem:$0x1F400] =	vst v63  }
0xb6: {  	_ =	swait.ge [sflag:s22], $0x4000  }
0xb7: {  	[sflag:s22] =	ssyncset.done $0x0  }
0xb8: {  	[sflag:s22] =	ssyncadd.s32 $0xFFFFC000  }
0xb9: {  	[spmem:s3] =	stream.indirect.scatter.add.f32 [tilespmem:s18], [sflag:$0x6], $0x80, s30, s17, $0xb8;
	[tilespmem:$0x1F400] =	vst v63  }
0xba: {  	_ =	swait.ge [sflag:s14], $0x4000  }
0xbb: {  	[sflag:s14] =	ssyncset.done $0x0  }
0xbc: {  	s28 =	sadd.s32 $0x400, s15;
	[sflag:s14] =	ssyncadd.s32 $0xFFFFC000  }
0xbd: {  	[tilespmem:s18], [sflag:$0x1] =	stream.indirect.gather [hbm4b:s1+s17], $0x80, s28, s17, $0xb8;
	[tilespmem:$0x1F400] =	vst v63  }
0xbe: {  	_ =	swait.ge [sflag:s23], $0x4000  }
0xbf: {  	[sflag:s23] =	ssyncset.done $0x0  }
0xc0: {  	[sflag:s23] =	ssyncadd.s32 $0xFFFFC000  }
0xc1: {  	[spmem:s3] =	stream.indirect.scatter.add.f32 [tilespmem:s19], [sflag:$0x6], $0x80, s31, s17, $0xb8;
	[tilespmem:$0x1F400] =	vst v63  }
0xc2: {  	_ =	swait.ge [sflag:s14], $0x4000  }
0xc3: {  	[sflag:s14] =	ssyncset.done $0x0  }
0xc4: {  	p0 =	seq.s32 s12, $0x8000;
	s28 =	sadd.s32 $0x480, s15;
	[sflag:s14] =	ssyncadd.s32 $0xFFFFC000  }
0xc5: {  	[tilespmem:s19], [sflag:$0x2] =	stream.indirect.gather [hbm4b:s1+s17], $0x80, s28, s17, $0xb8;
	[tilespmem:$0x1F400] =	vst v63  }
0xc6: {  	s26 =	simm.s32 @!p0 $0x0;
	s28 =	simm.s32 @!p0 $0x2800  }
0xc7: {  	[tilespmem:s28], [sflag:$0x3] =	stream.linear.gather @!p0 [hbm4b:s24+s26], $0x400, $0x38;
	[tilespmem:$0x1F400] =	vst v63  }
0xc8: {  	_ =	swait.ge [sflag:s2], $0x400  }
0xc9: {  	[sflag:s2] =	ssyncset.done $0x0  }
0xca: {  	[sflag:s2] =	ssyncadd.s32 $0xFFFFFC00  }
0xcb: {  	_ =	swait.ge [sflag:s22], $0x4000  }
0xcc: {  	[sflag:s22] =	ssyncset.done $0x0  }
0xcd: {  	[sflag:s22] =	ssyncadd.s32 $0xFFFFC000  }
0xce: {  	[spmem:s3] =	stream.indirect.scatter.add.f32 [tilespmem:s18], [sflag:$0x6], $0x80, s16, s17, $0xb8;
	[tilespmem:$0x1F400] =	vst v63  }
0xcf: {  	_ =	swait.ge [sflag:s14], $0x4000  }
0xd0: {  	[sflag:s14] =	ssyncset.done $0x0  }
0xd1: {  	s28 =	sadd.s32 $0x500, s15;
	[sflag:s14] =	ssyncadd.s32 $0xFFFFC000  }
0xd2: {  	[tilespmem:s18], [sflag:$0x1] =	stream.indirect.gather [hbm4b:s1+s17], $0x80, s28, s17, $0xb8;
	[tilespmem:$0x1F400] =	vst v63  }
0xd3: {  	_ =	swait.ge [sflag:s23], $0x4000  }
0xd4: {  	[sflag:s23] =	ssyncset.done $0x0  }
0xd5: {  	[sflag:s23] =	ssyncadd.s32 $0xFFFFC000  }
0xd6: {  	[spmem:s3] =	stream.indirect.scatter.add.f32 [tilespmem:s19], [sflag:$0x6], $0x80, s0, s17, $0xb8;
	[tilespmem:$0x1F400] =	vst v63  }
0xd7: {  	_ =	swait.ge [sflag:s14], $0x4000  }
0xd8: {  	[sflag:s14] =	ssyncset.done $0x0  }
0xd9: {  	s28 =	sadd.s32 $0x580, s15;
	[sflag:s14] =	ssyncadd.s32 $0xFFFFC000  }
0xda: {  	[tilespmem:s19], [sflag:$0x2] =	stream.indirect.gather [hbm4b:s1+s17], $0x80, s28, s17, $0xb8;
	[tilespmem:$0x1F400] =	vst v63  }
0xdb: {  	_ =	swait.ge [sflag:s22], $0x4000  }
0xdc: {  	[sflag:s22] =	ssyncset.done $0x0  }
0xdd: {  	[sflag:s22] =	ssyncadd.s32 $0xFFFFC000  }
0xde: {  	[spmem:s3] =	stream.indirect.scatter.add.f32 [tilespmem:s18], [sflag:$0x6], $0x80, s6, s17, $0xb8;
	[tilespmem:$0x1F400] =	vst v63  }
0xdf: {  	_ =	swait.ge [sflag:s14], $0x4000  }
0xe0: {  	[sflag:s14] =	ssyncset.done $0x0  }
0xe1: {  	s28 =	sadd.s32 $0x600, s15;
	[sflag:s14] =	ssyncadd.s32 $0xFFFFC000  }
0xe2: {  	[tilespmem:s18], [sflag:$0x1] =	stream.indirect.gather [hbm4b:s1+s17], $0x80, s28, s17, $0xb8;
	[tilespmem:$0x1F400] =	vst v63  }
0xe3: {  	_ =	swait.ge [sflag:s23], $0x4000  }
0xe4: {  	[sflag:s23] =	ssyncset.done $0x0  }
0xe5: {  	[sflag:s23] =	ssyncadd.s32 $0xFFFFC000  }
0xe6: {  	[spmem:s3] =	stream.indirect.scatter.add.f32 [tilespmem:s19], [sflag:$0x6], $0x80, s8, s17, $0xb8;
	[tilespmem:$0x1F400] =	vst v63  }
0xe7: {  	_ =	swait.ge [sflag:s14], $0x4000  }
0xe8: {  	[sflag:s14] =	ssyncset.done $0x0  }
0xe9: {  	s28 =	sadd.s32 $0x680, s15;
	[sflag:s14] =	ssyncadd.s32 $0xFFFFC000  }
0xea: {  	[tilespmem:s19], [sflag:$0x2] =	stream.indirect.gather [hbm4b:s1+s17], $0x80, s28, s17, $0xb8;
	[tilespmem:$0x1F400] =	vst v63  }
0xeb: {  	_ =	swait.ge [sflag:s22], $0x4000  }
0xec: {  	[sflag:s22] =	ssyncset.done $0x0  }
0xed: {  	[sflag:s22] =	ssyncadd.s32 $0xFFFFC000  }
0xee: {  	[spmem:s3] =	stream.indirect.scatter.add.f32 [tilespmem:s18], [sflag:$0x6], $0x80, s9, s17, $0xb8;
	[tilespmem:$0x1F400] =	vst v63  }
0xef: {  	_ =	swait.ge [sflag:s14], $0x4000  }
0xf0: {  	[sflag:s14] =	ssyncset.done $0x0  }
0xf1: {  	s28 =	sadd.s32 $0x700, s15;
	[sflag:s14] =	ssyncadd.s32 $0xFFFFC000  }
0xf2: {  	[tilespmem:s18], [sflag:$0x1] =	stream.indirect.gather [hbm4b:s1+s17], $0x80, s28, s17, $0xb8;
	[tilespmem:$0x1F400] =	vst v63  }
0xf3: {  	_ =	swait.ge [sflag:s23], $0x4000  }
0xf4: {  	[sflag:s23] =	ssyncset.done $0x0  }
0xf5: {  	[sflag:s23] =	ssyncadd.s32 $0xFFFFC000  }
0xf6: {  	[spmem:s3] =	stream.indirect.scatter.add.f32 [tilespmem:s19], [sflag:$0x6], $0x80, s10, s17, $0xb8;
	[tilespmem:$0x1F400] =	vst v63  }
0xf7: {  	_ =	swait.ge [sflag:s14], $0x4000  }
0xf8: {  	[sflag:s14] =	ssyncset.done $0x0  }
0xf9: {  	s15 =	sadd.s32 $0x780, s15;
	[sflag:s14] =	ssyncadd.s32 $0xFFFFC000  }
0xfa: {  	[tilespmem:s19], [sflag:$0x2] =	stream.indirect.gather [hbm4b:s1+s17], $0x80, s15, s17, $0xb8;
	[tilespmem:$0x1F400] =	vst v63  }
0xfb: {  	_ =	swait.ge [sflag:s22], $0x4000  }
0xfc: {  	[sflag:s22] =	ssyncset.done $0x0  }
0xfd: {  	s28 =	sadd.s32 $0xFFFFFFFF, s4;
	[sflag:s22] =	ssyncadd.s32 $0xFFFFC000  }
0xfe: {  	[spmem:s3] =	stream.indirect.scatter.add.f32 [tilespmem:s18], [sflag:$0x6], $0x80, s7, s17, $0xb8;
	[tilespmem:$0x1F400] =	vst v63  }
0xff: {  	p1 =	sgt.u32 s28, $0x4D;
	_ =	swait.ge [sflag:s14], $0x4000  }
0x100: {  	s26 =	simm.s32 @!p1 $0x80;
	s15 =	sshra.s32 @!p1 s12, $0x2;
	[sflag:s14] =	ssyncset.done $0x0  }
0x101: {  	s28 =	simm.s32 @!p1 $0x3000;
	s15 =	sadd.s32 @!p1 $0x800, s15;
	[sflag:s14] =	ssyncadd.s32 $0xFFFFC000  }
0x102: {  	[tilespmem:s28], [sflag:$0x1] =	stream.indirect.gather @!p1 [hbm4b:s1+s26], $0x80, s15, s26, $0xb8;
	[tilespmem:$0x1F400] =	vst v63  }
0x103: {  	_ =	swait.ge [sflag:s23], $0x4000  }
0x104: {  	[sflag:s23] =	ssyncset.done $0x0  }
0x105: {  	[sflag:s23] =	ssyncadd.s32 $0xFFFFC000  }
0x106: {  	[spmem:s3] =	stream.indirect.scatter.add.f32 [tilespmem:s19], [sflag:$0x6], $0x80, s11, s17, $0xb8;
	[tilespmem:$0x1F400] =	vst v63  }
.Ltmp4:
0x107: {  	_ = 	snop;
	(pc) =	sbr.rel @p0 .LBB2_8-.Ltmp4, $4  }
0x108: {  	p1 =	sgt.u32 s4, $0x4D;
	_ =	swait.ge [sflag:s14], $0x4000  }
0x109: {  	s15 =	sshra.s32 @!p1 s12, $0x2;
	s26 =	simm.s32 @!p1 $0x80;
	[sflag:s14] =	ssyncset.done $0x0  }
0x10a: {  	s28 =	simm.s32 @!p1 $0x7000;
	s15 =	sadd.s32 @!p1 $0x880, s15;
	[sflag:s14] =	ssyncadd.s32 $0xFFFFC000  }
0x10b: {  	[tilespmem:s28], [sflag:$0x2] =	stream.indirect.gather @!p1 [hbm4b:s1+s26], $0x80, s15, s26, $0xb8;
	[tilespmem:$0x1F400] =	vst v63  }
.Ltmp5:
0x10c: {  	(pc) =	sbr.rel .LBB2_6-.Ltmp5, $4  }
0x10d: {  	_ = 	snop  }
0x10e: {  	[tilespmem:s16], [sflag:$0x4] =	stream.linear.gather [hbm4b:s25+s29], $0x400, $0x38;
	[tilespmem:$0x1F400] =	vst v63  }
0x10f: {  	s12 =	sadd.s32 $0x2000, s12  }
0x110: {  	s4 =	sadd.s32 $0x10, s4;
	s25 =	sadd.s32 $0x100, s25;
	s24 =	sadd.s32 $0x100, s24  }
.LBB2_9:
0x111: {  	_ =	sfence.sel $0x180000  }
0x112: {  	[bflag:$0x0] =	sbarrier.arrive $0xFFFF  }
0x113: {  	_ =	strace $0x9000004A  }
0x114: {  	s0 =	stileid.u32;
	[bflag:$0x2] =	sbarrier.arrive $0xFFFF  }
0x115: {  	p0 =	sne.s32 s0, $0x0;
	s0 =	rddreg [dreg:$0x3]  }
0x116: {  	s0 =	sadd.s32 @!p0 $0x100000, s0  }
0x117: {  	[sflag:s0] =	ssyncadd.tile.s32 @!p0 $0x1;
	_ =	shalt  }
.Lfunc_end2:
_tile_overlayer_lowered:
.L_overlay_start_2:
0x118: {  	(tag) =	ssettag $0x2  }
0x119: {  	s0 =	rddreg [dreg:$0x0];
	s2 =	stileid.u32  }
0x11a: {  	s1 =	rddreg [dreg:$0x1];
	p0 =	sne.s32 s2, $0x0  }
0x11b: {  	s3 =	rddreg [dreg:$0x2];
	[bflag:$0x3] =	sbarrier.arrive $0xFFFF;
	s2 =	simm.s32 @!p0 $0x1C06  }
0x11c: {  	[timem:s3], [sflag:s2] =	dma.local @!p0 [hbm:s0], s1  }
0x11d: {  	s0 =	simm.s32 @!p0 $0x6  }
0x11e: {  	_ =	swait.ge @!p0 [sflag:s0], s1  }
0x11f: {  	s1 =	ssub.s32 @!p0 $0x0, s1;
	[sflag:s0] =	ssyncset.done @!p0 $0x0  }
0x120: {  	[sflag:s0] =	ssyncadd.s32 @!p0 s1  }
0x121: {  	[bflag:$0x3] =	sbarrier.arrive $0xFFFF  }
0x122: {  	_ =	shalt  }

// kernel: kernel.14.cloned.1.call-start
scs
__scs_entry_jumppad:
0x0: {  	(pc) =	sbr.rel $0x88, $3  }
0x1: {  	(tag) =	ssettag $0x0;
	lr =	simm.s32 $0x1  }
0x2: {  	[smem:$0x3F99] =	sst lr;
	_ =	strace $0xD0000000  }
0x3: {  	_ = 	snop  }
0x4: {  	_ = 	snop  }
0x5: {  	_ = 	snop  }
0x6: {  	_ = 	snop  }
0x7: {  	_ = 	snop  }
__scs_overlays_trampoline_lowered:
0x8: {  	[smem:$0x3FA8] =	sst s0  }
0x9: {  	[smem:$0x3FA9] =	sst s1  }
0xa: {  	[smem:$0x3FAA] =	sst s2  }
0xb: {  	[smem:$0x3FAB] =	sst s3  }
0xc: {  	[smem:$0x3FAC] =	sst s4  }
0xd: {  	[smem:$0x3FAD] =	sst s5  }
0xe: {  	[smem:$0x3FAE] =	sst s6  }
0xf: {  	[smem:$0x3FAF] =	sst s7  }
0x10: {  	[smem:$0x3FB0] =	sst s8  }
0x11: {  	[smem:$0x3FB1] =	sst s9;
	s0 =	simm.s32 @!p0 $0x0  }
0x12: {  	s1 =	sld [smem:$0x3F97];
	s0 =	simm.s32 @p0 $0x1  }
0x13: {  	[smem:$0x3FB2] =	sst s0;
	s0 =	simm.s32 @!p1 $0x0  }
0x14: {  	s2 =	sld [smem:$0x3F96];
	s0 =	simm.s32 @p1 $0x1  }
0x15: {  	[smem:$0x3FB3] =	sst s0;
	s0 =	simm.s32 @!p2 $0x0  }
0x16: {  	s3 =	sld [smem:$0x3FDB];
	s0 =	simm.s32 @p2 $0x1  }
0x17: {  	s4 =	simm.s32 $0x1BF5;
	[smem:$0x3FB5] =	sst s0  }
0x18: {  	s0 =	sld [smem:$0x3F98];
	_ =	swait.ge [sflag:s4], $0x0  }
0x19: {  	s7 =	sld [smem:$0x3F99]  }
0x1a: {  	s8 =	sadd.s32 $0xFFFFE003, lr  }
0x1b: {  	s9 =	sadd.s32 $0xFFFFFEF7, lr;
	s5 =	simm.s32 $0xFFFFFFFF;
	p2 =	slt.u32 s8, $0xFFFFF086  }
0x1c: {  	p1 =	slt.u32 s9, $0xF7A;
	s5 =	simm.s32 @!p2 $0x0  }
0x1d: {  	s5 =	simm.s32 @p1 $0x1;
	p0 =	seq.s32 s7, s2  }
0x1e: {  	s7 =	smul.u32 @!p0 $0xF7A, s2;
	p2 =	seq.s32 @!p0 s5, $0x0  }
0x1f: {  	s9 =	smul.u32 $0xF7A, s1;
	s8 =	simm.s32 @!p0 $0x1BF5;
	p2 =	por !p2, p0  }
0x20: {  	[sflag:s8] =	ssyncset.s32 @!p0 $0xFFFFF086;
	s6 =	sadd.s32 @!p0 s3, s7;
	s7 =	simm.s32 @!p0 $0x108  }
0x21: {  	s3 =	sadd.s32 s3, s9;
	s6 =	sadd.s32 @!p0 $0x88, s6;
	s7 =	simm.s32 @p2 $0x1082  }
0x22: {  	[simem:s7], [sflag:s8] =	dma.local @!p0 [hbm:s6], $0xF7A  }
0x23: {  	s9 =	sor.u32 $0xD0000000, s2;
	s6 =	simm.s32 $0x108;
	_ =	swait.ge @!p0 [sflag:s8], $0x0  }
0x24: {  	s3 =	sadd.s32 $0x88, s3;
	s6 =	simm.s32 @!p1 $0x1082;
	[sflag:s4] =	ssyncset.s32 $0xFFFFF086  }
0x25: {  	[simem:s6], [sflag:s4] =	dma.local [hbm:s3], $0xF7A  }
0x26: {  	[smem:$0x3F99] =	sst s1;
	(tag) =	ssettag s2;
	_ =	strace s9  }
0x27: {  	s1 =	sld [smem:$0x3FA9]  }
0x28: {  	s2 =	sld [smem:$0x3FAA]  }
0x29: {  	s4 =	sld [smem:$0x3FAC]  }
0x2a: {  	p0 =	seq.s32 s5, $0x0;
	s5 =	sld [smem:$0x3FAD]  }
0x2b: {  	s6 =	sld [smem:$0x3FAE]  }
0x2c: {  	s7 =	sld [smem:$0x3FAF]  }
0x2d: {  	s3 =	simm.s32 $0x108;
	s8 =	sld [smem:$0x3FB0]  }
0x2e: {  	s3 =	simm.s32 @!p0 $0x1082;
	s9 =	sld [smem:$0x3FB1]  }
0x2f: {  	lr =	sadd.s32 s0, s3;
	s0 =	sld [smem:$0x3FA8]  }
0x30: {  	s3 =	sld [smem:$0x3FAB]  }
0x31: {  	[smem:$0x3FB4] =	sst s10  }
0x32: {  	s10 =	sld [smem:$0x3FB2];
	_ =	sdelay $0x3  }
0x33: {  	p0 =	seq.s32 s10, $0x1;
	s10 =	sld [smem:$0x3FB4];
	_ =	sdelay $0x3  }
0x34: {  	[smem:$0x3FB4] =	sst s10  }
0x35: {  	s10 =	sld [smem:$0x3FB3];
	_ =	sdelay $0x3  }
0x36: {  	p1 =	seq.s32 s10, $0x1;
	s10 =	sld [smem:$0x3FB4];
	_ =	sdelay $0x3  }
0x37: {  	[smem:$0x3FB4] =	sst s10  }
0x38: {  	s10 =	sld [smem:$0x3FB5]  }
0x39: {  	_ = 	snop;
	(pc) =	sbr.ind lr, $3  }
0x3a: {  	_ = 	snop  }
0x3b: {  	_ = 	snop  }
0x3c: {  	p2 =	seq.s32 s10, $0x1;
	s10 =	sld [smem:$0x3FB4]  }
0x3d: {  	_ =	shalt  }
0x3e: {  	_ =	shalt  }
0x3f: {  	_ =	shalt  }
0x40: {  	_ =	shalt  }
0x41: {  	_ =	shalt  }
0x42: {  	_ =	shalt  }
0x43: {  	_ =	shalt  }
0x44: {  	_ =	shalt  }
0x45: {  	_ =	shalt  }
0x46: {  	_ =	shalt  }
0x47: {  	_ =	shalt  }
0x48: {  	_ =	shalt  }
0x49: {  	_ =	shalt  }
0x4a: {  	_ =	shalt  }
0x4b: {  	_ =	shalt  }
0x4c: {  	_ =	shalt  }
0x4d: {  	_ =	shalt  }
0x4e: {  	_ =	shalt  }
0x4f: {  	_ =	shalt  }
0x50: {  	_ =	shalt  }
0x51: {  	_ =	shalt  }
0x52: {  	_ =	shalt  }
0x53: {  	_ =	shalt  }
0x54: {  	_ =	shalt  }
0x55: {  	_ =	shalt  }
0x56: {  	_ =	shalt  }
0x57: {  	_ =	shalt  }
0x58: {  	_ =	shalt  }
0x59: {  	_ =	shalt  }
0x5a: {  	_ =	shalt  }
0x5b: {  	_ =	shalt  }
0x5c: {  	_ =	shalt  }
0x5d: {  	_ =	shalt  }
0x5e: {  	_ =	shalt  }
0x5f: {  	_ =	shalt  }
0x60: {  	_ =	shalt  }
0x61: {  	_ =	shalt  }
0x62: {  	_ =	shalt  }
0x63: {  	_ =	shalt  }
0x64: {  	_ =	shalt  }
0x65: {  	_ =	shalt  }
0x66: {  	_ =	shalt  }
0x67: {  	_ =	shalt  }
0x68: {  	_ =	shalt  }
0x69: {  	_ =	shalt  }
0x6a: {  	_ =	shalt  }
0x6b: {  	_ =	shalt  }
0x6c: {  	_ =	shalt  }
0x6d: {  	_ =	shalt  }
0x6e: {  	_ =	shalt  }
0x6f: {  	_ =	shalt  }
0x70: {  	_ =	shalt  }
0x71: {  	_ =	shalt  }
0x72: {  	_ =	shalt  }
0x73: {  	_ =	shalt  }
0x74: {  	_ =	shalt  }
0x75: {  	_ =	shalt  }
0x76: {  	_ =	shalt  }
0x77: {  	_ =	shalt  }
0x78: {  	_ =	shalt  }
0x79: {  	_ =	shalt  }
0x7a: {  	_ =	shalt  }
0x7b: {  	_ =	shalt  }
0x7c: {  	_ =	shalt  }
0x7d: {  	_ =	shalt  }
0x7e: {  	_ =	shalt  }
0x7f: {  	_ =	shalt  }
0x80: {  	_ =	shalt  }
0x81: {  	_ =	shalt  }
0x82: {  	_ =	shalt  }
0x83: {  	_ =	shalt  }
0x84: {  	_ =	shalt  }
0x85: {  	_ =	shalt  }
0x86: {  	_ =	shalt  }
0x87: {  	_ =	shalt  }
.Lfunc_end0:
.L_simem_size_0:
called_computation.2_lowered:
.L_overlay_start_0:
0x88: {  	s2 =	sld [smem:$0x3FD9]  }
0x89: {  	s3 =	sld [smem:$0x3FFE];
	_ =	sdelay $0x1  }
0x8a: {  	s1 =	srdreg.scid  }
0x8b: {  	s0 =	sand.u32 $0x1, s1  }
0x8c: {  	s17 =	sshll.u32 s0, $0xA;
	s2 =	sadd.s32 s3, s2  }
0x8d: {  	s2 =	sadd.s32 s2, s17  }
0x8e: {  	[smem:$0x3FC0] =	sst s2  }
0x8f: {  	_ = 	snop  }
0x90: {  	s2 =	sld [smem:$0x3FD0];
	(tm) =	ssettm $0x1  }
0x91: {  	s18 =	sld [smem:$0x3FFB];
	_ =	sdelay $0x3  }
0x92: {  	_ =	strace s18  }
0x93: {  	s3 =	sld [smem:$0x3FFC];
	_ =	sdelay $0x3  }
0x94: {  	_ =	strace s3  }
0x95: {  	s3 =	sld [smem:$0x3FFD];
	_ =	sdelay $0x3  }
0x96: {  	_ =	strace s3  }
0x97: {  	_ =	strace $0x8FFFFFFF  }
0x98: {  	s19 =	sld [smem:$0x3FDB];
	_ =	sdelay $0x1  }
0x99: {  	s4 =	simm.s32 $_scs_section_size  }
0x9a: {  	s5 =	simm.s32 $_size__tile_overlayer_lowered;
	s6 =	simm.s32 $_tile_overlayer_lowered  }
0x9b: {  	s22 =	simm.s32 $0x1BFF;
	s21 =	sshll.u32 s6, $0x1;
	s3 =	sadd.s32 s4, s19  }
0x9c: {  	s7 =	simm.s32 $0x0;
	s20 =	sshll.u32 s5, $0x1;
	s5 =	sadd.s32 s21, s3  }
0x9d: {  	[timem:s7], [sflag:s22] =	dma.local [hbm:s5], s20  }
0x9e: {  	_ =	swait.ge [sflag:s22], s20  }
0x9f: {  	s4 =	ssub.s32 $0x0, s20;
	[sflag:s22] =	ssyncset.done $0x0  }
0xa0: {  	[sflag:s22] =	ssyncadd.s32 s4;
	_ =	sdelay $0x1  }
0xa1: {  	s23 =	simm.s32 $0x1B8B  }
0xa2: {  	_ =	swait.ge [sflag:s23], $0x1  }
0xa3: {  	[sflag:s23] =	ssyncset.done $0x0  }
0xa4: {  	s25 =	simm.s32 $0x1B8E;
	s24 =	sld [smem:$0x3FFE];
	[sflag:s23] =	ssyncadd.s32 $0xFFFFFFFF  }
0xa5: {  	s26 =	simm.s32 $execute0_lowered;
	[smem:$0x3FD2] =	sst s25  }
0xa6: {  	s5 =	sshll.u32 s26, $0x1;
	_ =	strace $0x8000004C;
	[dreg:$0x1] =	wrdreg $0xFFFFFFFF  }
0xa7: {  	s28 =	simm.s32 $_size_execute0_lowered;
	s3 =	sadd.s32 s3, s5;
	[dreg:$0x0] =	wrdreg $0x0  }
0xa8: {  	s5 =	sshll.u32 s28, $0x1;
	[dreg:$0x2] =	wrdreg s3  }
0xa9: {  	[dreg:$0x3] =	wrdreg s5  }
0xaa: {  	[dreg:$0x4] =	wrdreg $0xC0  }
0xab: {  	_ =	task [dreg:s7], $0x5FFFF  }
0xac: {  	[dreg:$0x1] =	wrdreg $0xFFFFFFFF  }
0xad: {  	[dreg:$0x0] =	wrdreg $0x60  }
0xae: {  	[dreg:$0x2] =	wrdreg s2  }
0xaf: {  	[dreg:$0x3] =	wrdreg s24  }
0xb0: {  	[dreg:$0x4] =	wrdreg $0xB4000  }
0xb1: {  	[dreg:$0x5] =	wrdreg $0x9  }
0xb2: {  	_ =	task.clear_ibuf [dreg:s7], $0x6FFFF;
	_ =	strace $0x9000004C  }
0xb3: {  	s29 =	simm.s32 $0x9;
	_ =	strace $0x8000004E  }
0xb4: {  	_ =	swait.ge [sflag:s29], $0x1  }
0xb5: {  	[sflag:s29] =	ssyncadd.s32 $0xFFFFFFFF  }
0xb6: {  	_ =	strace $0x9000004E  }
0xb7: {  	_ =	sfence  }
0xb8: {  	s30 =	sld [smem:$0x0];
	_ =	sdelay $0x2  }
0xb9: {  	s31 =	sshll.u32 s1, $0xD;
	s1 =	sshrl.u32 s1, $0x2  }
0xba: {  	s3 =	sand.u32 $0x4000, s31;
	s1 =	sadd.s32 s1, s30  }
0xbb: {  	s0 =	sor.u32 s3, s0;
	s1 =	sshll.u32 s1, $0x11  }
0xbc: {  	s0 =	sor.u32 s1, s0  }
0xbd: {  	s0 =	sadd.s32 $0x8F2B, s0  }
0xbe: {  	[sflag:s0] =	ssyncadd.remote.s32 $0x1  }
0xbf: {  	_ =	sfence.sel $0xFFFF  }
0xc0: {  	[dreg:$0x0] =	wrdreg $0xFFFFFFFF;
	(pc) =	sbr.abs _section_cstart, $3  }
0xc1: {  	[dreg:$0x1] =	wrdreg $0xFFFFFFFF  }
0xc2: {  	_ =	task.clear_ibuf [dreg:s7], $0x2FFFF;
	_ =	strace $0x9FFFFFFF  }
0xc3: {  	(tm) =	ssettm $0x7FFFFFFF  }
tec
execute0_lowered:
.L_overlay_start_1:
0x0: {  	(tag) =	ssettag $0x1  }
0x1: {  	s0 =	srdreg.scid;
	s1 =	rddreg [dreg:$0x0]  }
0x2: {  	s11 =	stileid.u32;
	s4 =	rddreg [dreg:$0x1]  }
0x3: {  	s3 =	rddreg [dreg:$0x2];
	s6 =	simm.s32 $0x0;
	s17 =	smul.u32 $0x2800, s11  }
0x4: {  	s13 =	simm.s32 $0xB000;
	s14 =	simm.s32 $0x6;
	s9 =	smul.u32 $0x50000, s11  }
0x5: {  	s16 =	simm.s32 $0x2C00;
	s30 =	simm.s32 $0x2B00;
	s21 =	smul.u32 $0xA, s11  }
0x6: {  	s31 =	simm.s32 $0x2B80;
	s0 =	sand.u32 $0x1, s0;
	s22 =	smul.u32 $0x500, s11  }
0x7: {  	s29 =	simm.s32 $0x0;
	[smem:$0x7FF] =	sst s6;
	s5 =	smul.u32 $0x28000, s0  }
0x8: {  	s8 =	sadd.s32 $0xC200, s4;
	s2 =	sshll.u32 s0, $0x4;
	s10 =	smul.u32 $0xA0, s0  }
0x9: {  	_ =	strace $0x8000004D;
	s18 =	ssub.s32 $0x2, s0;
	s0 =	smul.u32 $0x5000, s0  }
0xa: {  	s2 =	sor.u32 s11, s2;
	s19 =	sshrl.u32 s18, $0x1;
	s20 =	sshrl.u32 s9, $0x2  }
0xb: {  	s9 =	simm.s32 $0x2E00;
	s11 =	simm.s32 $0x2F80;
	s2 =	smul.u32 $0x500, s2  }
0xc: {  	s5 =	sadd.s32 s17, s5;
	s6 =	ssub.s32 s18, s19;
	s23 =	sadd.s32 s21, s10  }
0xd: {  	s0 =	sadd.s32 s0, s8;
	s17 =	simm.s32 $0x80;
	s18 =	simm.s32 $0x3000  }
0xe: {  	s19 =	simm.s32 $0x7000;
	s21 =	simm.s32 $0x3;
	s10 =	simm.s32 $0x2E80  }
0xf: {  	s0 =	sadd.s32 s22, s0;
	s26 =	smax.u32 s6, $0x1;
	s22 =	simm.s32 $0x1  }
0x10: {  	s6 =	simm.s32 $0x2D00;
	s7 =	sadd.s32 s2, s4;
	s4 =	sadd.s32 s5, s4  }
0x11: {  	s5 =	sadd.s32 s20, s3;
	s12 =	sadd.s32 s8, s2;
	[dreg:$0x8] =	wrdreg s26  }
0x12: {  	s0 =	sadd.s32 $0x180, s0;
	s20 =	simm.s32 $0x5;
	s2 =	simm.s32 $0x4  }
0x13: {  	s7 =	sadd.s32 $0x2200, s7;
	[dreg:$0x5] =	wrdreg s12;
	s24 =	sadd.s32 $0x80, s12  }
.Ltmp0:
0x14: {  	s4 =	sadd.s32 $0x16200, s4;
	[dreg:$0x9] =	wrdreg s0;
	(pc) =	sbr.rel .LBB2_1-.Ltmp0, $4  }
0x15: {  	s0 =	simm.s32 $0x2C80;
	[dreg:$0x4] =	wrdreg s7;
	s7 =	sshll.u32 s23, $0x7  }
0x16: {  	s12 =	simm.s32 $0x0;
	[dreg:$0x6] =	wrdreg s24;
	s25 =	sadd.s32 s8, s7  }
0x17: {  	[dreg:$0x7] =	wrdreg s4;
	s23 =	simm.s32 $0x2;
	s28 =	sadd.s32 $0x100, s25  }
0x18: {  	v0 =	vimm.f32 $0.0e+00;
	s8 =	simm.s32 $0x2D80;
	s7 =	simm.s32 $0x2F00;
	[dreg:$0xa] =	wrdreg s28  }
.LBB2_8:
0x19: {  	s4 =	stileid.u32  }
0x1a: {  	[bflag:$0x0] =	sbarrier.arrive $0xFFFF;
	s4 =	sshll.u32 s4, $0x6  }
0x1b: {  	s12 =	sshrl.u32 s5, $0x3;
	s15 =	rddreg [dreg:$0x7];
	s4 =	sor.u32 $0x1C06, s4  }
0x1c: {  	[hbm:s15], [sflag:s4] =	dma.local [spmem:s12], $0x2800  }
0x1d: {  	_ =	swait.ge [sflag:s14], $0x2800  }
0x1e: {  	s26 =	rddreg [dreg:$0xb]  }
0x1f: {  	s28 =	rddreg [dreg:$0x8];
	s12 =	sadd.s32 $0x1, s26  }
0x20: {  	p0 =	sne.s32 s12, s28  }
.Ltmp1:
0x21: {  	_ = 	snop;
	(pc) =	sbr.rel @!p0 .LBB2_9-.Ltmp1, $3  }
0x22: {  	_ =	sdelay $0x1  }
0x23: {  	[sflag:s14] =	ssyncset.done $0x0  }
0x24: {  	[sflag:s14] =	ssyncadd.s32 $0xFFFFD800  }
.LBB2_1:
0x25: {  	[tilespmem:$0xB000] =	vst v0  }
0x26: {  	[tilespmem:$0xB010] =	vst v0  }
0x27: {  	[tilespmem:$0xB020] =	vst v0  }
0x28: {  	[tilespmem:$0xB030] =	vst v0  }
0x29: {  	[tilespmem:$0xB040] =	vst v0  }
0x2a: {  	[tilespmem:$0xB050] =	vst v0  }
0x2b: {  	[tilespmem:$0xB060] =	vst v0  }
0x2c: {  	[tilespmem:$0xB070] =	vst v0  }
0x2d: {  	[tilespmem:$0xB080] =	vst v0  }
0x2e: {  	[tilespmem:$0xB090] =	vst v0  }
0x2f: {  	[tilespmem:$0xB0A0] =	vst v0  }
0x30: {  	[tilespmem:$0xB0B0] =	vst v0  }
0x31: {  	[tilespmem:$0xB0C0] =	vst v0  }
0x32: {  	[tilespmem:$0xB0D0] =	vst v0  }
0x33: {  	[tilespmem:$0xB0E0] =	vst v0  }
0x34: {  	[tilespmem:$0xB0F0] =	vst v0  }
0x35: {  	[tilespmem:$0xB100] =	vst v0  }
0x36: {  	[tilespmem:$0xB110] =	vst v0  }
0x37: {  	[tilespmem:$0xB120] =	vst v0  }
0x38: {  	[tilespmem:$0xB130] =	vst v0  }
0x39: {  	[tilespmem:$0xB140] =	vst v0  }
0x3a: {  	[tilespmem:$0xB150] =	vst v0  }
0x3b: {  	[tilespmem:$0xB160] =	vst v0  }
0x3c: {  	[tilespmem:$0xB170] =	vst v0  }
0x3d: {  	[tilespmem:$0xB180] =	vst v0  }
0x3e: {  	[tilespmem:$0xB190] =	vst v0  }
0x3f: {  	[tilespmem:$0xB1A0] =	vst v0  }
0x40: {  	[tilespmem:$0xB1B0] =	vst v0  }
0x41: {  	[tilespmem:$0xB1C0] =	vst v0  }
0x42: {  	[tilespmem:$0xB1D0] =	vst v0  }
0x43: {  	[tilespmem:$0xB1E0] =	vst v0  }
0x44: {  	[tilespmem:$0xB1F0] =	vst v0  }
0x45: {  	[tilespmem:$0xB200] =	vst v0  }
0x46: {  	[tilespmem:$0xB210] =	vst v0  }
0x47: {  	[tilespmem:$0xB220] =	vst v0  }
0x48: {  	[tilespmem:$0xB230] =	vst v0  }
0x49: {  	[tilespmem:$0xB240] =	vst v0  }
0x4a: {  	[tilespmem:$0xB250] =	vst v0  }
0x4b: {  	[tilespmem:$0xB260] =	vst v0  }
0x4c: {  	[tilespmem:$0xB270] =	vst v0  }
0x4d: {  	[tilespmem:$0xB280] =	vst v0  }
0x4e: {  	[tilespmem:$0xB290] =	vst v0  }
0x4f: {  	[tilespmem:$0xB2A0] =	vst v0  }
0x50: {  	[tilespmem:$0xB2B0] =	vst v0  }
0x51: {  	[tilespmem:$0xB2C0] =	vst v0  }
0x52: {  	[tilespmem:$0xB2D0] =	vst v0  }
0x53: {  	[tilespmem:$0xB2E0] =	vst v0  }
0x54: {  	[tilespmem:$0xB2F0] =	vst v0  }
0x55: {  	[tilespmem:$0xB300] =	vst v0  }
0x56: {  	[tilespmem:$0xB310] =	vst v0  }
0x57: {  	[tilespmem:$0xB320] =	vst v0  }
0x58: {  	[tilespmem:$0xB330] =	vst v0  }
0x59: {  	[tilespmem:$0xB340] =	vst v0  }
0x5a: {  	[tilespmem:$0xB350] =	vst v0  }
0x5b: {  	[tilespmem:$0xB360] =	vst v0  }
0x5c: {  	[tilespmem:$0xB370] =	vst v0  }
0x5d: {  	[tilespmem:$0xB380] =	vst v0  }
0x5e: {  	[tilespmem:$0xB390] =	vst v0  }
0x5f: {  	[tilespmem:$0xB3A0] =	vst v0  }
0x60: {  	[tilespmem:$0xB3B0] =	vst v0  }
0x61: {  	[tilespmem:$0xB3C0] =	vst v0  }
0x62: {  	[tilespmem:$0xB3D0] =	vst v0  }
0x63: {  	[tilespmem:$0xB3E0] =	vst v0  }
0x64: {  	[dreg:$0xb] =	wrdreg s12;
	[tilespmem:$0xB3F0] =	vst v0;
	s4 =	simm.s32 $0x1000;
	s12 =	sadd.s32 $0x0, s5  }
.LBB2_2:
0x65: {  	[spmem:s12] =	stream.linear.scatter [tilespmem:s13], [sflag:$0x5], $0x400, $0x38;
	[tilespmem:$0x1F400] =	vst v63  }
0x66: {  	s12 =	smov.u32 s4;
	p0 =	sne.s32 s4, $0x4F000  }
.Ltmp2:
0x67: {  	s4 =	sadd.s32 $0x1000, s4;
	(pc) =	sbr.rel @p0 .LBB2_2-.Ltmp2, $3  }
0x68: {  	_ =	sdelay $0x1  }
0x69: {  	s12 =	sshra.s32 s12, $0x2  }
0x6a: {  	s12 =	sadd.s32 s12, s5  }
0x6b: {  	[spmem:s12] =	stream.linear.scatter [tilespmem:s13], [sflag:$0x5], $0x400, $0x38;
	[tilespmem:$0x1F400] =	vst v63  }
0x6c: {  	s4 =	simm.s32 $0x0;
	s25 =	rddreg [dreg:$0x4]  }
0x6d: {  	[tilespmem:s4], [sflag:$0x6] =	stream.linear.gather [hbm4b:s25+s4], $0x2800, $0x38;
	[tilespmem:$0x1F400] =	vst v63  }
0x6e: {  	_ =	swait.ge [sflag:s14], $0x2800  }
0x6f: {  	[sflag:s14] =	ssyncset.done $0x0  }
0x70: {  	s15 =	simm.s32 $0x2800;
	s26 =	rddreg [dreg:$0x5];
	[sflag:s14] =	ssyncadd.s32 $0xFFFFD800  }
0x71: {  	[tilespmem:s15], [sflag:$0x3] =	stream.linear.gather [hbm4b:s26+s4], $0x400, $0x38;
	[tilespmem:$0x1F400] =	vst v63  }
0x72: {  	s28 =	rddreg [dreg:$0x6]  }
0x73: {  	[tilespmem:s16], [sflag:$0x4] =	stream.linear.gather [hbm4b:s28+s4], $0x400, $0x38;
	[tilespmem:$0x1F400] =	vst v63  }
0x74: {  	_ = 	snop  }
0x75: {  	[tilespmem:s18], [sflag:$0x1] =	stream.indirect.gather [hbm4b:s1+s17], $0x80, s4, s17, $0xb8;
	[tilespmem:$0x1F400] =	vst v63  }
0x76: {  	_ = 	snop  }
0x77: {  	[tilespmem:s19], [sflag:$0x2] =	stream.indirect.gather [hbm4b:s1+s17], $0x80, s17, s17, $0xb8;
	[tilespmem:$0x1F400] =	vst v63  }
0x78: {  	_ =	swait.ge [sflag:s20], $0x400  }
0x79: {  	s4 =	simm.s32 $0x4F;
	[sflag:s20] =	ssyncset.done $0x0  }
.LBB2_4:
0x7a: {  	p0 =	sne.s32 s4, $0x1;
	s4 =	sadd.s32 $0xFFFFFFFF, s4;
	[sflag:s20] =	ssyncadd.s32 $0xFFFFFC00  }
.Ltmp3:
0x7b: {  	(pc) =	sbr.rel @p0 .LBB2_4-.Ltmp3, $3  }
0x7c: {  	_ =	sdelay $0x1  }
0x7d: {  	_ =	swait.ge [sflag:s20], $0x400  }
0x7e: {  	[sflag:s20] =	ssyncset.done $0x0  }
0x7f: {  	[sflag:s20] =	ssyncadd.s32 $0xFFFFFC00  }
0x80: {  	[bflag:$0x0] =	sbarrier.arrive $0xFFFF  }
0x81: {  	s24 =	rddreg [dreg:$0xa]  }
0x82: {  	s12 =	simm.s32 $0x0;
	s4 =	simm.s32 $0xF;
	s25 =	rddreg [dreg:$0x9]  }
.LBB2_6:
0x83: {  	_ =	swait.ge [sflag:s21], $0x400  }
0x84: {  	[sflag:s21] =	ssyncset.done $0x0  }
0x85: {  	[sflag:s21] =	ssyncadd.s32 $0xFFFFFC00  }
0x86: {  	_ =	swait.ge [sflag:s22], $0x4000  }
0x87: {  	[sflag:s22] =	ssyncset.done $0x0  }
0x88: {  	s15 =	simm.s32 $0x2800;
	[sflag:s22] =	ssyncadd.s32 $0xFFFFC000  }
0x89: {  	[spmem:s3] =	stream.indirect.scatter.add.f32 [tilespmem:s18], [sflag:$0x6], $0x80, s15, s17, $0xb8;
	[tilespmem:$0x1F400] =	vst v63  }
0x8a: {  	_ =	swait.ge [sflag:s14], $0x4000  }
0x8b: {  	s15 =	sshra.s32 s12, $0x2;
	[sflag:s14] =	ssyncset.done $0x0  }
0x8c: {  	s26 =	sadd.s32 $0x100, s15;
	[sflag:s14] =	ssyncadd.s32 $0xFFFFC000  }
0x8d: {  	[tilespmem:s18], [sflag:$0x1] =	stream.indirect.gather [hbm4b:s1+s17], $0x80, s26, s17, $0xb8;
	[tilespmem:$0x1F400] =	vst v63  }
0x8e: {  	_ =	swait.ge [sflag:s23], $0x4000  }
0x8f: {  	[sflag:s23] =	ssyncset.done $0x0  }
0x90: {  	s28 =	simm.s32 $0x2880;
	[sflag:s23] =	ssyncadd.s32 $0xFFFFC000  }
0x91: {  	[spmem:s3] =	stream.indirect.scatter.add.f32 [tilespmem:s19], [sflag:$0x6], $0x80, s28, s17, $0xb8;
	[tilespmem:$0x1F400] =	vst v63  }
0x92: {  	_ =	swait.ge [sflag:s14], $0x4000  }
0x93: {  	[sflag:s14] =	ssyncset.done $0x0  }
0x94: {  	s28 =	sadd.s32 $0x180, s15;
	[sflag:s14] =	ssyncadd.s32 $0xFFFFC000  }
0x95: {  	[tilespmem:s19], [sflag:$0x2] =	stream.indirect.gather [hbm4b:s1+s17], $0x80, s28, s17, $0xb8;
	[tilespmem:$0x1F400] =	vst v63  }
0x96: {  	_ =	swait.ge [sflag:s22], $0x4000  }
0x97: {  	[sflag:s22] =	ssyncset.done $0x0  }
0x98: {  	s28 =	simm.s32 $0x2900;
	[sflag:s22] =	ssyncadd.s32 $0xFFFFC000  }
0x99: {  	[spmem:s3] =	stream.indirect.scatter.add.f32 [tilespmem:s18], [sflag:$0x6], $0x80, s28, s17, $0xb8;
	[tilespmem:$0x1F400] =	vst v63  }
0x9a: {  	_ =	swait.ge [sflag:s14], $0x4000  }
0x9b: {  	[sflag:s14] =	ssyncset.done $0x0  }
0x9c: {  	s28 =	sadd.s32 $0x200, s15;
	[sflag:s14] =	ssyncadd.s32 $0xFFFFC000  }
0x9d: {  	[tilespmem:s18], [sflag:$0x1] =	stream.indirect.gather [hbm4b:s1+s17], $0x80, s28, s17, $0xb8;
	[tilespmem:$0x1F400] =	vst v63  }
0x9e: {  	_ =	swait.ge [sflag:s23], $0x4000  }
0x9f: {  	[sflag:s23] =	ssyncset.done $0x0  }
0xa0: {  	s28 =	simm.s32 $0x2980;
	[sflag:s23] =	ssyncadd.s32 $0xFFFFC000  }
0xa1: {  	[spmem:s3] =	stream.indirect.scatter.add.f32 [tilespmem:s19], [sflag:$0x6], $0x80, s28, s17, $0xb8;
	[tilespmem:$0x1F400] =	vst v63  }
0xa2: {  	_ =	swait.ge [sflag:s14], $0x4000  }
0xa3: {  	[sflag:s14] =	ssyncset.done $0x0  }
0xa4: {  	s28 =	sadd.s32 $0x280, s15;
	[sflag:s14] =	ssyncadd.s32 $0xFFFFC000  }
0xa5: {  	[tilespmem:s19], [sflag:$0x2] =	stream.indirect.gather [hbm4b:s1+s17], $0x80, s28, s17, $0xb8;
	[tilespmem:$0x1F400] =	vst v63  }
0xa6: {  	_ =	swait.ge [sflag:s22], $0x4000  }
0xa7: {  	[sflag:s22] =	ssyncset.done $0x0  }
0xa8: {  	s28 =	simm.s32 $0x2A00;
	[sflag:s22] =	ssyncadd.s32 $0xFFFFC000  }
0xa9: {  	[spmem:s3] =	stream.indirect.scatter.add.f32 [tilespmem:s18], [sflag:$0x6], $0x80, s28, s17, $0xb8;
	[tilespmem:$0x1F400] =	vst v63  }
0xaa: {  	_ =	swait.ge [sflag:s14], $0x4000  }
0xab: {  	[sflag:s14] =	ssyncset.done $0x0  }
0xac: {  	s28 =	sadd.s32 $0x300, s15;
	[sflag:s14] =	ssyncadd.s32 $0xFFFFC000  }
0xad: {  	[tilespmem:s18], [sflag:$0x1] =	stream.indirect.gather [hbm4b:s1+s17], $0x80, s28, s17, $0xb8;
	[tilespmem:$0x1F400] =	vst v63  }
0xae: {  	_ =	swait.ge [sflag:s23], $0x4000  }
0xaf: {  	[sflag:s23] =	ssyncset.done $0x0  }
0xb0: {  	s28 =	simm.s32 $0x2A80;
	[sflag:s23] =	ssyncadd.s32 $0xFFFFC000  }
0xb1: {  	[spmem:s3] =	stream.indirect.scatter.add.f32 [tilespmem:s19], [sflag:$0x6], $0x80, s28, s17, $0xb8;
	[tilespmem:$0x1F400] =	vst v63  }
0xb2: {  	_ =	swait.ge [sflag:s14], $0x4000  }
0xb3: {  	[sflag:s14] =	ssyncset.done $0x0  }
0xb4: {  	s28 =	sadd.s32 $0x380, s15;
	[sflag:s14] =	ssyncadd.s32 $0xFFFFC000  }
0xb5: {  	[tilespmem:s19], [sflag:$0x2] =	stream.indirect.gather [hbm4b:s1+s17], $0x80, s28, s17, $0xb8;
	[tilespmem:$0x1F400] =	vst v63  }
0xb6: {  	_ =	swait.ge [sflag:s22], $0x4000  }
0xb7: {  	[sflag:s22] =	ssyncset.done $0x0  }
0xb8: {  	[sflag:s22] =	ssyncadd.s32 $0xFFFFC000  }
0xb9: {  	[spmem:s3] =	stream.indirect.scatter.add.f32 [tilespmem:s18], [sflag:$0x6], $0x80, s30, s17, $0xb8;
	[tilespmem:$0x1F400] =	vst v63  }
0xba: {  	_ =	swait.ge [sflag:s14], $0x4000  }
0xbb: {  	[sflag:s14] =	ssyncset.done $0x0  }
0xbc: {  	s28 =	sadd.s32 $0x400, s15;
	[sflag:s14] =	ssyncadd.s32 $0xFFFFC000  }
0xbd: {  	[tilespmem:s18], [sflag:$0x1] =	stream.indirect.gather [hbm4b:s1+s17], $0x80, s28, s17, $0xb8;
	[tilespmem:$0x1F400] =	vst v63  }
0xbe: {  	_ =	swait.ge [sflag:s23], $0x4000  }
0xbf: {  	[sflag:s23] =	ssyncset.done $0x0  }
0xc0: {  	[sflag:s23] =	ssyncadd.s32 $0xFFFFC000  }
0xc1: {  	[spmem:s3] =	stream.indirect.scatter.add.f32 [tilespmem:s19], [sflag:$0x6], $0x80, s31, s17, $0xb8;
	[tilespmem:$0x1F400] =	vst v63  }
0xc2: {  	_ =	swait.ge [sflag:s14], $0x4000  }
0xc3: {  	[sflag:s14] =	ssyncset.done $0x0  }
0xc4: {  	p0 =	seq.s32 s12, $0x8000;
	s28 =	sadd.s32 $0x480, s15;
	[sflag:s14] =	ssyncadd.s32 $0xFFFFC000  }
0xc5: {  	[tilespmem:s19], [sflag:$0x2] =	stream.indirect.gather [hbm4b:s1+s17], $0x80, s28, s17, $0xb8;
	[tilespmem:$0x1F400] =	vst v63  }
0xc6: {  	s26 =	simm.s32 @!p0 $0x0;
	s28 =	simm.s32 @!p0 $0x2800  }
0xc7: {  	[tilespmem:s28], [sflag:$0x3] =	stream.linear.gather @!p0 [hbm4b:s24+s26], $0x400, $0x38;
	[tilespmem:$0x1F400] =	vst v63  }
0xc8: {  	_ =	swait.ge [sflag:s2], $0x400  }
0xc9: {  	[sflag:s2] =	ssyncset.done $0x0  }
0xca: {  	[sflag:s2] =	ssyncadd.s32 $0xFFFFFC00  }
0xcb: {  	_ =	swait.ge [sflag:s22], $0x4000  }
0xcc: {  	[sflag:s22] =	ssyncset.done $0x0  }
0xcd: {  	[sflag:s22] =	ssyncadd.s32 $0xFFFFC000  }
0xce: {  	[spmem:s3] =	stream.indirect.scatter.add.f32 [tilespmem:s18], [sflag:$0x6], $0x80, s16, s17, $0xb8;
	[tilespmem:$0x1F400] =	vst v63  }
0xcf: {  	_ =	swait.ge [sflag:s14], $0x4000  }
0xd0: {  	[sflag:s14] =	ssyncset.done $0x0  }
0xd1: {  	s28 =	sadd.s32 $0x500, s15;
	[sflag:s14] =	ssyncadd.s32 $0xFFFFC000  }
0xd2: {  	[tilespmem:s18], [sflag:$0x1] =	stream.indirect.gather [hbm4b:s1+s17], $0x80, s28, s17, $0xb8;
	[tilespmem:$0x1F400] =	vst v63  }
0xd3: {  	_ =	swait.ge [sflag:s23], $0x4000  }
0xd4: {  	[sflag:s23] =	ssyncset.done $0x0  }
0xd5: {  	[sflag:s23] =	ssyncadd.s32 $0xFFFFC000  }
0xd6: {  	[spmem:s3] =	stream.indirect.scatter.add.f32 [tilespmem:s19], [sflag:$0x6], $0x80, s0, s17, $0xb8;
	[tilespmem:$0x1F400] =	vst v63  }
0xd7: {  	_ =	swait.ge [sflag:s14], $0x4000  }
0xd8: {  	[sflag:s14] =	ssyncset.done $0x0  }
0xd9: {  	s28 =	sadd.s32 $0x580, s15;
	[sflag:s14] =	ssyncadd.s32 $0xFFFFC000  }
0xda: {  	[tilespmem:s19], [sflag:$0x2] =	stream.indirect.gather [hbm4b:s1+s17], $0x80, s28, s17, $0xb8;
	[tilespmem:$0x1F400] =	vst v63  }
0xdb: {  	_ =	swait.ge [sflag:s22], $0x4000  }
0xdc: {  	[sflag:s22] =	ssyncset.done $0x0  }
0xdd: {  	[sflag:s22] =	ssyncadd.s32 $0xFFFFC000  }
0xde: {  	[spmem:s3] =	stream.indirect.scatter.add.f32 [tilespmem:s18], [sflag:$0x6], $0x80, s6, s17, $0xb8;
	[tilespmem:$0x1F400] =	vst v63  }
0xdf: {  	_ =	swait.ge [sflag:s14], $0x4000  }
0xe0: {  	[sflag:s14] =	ssyncset.done $0x0  }
0xe1: {  	s28 =	sadd.s32 $0x600, s15;
	[sflag:s14] =	ssyncadd.s32 $0xFFFFC000  }
0xe2: {  	[tilespmem:s18], [sflag:$0x1] =	stream.indirect.gather [hbm4b:s1+s17], $0x80, s28, s17, $0xb8;
	[tilespmem:$0x1F400] =	vst v63  }
0xe3: {  	_ =	swait.ge [sflag:s23], $0x4000  }
0xe4: {  	[sflag:s23] =	ssyncset.done $0x0  }
0xe5: {  	[sflag:s23] =	ssyncadd.s32 $0xFFFFC000  }
0xe6: {  	[spmem:s3] =	stream.indirect.scatter.add.f32 [tilespmem:s19], [sflag:$0x6], $0x80, s8, s17, $0xb8;
	[tilespmem:$0x1F400] =	vst v63  }
0xe7: {  	_ =	swait.ge [sflag:s14], $0x4000  }
0xe8: {  	[sflag:s14] =	ssyncset.done $0x0  }
0xe9: {  	s28 =	sadd.s32 $0x680, s15;
	[sflag:s14] =	ssyncadd.s32 $0xFFFFC000  }
0xea: {  	[tilespmem:s19], [sflag:$0x2] =	stream.indirect.gather [hbm4b:s1+s17], $0x80, s28, s17, $0xb8;
	[tilespmem:$0x1F400] =	vst v63  }
0xeb: {  	_ =	swait.ge [sflag:s22], $0x4000  }
0xec: {  	[sflag:s22] =	ssyncset.done $0x0  }
0xed: {  	[sflag:s22] =	ssyncadd.s32 $0xFFFFC000  }
0xee: {  	[spmem:s3] =	stream.indirect.scatter.add.f32 [tilespmem:s18], [sflag:$0x6], $0x80, s9, s17, $0xb8;
	[tilespmem:$0x1F400] =	vst v63  }
0xef: {  	_ =	swait.ge [sflag:s14], $0x4000  }
0xf0: {  	[sflag:s14] =	ssyncset.done $0x0  }
0xf1: {  	s28 =	sadd.s32 $0x700, s15;
	[sflag:s14] =	ssyncadd.s32 $0xFFFFC000  }
0xf2: {  	[tilespmem:s18], [sflag:$0x1] =	stream.indirect.gather [hbm4b:s1+s17], $0x80, s28, s17, $0xb8;
	[tilespmem:$0x1F400] =	vst v63  }
0xf3: {  	_ =	swait.ge [sflag:s23], $0x4000  }
0xf4: {  	[sflag:s23] =	ssyncset.done $0x0  }
0xf5: {  	[sflag:s23] =	ssyncadd.s32 $0xFFFFC000  }
0xf6: {  	[spmem:s3] =	stream.indirect.scatter.add.f32 [tilespmem:s19], [sflag:$0x6], $0x80, s10, s17, $0xb8;
	[tilespmem:$0x1F400] =	vst v63  }
0xf7: {  	_ =	swait.ge [sflag:s14], $0x4000  }
0xf8: {  	[sflag:s14] =	ssyncset.done $0x0  }
0xf9: {  	s15 =	sadd.s32 $0x780, s15;
	[sflag:s14] =	ssyncadd.s32 $0xFFFFC000  }
0xfa: {  	[tilespmem:s19], [sflag:$0x2] =	stream.indirect.gather [hbm4b:s1+s17], $0x80, s15, s17, $0xb8;
	[tilespmem:$0x1F400] =	vst v63  }
0xfb: {  	_ =	swait.ge [sflag:s22], $0x4000  }
0xfc: {  	[sflag:s22] =	ssyncset.done $0x0  }
0xfd: {  	s28 =	sadd.s32 $0xFFFFFFFF, s4;
	[sflag:s22] =	ssyncadd.s32 $0xFFFFC000  }
0xfe: {  	[spmem:s3] =	stream.indirect.scatter.add.f32 [tilespmem:s18], [sflag:$0x6], $0x80, s7, s17, $0xb8;
	[tilespmem:$0x1F400] =	vst v63  }
0xff: {  	p1 =	sgt.u32 s28, $0x4D;
	_ =	swait.ge [sflag:s14], $0x4000  }
0x100: {  	s26 =	simm.s32 @!p1 $0x80;
	s15 =	sshra.s32 @!p1 s12, $0x2;
	[sflag:s14] =	ssyncset.done $0x0  }
0x101: {  	s28 =	simm.s32 @!p1 $0x3000;
	s15 =	sadd.s32 @!p1 $0x800, s15;
	[sflag:s14] =	ssyncadd.s32 $0xFFFFC000  }
0x102: {  	[tilespmem:s28], [sflag:$0x1] =	stream.indirect.gather @!p1 [hbm4b:s1+s26], $0x80, s15, s26, $0xb8;
	[tilespmem:$0x1F400] =	vst v63  }
0x103: {  	_ =	swait.ge [sflag:s23], $0x4000  }
0x104: {  	[sflag:s23] =	ssyncset.done $0x0  }
0x105: {  	[sflag:s23] =	ssyncadd.s32 $0xFFFFC000  }
0x106: {  	[spmem:s3] =	stream.indirect.scatter.add.f32 [tilespmem:s19], [sflag:$0x6], $0x80, s11, s17, $0xb8;
	[tilespmem:$0x1F400] =	vst v63  }
.Ltmp4:
0x107: {  	_ = 	snop;
	(pc) =	sbr.rel @p0 .LBB2_8-.Ltmp4, $4  }
0x108: {  	p1 =	sgt.u32 s4, $0x4D;
	_ =	swait.ge [sflag:s14], $0x4000  }
0x109: {  	s15 =	sshra.s32 @!p1 s12, $0x2;
	s26 =	simm.s32 @!p1 $0x80;
	[sflag:s14] =	ssyncset.done $0x0  }
0x10a: {  	s28 =	simm.s32 @!p1 $0x7000;
	s15 =	sadd.s32 @!p1 $0x880, s15;
	[sflag:s14] =	ssyncadd.s32 $0xFFFFC000  }
0x10b: {  	[tilespmem:s28], [sflag:$0x2] =	stream.indirect.gather @!p1 [hbm4b:s1+s26], $0x80, s15, s26, $0xb8;
	[tilespmem:$0x1F400] =	vst v63  }
.Ltmp5:
0x10c: {  	(pc) =	sbr.rel .LBB2_6-.Ltmp5, $4  }
0x10d: {  	_ = 	snop  }
0x10e: {  	[tilespmem:s16], [sflag:$0x4] =	stream.linear.gather [hbm4b:s25+s29], $0x400, $0x38;
	[tilespmem:$0x1F400] =	vst v63  }
0x10f: {  	s12 =	sadd.s32 $0x2000, s12  }
0x110: {  	s4 =	sadd.s32 $0x10, s4;
	s25 =	sadd.s32 $0x100, s25;
	s24 =	sadd.s32 $0x100, s24  }
.LBB2_9:
0x111: {  	_ =	sfence.sel $0x180000  }
0x112: {  	[bflag:$0x0] =	sbarrier.arrive $0xFFFF  }
0x113: {  	_ =	strace $0x9000004D  }
0x114: {  	s0 =	stileid.u32;
	[bflag:$0x2] =	sbarrier.arrive $0xFFFF  }
0x115: {  	p0 =	sne.s32 s0, $0x0;
	s0 =	rddreg [dreg:$0x3]  }
0x116: {  	s0 =	sadd.s32 @!p0 $0x100000, s0  }
0x117: {  	[sflag:s0] =	ssyncadd.tile.s32 @!p0 $0x1;
	_ =	shalt  }
.Lfunc_end2:
_tile_overlayer_lowered:
.L_overlay_start_2:
0x118: {  	(tag) =	ssettag $0x2  }
0x119: {  	s0 =	rddreg [dreg:$0x0];
	s2 =	stileid.u32  }
0x11a: {  	s1 =	rddreg [dreg:$0x1];
	p0 =	sne.s32 s2, $0x0  }
0x11b: {  	s3 =	rddreg [dreg:$0x2];
	[bflag:$0x3] =	sbarrier.arrive $0xFFFF;
	s2 =	simm.s32 @!p0 $0x1C06  }
0x11c: {  	[timem:s3], [sflag:s2] =	dma.local @!p0 [hbm:s0], s1  }
0x11d: {  	s0 =	simm.s32 @!p0 $0x6  }
0x11e: {  	_ =	swait.ge @!p0 [sflag:s0], s1  }
0x11f: {  	s1 =	ssub.s32 @!p0 $0x0, s1;
	[sflag:s0] =	ssyncset.done @!p0 $0x0  }
0x120: {  	[sflag:s0] =	ssyncadd.s32 @!p0 s1  }
0x121: {  	[bflag:$0x3] =	sbarrier.arrive $0xFFFF  }
0x122: {  	_ =	shalt  }

// kernel: kernel.8.cloned.1.call-start
scs
__scs_entry_jumppad:
0x0: {  	(pc) =	sbr.rel $0x88, $3  }
0x1: {  	(tag) =	ssettag $0x0;
	lr =	simm.s32 $0x1  }
0x2: {  	[smem:$0x3F99] =	sst lr;
	_ =	strace $0xD0000000  }
0x3: {  	_ = 	snop  }
0x4: {  	_ = 	snop  }
0x5: {  	_ = 	snop  }
0x6: {  	_ = 	snop  }
0x7: {  	_ = 	snop  }
__scs_overlays_trampoline_lowered:
0x8: {  	[smem:$0x3FA8] =	sst s0  }
0x9: {  	[smem:$0x3FA9] =	sst s1  }
0xa: {  	[smem:$0x3FAA] =	sst s2  }
0xb: {  	[smem:$0x3FAB] =	sst s3  }
0xc: {  	[smem:$0x3FAC] =	sst s4  }
0xd: {  	[smem:$0x3FAD] =	sst s5  }
0xe: {  	[smem:$0x3FAE] =	sst s6  }
0xf: {  	[smem:$0x3FAF] =	sst s7  }
0x10: {  	[smem:$0x3FB0] =	sst s8  }
0x11: {  	[smem:$0x3FB1] =	sst s9;
	s0 =	simm.s32 @!p0 $0x0  }
0x12: {  	s1 =	sld [smem:$0x3F97];
	s0 =	simm.s32 @p0 $0x1  }
0x13: {  	[smem:$0x3FB2] =	sst s0;
	s0 =	simm.s32 @!p1 $0x0  }
0x14: {  	s2 =	sld [smem:$0x3F96];
	s0 =	simm.s32 @p1 $0x1  }
0x15: {  	[smem:$0x3FB3] =	sst s0;
	s0 =	simm.s32 @!p2 $0x0  }
0x16: {  	s3 =	sld [smem:$0x3FDB];
	s0 =	simm.s32 @p2 $0x1  }
0x17: {  	s4 =	simm.s32 $0x1BF5;
	[smem:$0x3FB5] =	sst s0  }
0x18: {  	s0 =	sld [smem:$0x3F98];
	_ =	swait.ge [sflag:s4], $0x0  }
0x19: {  	s7 =	sld [smem:$0x3F99]  }
0x1a: {  	s8 =	sadd.s32 $0xFFFFE003, lr  }
0x1b: {  	s9 =	sadd.s32 $0xFFFFFEF7, lr;
	s5 =	simm.s32 $0xFFFFFFFF;
	p2 =	slt.u32 s8, $0xFFFFF086  }
0x1c: {  	p1 =	slt.u32 s9, $0xF7A;
	s5 =	simm.s32 @!p2 $0x0  }
0x1d: {  	s5 =	simm.s32 @p1 $0x1;
	p0 =	seq.s32 s7, s2  }
0x1e: {  	s7 =	smul.u32 @!p0 $0xF7A, s2;
	p2 =	seq.s32 @!p0 s5, $0x0  }
0x1f: {  	s9 =	smul.u32 $0xF7A, s1;
	s8 =	simm.s32 @!p0 $0x1BF5;
	p2 =	por !p2, p0  }
0x20: {  	[sflag:s8] =	ssyncset.s32 @!p0 $0xFFFFF086;
	s6 =	sadd.s32 @!p0 s3, s7;
	s7 =	simm.s32 @!p0 $0x108  }
0x21: {  	s3 =	sadd.s32 s3, s9;
	s6 =	sadd.s32 @!p0 $0x88, s6;
	s7 =	simm.s32 @p2 $0x1082  }
0x22: {  	[simem:s7], [sflag:s8] =	dma.local @!p0 [hbm:s6], $0xF7A  }
0x23: {  	s9 =	sor.u32 $0xD0000000, s2;
	s6 =	simm.s32 $0x108;
	_ =	swait.ge @!p0 [sflag:s8], $0x0  }
0x24: {  	s3 =	sadd.s32 $0x88, s3;
	s6 =	simm.s32 @!p1 $0x1082;
	[sflag:s4] =	ssyncset.s32 $0xFFFFF086  }
0x25: {  	[simem:s6], [sflag:s4] =	dma.local [hbm:s3], $0xF7A  }
0x26: {  	[smem:$0x3F99] =	sst s1;
	(tag) =	ssettag s2;
	_ =	strace s9  }
0x27: {  	s1 =	sld [smem:$0x3FA9]  }
0x28: {  	s2 =	sld [smem:$0x3FAA]  }
0x29: {  	s4 =	sld [smem:$0x3FAC]  }
0x2a: {  	p0 =	seq.s32 s5, $0x0;
	s5 =	sld [smem:$0x3FAD]  }
0x2b: {  	s6 =	sld [smem:$0x3FAE]  }
0x2c: {  	s7 =	sld [smem:$0x3FAF]  }
0x2d: {  	s3 =	simm.s32 $0x108;
	s8 =	sld [smem:$0x3FB0]  }
0x2e: {  	s3 =	simm.s32 @!p0 $0x1082;
	s9 =	sld [smem:$0x3FB1]  }
0x2f: {  	lr =	sadd.s32 s0, s3;
	s0 =	sld [smem:$0x3FA8]  }
0x30: {  	s3 =	sld [smem:$0x3FAB]  }
0x31: {  	[smem:$0x3FB4] =	sst s10  }
0x32: {  	s10 =	sld [smem:$0x3FB2];
	_ =	sdelay $0x3  }
0x33: {  	p0 =	seq.s32 s10, $0x1;
	s10 =	sld [smem:$0x3FB4];
	_ =	sdelay $0x3  }
0x34: {  	[smem:$0x3FB4] =	sst s10  }
0x35: {  	s10 =	sld [smem:$0x3FB3];
	_ =	sdelay $0x3  }
0x36: {  	p1 =	seq.s32 s10, $0x1;
	s10 =	sld [smem:$0x3FB4];
	_ =	sdelay $0x3  }
0x37: {  	[smem:$0x3FB4] =	sst s10  }
0x38: {  	s10 =	sld [smem:$0x3FB5]  }
0x39: {  	_ = 	snop;
	(pc) =	sbr.ind lr, $3  }
0x3a: {  	_ = 	snop  }
0x3b: {  	_ = 	snop  }
0x3c: {  	p2 =	seq.s32 s10, $0x1;
	s10 =	sld [smem:$0x3FB4]  }
0x3d: {  	_ =	shalt  }
0x3e: {  	_ =	shalt  }
0x3f: {  	_ =	shalt  }
0x40: {  	_ =	shalt  }
0x41: {  	_ =	shalt  }
0x42: {  	_ =	shalt  }
0x43: {  	_ =	shalt  }
0x44: {  	_ =	shalt  }
0x45: {  	_ =	shalt  }
0x46: {  	_ =	shalt  }
0x47: {  	_ =	shalt  }
0x48: {  	_ =	shalt  }
0x49: {  	_ =	shalt  }
0x4a: {  	_ =	shalt  }
0x4b: {  	_ =	shalt  }
0x4c: {  	_ =	shalt  }
0x4d: {  	_ =	shalt  }
0x4e: {  	_ =	shalt  }
0x4f: {  	_ =	shalt  }
0x50: {  	_ =	shalt  }
0x51: {  	_ =	shalt  }
0x52: {  	_ =	shalt  }
0x53: {  	_ =	shalt  }
0x54: {  	_ =	shalt  }
0x55: {  	_ =	shalt  }
0x56: {  	_ =	shalt  }
0x57: {  	_ =	shalt  }
0x58: {  	_ =	shalt  }
0x59: {  	_ =	shalt  }
0x5a: {  	_ =	shalt  }
0x5b: {  	_ =	shalt  }
0x5c: {  	_ =	shalt  }
0x5d: {  	_ =	shalt  }
0x5e: {  	_ =	shalt  }
0x5f: {  	_ =	shalt  }
0x60: {  	_ =	shalt  }
0x61: {  	_ =	shalt  }
0x62: {  	_ =	shalt  }
0x63: {  	_ =	shalt  }
0x64: {  	_ =	shalt  }
0x65: {  	_ =	shalt  }
0x66: {  	_ =	shalt  }
0x67: {  	_ =	shalt  }
0x68: {  	_ =	shalt  }
0x69: {  	_ =	shalt  }
0x6a: {  	_ =	shalt  }
0x6b: {  	_ =	shalt  }
0x6c: {  	_ =	shalt  }
0x6d: {  	_ =	shalt  }
0x6e: {  	_ =	shalt  }
0x6f: {  	_ =	shalt  }
0x70: {  	_ =	shalt  }
0x71: {  	_ =	shalt  }
0x72: {  	_ =	shalt  }
0x73: {  	_ =	shalt  }
0x74: {  	_ =	shalt  }
0x75: {  	_ =	shalt  }
0x76: {  	_ =	shalt  }
0x77: {  	_ =	shalt  }
0x78: {  	_ =	shalt  }
0x79: {  	_ =	shalt  }
0x7a: {  	_ =	shalt  }
0x7b: {  	_ =	shalt  }
0x7c: {  	_ =	shalt  }
0x7d: {  	_ =	shalt  }
0x7e: {  	_ =	shalt  }
0x7f: {  	_ =	shalt  }
0x80: {  	_ =	shalt  }
0x81: {  	_ =	shalt  }
0x82: {  	_ =	shalt  }
0x83: {  	_ =	shalt  }
0x84: {  	_ =	shalt  }
0x85: {  	_ =	shalt  }
0x86: {  	_ =	shalt  }
0x87: {  	_ =	shalt  }
.Lfunc_end0:
.L_simem_size_0:
called_computation_lowered:
.L_overlay_start_0:
0x88: {  	s2 =	sld [smem:$0x3FD9]  }
0x89: {  	s3 =	sld [smem:$0x3FFE];
	_ =	sdelay $0x1  }
0x8a: {  	s1 =	srdreg.scid  }
0x8b: {  	s0 =	sand.u32 $0x1, s1  }
0x8c: {  	s16 =	sshll.u32 s0, $0xA;
	s2 =	sadd.s32 s3, s2  }
0x8d: {  	s2 =	sadd.s32 s2, s16  }
0x8e: {  	[smem:$0x3FC0] =	sst s2  }
0x8f: {  	_ = 	snop  }
0x90: {  	(tm) =	ssettm $0x1  }
0x91: {  	s17 =	sld [smem:$0x3FFB];
	_ =	sdelay $0x3  }
0x92: {  	_ =	strace s17  }
0x93: {  	s2 =	sld [smem:$0x3FFC];
	_ =	sdelay $0x3  }
0x94: {  	_ =	strace s2  }
0x95: {  	s2 =	sld [smem:$0x3FFD];
	_ =	sdelay $0x3  }
0x96: {  	_ =	strace s2  }
0x97: {  	_ =	strace $0x8FFFFFFF  }
0x98: {  	s18 =	sld [smem:$0x3FDB];
	_ =	sdelay $0x1  }
0x99: {  	s19 =	simm.s32 $_scs_section_size  }
0x9a: {  	s4 =	simm.s32 $_size__tile_overlayer_lowered;
	s5 =	simm.s32 $_tile_overlayer_lowered  }
0x9b: {  	s22 =	simm.s32 $0x1BFF;
	s21 =	sshll.u32 s5, $0x1;
	s2 =	sadd.s32 s19, s18  }
0x9c: {  	s6 =	simm.s32 $0x0;
	s20 =	sshll.u32 s4, $0x1;
	s4 =	sadd.s32 s21, s2  }
0x9d: {  	[timem:s6], [sflag:s22] =	dma.local [hbm:s4], s20  }
0x9e: {  	_ =	swait.ge [sflag:s22], s20  }
0x9f: {  	s3 =	ssub.s32 $0x0, s20;
	[sflag:s22] =	ssyncset.done $0x0  }
0xa0: {  	[sflag:s22] =	ssyncadd.s32 s3;
	_ =	sdelay $0x1  }
0xa1: {  	s23 =	simm.s32 $0x1B8B  }
0xa2: {  	_ =	swait.ge [sflag:s23], $0x1  }
0xa3: {  	[sflag:s23] =	ssyncset.done $0x0  }
0xa4: {  	s25 =	simm.s32 $0x1B8E;
	s24 =	sld [smem:$0x3FFE];
	[sflag:s23] =	ssyncadd.s32 $0xFFFFFFFF  }
0xa5: {  	s26 =	simm.s32 $execute0_lowered;
	[smem:$0x3FD2] =	sst s25  }
0xa6: {  	s4 =	sshll.u32 s26, $0x1;
	_ =	strace $0x80000046;
	[dreg:$0x1] =	wrdreg $0xFFFFFFFF  }
0xa7: {  	s28 =	simm.s32 $_size_execute0_lowered;
	s2 =	sadd.s32 s2, s4;
	[dreg:$0x0] =	wrdreg $0x0  }
0xa8: {  	s4 =	sshll.u32 s28, $0x1;
	[dreg:$0x2] =	wrdreg s2  }
0xa9: {  	[dreg:$0x3] =	wrdreg s4  }
0xaa: {  	[dreg:$0x4] =	wrdreg $0xC0  }
0xab: {  	_ =	task [dreg:s6], $0x5FFFF  }
0xac: {  	[dreg:$0x1] =	wrdreg $0xFFFFFFFF  }
0xad: {  	[dreg:$0x0] =	wrdreg $0x60  }
0xae: {  	[dreg:$0x2] =	wrdreg s24  }
0xaf: {  	[dreg:$0x3] =	wrdreg $0x78000  }
0xb0: {  	[dreg:$0x4] =	wrdreg $0x9  }
0xb1: {  	_ =	task.clear_ibuf [dreg:s6], $0x5FFFF;
	_ =	strace $0x90000046  }
0xb2: {  	s29 =	simm.s32 $0x9;
	_ =	strace $0x80000048  }
0xb3: {  	_ =	swait.ge [sflag:s29], $0x1  }
0xb4: {  	[sflag:s29] =	ssyncadd.s32 $0xFFFFFFFF  }
0xb5: {  	_ =	strace $0x90000048  }
0xb6: {  	_ =	sfence  }
0xb7: {  	s30 =	sld [smem:$0x0];
	_ =	sdelay $0x2  }
0xb8: {  	s31 =	sshll.u32 s1, $0xD;
	s1 =	sshrl.u32 s1, $0x2  }
0xb9: {  	s3 =	sand.u32 $0x4000, s31;
	s1 =	sadd.s32 s1, s30  }
0xba: {  	s0 =	sor.u32 s3, s0;
	s1 =	sshll.u32 s1, $0x11  }
0xbb: {  	s0 =	sor.u32 s1, s0  }
0xbc: {  	s0 =	sadd.s32 $0x8F2B, s0  }
0xbd: {  	[sflag:s0] =	ssyncadd.remote.s32 $0x1  }
0xbe: {  	_ =	sfence.sel $0xFFFF  }
0xbf: {  	[dreg:$0x0] =	wrdreg $0xFFFFFFFF;
	(pc) =	sbr.abs _section_cstart, $3  }
0xc0: {  	[dreg:$0x1] =	wrdreg $0xFFFFFFFF  }
0xc1: {  	_ =	task.clear_ibuf [dreg:s6], $0x2FFFF;
	_ =	strace $0x9FFFFFFF  }
0xc2: {  	(tm) =	ssettm $0x7FFFFFFF  }
0xc3: {  	_ =	shalt  }
tec
execute0_lowered:
.L_overlay_start_1:
0x0: {  	(tag) =	ssettag $0x1  }
0x1: {  	s5 =	rddreg [dreg:$0x0]  }
0x2: {  	s0 =	srdreg.scid;
	s6 =	rddreg [dreg:$0x1];
	s2 =	simm.s32 $0x0  }
0x3: {  	s12 =	simm.s32 $0x400;
	s13 =	simm.s32 $0x1400;
	s14 =	simm.s32 $0x14000  }
0x4: {  	s15 =	simm.s32 $0x5000;
	s4 =	sand.u32 $0x1, s0;
	s0 =	stileid.u32  }
0x5: {  	s16 =	simm.s32 $0x0;
	[smem:$0x7FF] =	sst s2;
	s7 =	smul.u32 $0x280, s0  }
0x6: {  	s1 =	sshll.u32 s4, $0x4;
	s8 =	smul.u32 $0x2800, s4;
	s4 =	ssub.s32 $0x2, s4  }
0x7: {  	s29 =	sshrl.u32 s0, $0x3;
	s30 =	smul.u32 $0x5000, s0;
	s1 =	sor.u32 s0, s1  }
0x8: {  	s31 =	sshll.u32 s0, $0x7;
	s10 =	sshrl.u32 s4, $0x1;
	s3 =	smul.u32 $0x500, s1  }
0x9: {  	s1 =	rddreg [dreg:$0x2];
	_ =	strace $0x80000047;
	s7 =	sadd.s32 s7, s8  }
0xa: {  	s8 =	smul.u32 $0x50000, s29;
	s10 =	ssub.s32 s4, s10;
	s11 =	sshrl.u32 s30, $0x2  }
0xb: {  	s7 =	sshrl.u32 s7, $0x3;
	s9 =	sadd.s32 s3, s5;
	s3 =	sadd.s32 $0x16200, s5  }
0xc: {  	s7 =	sadd.s32 s7, s5;
	s8 =	sshrl.u32 s8, $0x2;
	s4 =	sadd.s32 $0xC200, s9  }
0xd: {  	s9 =	sand.u32 $0x380, s31;
	s8 =	sadd.s32 s8, s6;
	s6 =	sadd.s32 s11, s6  }
0xe: {  	s7 =	sadd.s32 $0x16800, s7;
	s11 =	simm.s32 $0x80;
	s5 =	sadd.s32 s9, s8  }
0xf: {  	v0 =	vimm.f32 $1.000000000e+00;
	s8 =	smax.u32 s10, $0x1;
	s9 =	simm.s32 $0x2800;
	s10 =	simm.s32 $0x1  }
.LBB2_1:
0x10: {  	[tilespmem:s9], [sflag:$0x1] =	stream.linear.gather [hbm4b:s3+s2], $0x2800, $0x38;
	[tilespmem:$0xA000] =	vst v63  }
0x11: {  	_ =	swait.ge [sflag:s10], $0x2800  }
0x12: {  	[sflag:s10] =	ssyncset.done $0x0  }
0x13: {  	[sflag:s10] =	ssyncadd.s32 $0xFFFFD800  }
0x14: {  	[tilespmem:s2], [sflag:$0x1] =	stream.linear.gather [hbm4b:s4+s2], $0x2800, $0x38;
	[tilespmem:$0xA000] =	vst v63  }
0x15: {  	_ =	swait.ge [sflag:s10], $0x2800  }
0x16: {  	[sflag:s10] =	ssyncset.done $0x0  }
0x17: {  	s17 =	simm.s32 $0x1C0;
	[sflag:s10] =	ssyncadd.s32 $0xFFFFD800  }
.LBB2_2:
0x18: {  	s18 =	sshra.s32 s17, $0x2  }
0x19: {  	v1 =	vld [tilespmem:s18+$0xFFFFFF90];
	_ =	sdelay $0x7  }
0x1a: {  	[tilespmem:v1+s9+$0x0] =	vst.idx.add.f32.msk $0xffff, v0  }
0x1b: {  	v1 =	vld [tilespmem:s18+$0xFFFFFFA0];
	_ =	sdelay $0x7  }
0x1c: {  	[tilespmem:v1+s9+$0x0] =	vst.idx.add.f32.msk $0xffff, v0  }
0x1d: {  	v1 =	vld [tilespmem:s18+$0xFFFFFFB0];
	_ =	sdelay $0x7  }
0x1e: {  	[tilespmem:v1+s9+$0x0] =	vst.idx.add.f32.msk $0xffff, v0  }
0x1f: {  	v1 =	vld [tilespmem:s18+$0xFFFFFFC0];
	_ =	sdelay $0x7  }
0x20: {  	[tilespmem:v1+s9+$0x0] =	vst.idx.add.f32.msk $0xffff, v0  }
0x21: {  	v1 =	vld [tilespmem:s18+$0xFFFFFFD0];
	_ =	sdelay $0x7  }
0x22: {  	[tilespmem:v1+s9+$0x0] =	vst.idx.add.f32.msk $0xffff, v0  }
0x23: {  	v1 =	vld [tilespmem:s18+$0xFFFFFFE0];
	_ =	sdelay $0x7  }
0x24: {  	[tilespmem:v1+s9+$0x0] =	vst.idx.add.f32.msk $0xffff, v0  }
0x25: {  	v1 =	vld [tilespmem:s18+$0xFFFFFFF0];
	_ =	sdelay $0x7  }
0x26: {  	[tilespmem:v1+s9+$0x0] =	vst.idx.add.f32.msk $0xffff, v0  }
0x27: {  	v1 =	vld [tilespmem:s18+$0x0];
	_ =	sdelay $0x2  }
0x28: {  	p0 =	sne.s32 s17, $0x9FC0  }
.Ltmp0:
0x29: {  	_ = 	snop;
	(pc) =	sbr.rel @p0 .LBB2_2-.Ltmp0, $2  }
0x2a: {  	_ =	sdelay $0x2  }
0x2b: {  	s17 =	sadd.s32 $0x200, s17;
	[tilespmem:v1+s9+$0x0] =	vst.idx.add.f32.msk $0xffff, v0  }
0x2c: {  	s17 =	simm.s32 $0x2800  }
0x2d: {  	[spmem:s5] =	stream.strided.scatter [tilespmem:s17], [sflag:$0x1], $0x2800, s12, s11, $0x38;
	[tilespmem:$0xA000] =	vst v63  }
0x2e: {  	_ =	swait.ge [sflag:s10], $0x2800  }
0x2f: {  	[sflag:s10] =	ssyncset.done $0x0  }
0x30: {  	[sflag:s10] =	ssyncadd.s32 $0xFFFFD800  }
0x31: {  	[bflag:$0x0] =	sbarrier.arrive $0xFFFF  }
0x32: {  	[tilespmem:s15], [sflag:$0x1] =	stream.strided.gather [spmem:s6], $0x2800, s14, s13, $0x38;
	[tilespmem:$0xA000] =	vst v63  }
0x33: {  	s18 =	simm.s32 $0x0;
	_ =	swait.ge [sflag:s10], $0x2800  }
0x34: {  	s19 =	sand.u32 $0x70, s18;
	s18 =	sand.u32 $0x1C00, s18;
	[sflag:s10] =	ssyncset.done $0x0  }
0x35: {  	s18 =	sor.u32 s19, s18;
	[sflag:s10] =	ssyncadd.s32 $0xFFFFD800  }
0x36: {  	v1 =	vld [tilespmem:s18+$0x5080]  }
0x37: {  	v2 =	vld [tilespmem:s18+$0x5000];
	_ =	sdelay $0x1  }
0x38: {  	v3 =	vld [tilespmem:s18+$0x5100];
	_ =	sdelay $0x1  }
0x39: {  	v4 =	vld [tilespmem:s18+$0x5180]  }
0x3a: {  	v1 =	vadd.f32 v1, v2  }
0x3b: {  	v2 =	vld [tilespmem:s18+$0x5200]  }
0x3c: {  	v1 =	vadd.f32 v3, v1  }
0x3d: {  	v3 =	vld [tilespmem:s18+$0x5280]  }
0x3e: {  	v1 =	vadd.f32 v4, v1  }
0x3f: {  	v60 =	vld [tilespmem:s18+$0x5300]  }
0x40: {  	v1 =	vadd.f32 v2, v1  }
0x41: {  	v2 =	vld [tilespmem:s18+$0x5380]  }
0x42: {  	v1 =	vadd.f32 v3, v1  }
0x43: {  	v3 =	vld [tilespmem:s18+$0x6400]  }
0x44: {  	v1 =	vadd.f32 v60, v1  }
0x45: {  	v61 =	vld [tilespmem:s18+$0x6480]  }
0x46: {  	v1 =	vadd.f32 v2, v1  }
0x47: {  	v2 =	vld [tilespmem:s18+$0x6500]  }
0x48: {  	v1 =	vadd.f32 v3, v1  }
0x49: {  	v3 =	vld [tilespmem:s18+$0x6580]  }
0x4a: {  	v1 =	vadd.f32 v61, v1  }
0x4b: {  	v62 =	vld [tilespmem:s18+$0x6600]  }
0x4c: {  	v1 =	vadd.f32 v2, v1  }
0x4d: {  	v2 =	vld [tilespmem:s18+$0x6680]  }
0x4e: {  	v1 =	vadd.f32 v3, v1  }
0x4f: {  	v3 =	vld [tilespmem:s18+$0x6700]  }
0x50: {  	v1 =	vadd.f32 v62, v1  }
0x51: {  	v63 =	vld [tilespmem:s18+$0x6780]  }
0x52: {  	v1 =	vadd.f32 v2, v1;
	_ =	sdelay $0x1  }
0x53: {  	v1 =	vadd.f32 v3, v1;
	_ =	sdelay $0x1  }
0x54: {  	s31 =	simm.s32 $0x10;
	s19 =	simm.s32 $0x80;
	v1 =	vadd.f32 v63, v1  }
0x55: {  	s20 =	sand.u32 $0x1C00, s19;
	s18 =	sand.u32 $0x70, s31  }
0x56: {  	s18 =	sor.u32 s18, s20;
	s20 =	simm.s32 $0x20;
	[tilespmem:s17+$0x0] =	vst v1  }
.LBB2_4:
0x57: {  	p0 =	sne.s32 s20, $0x270;
	v1 =	vld [tilespmem:s18+$0x5080]  }
0x58: {  	v2 =	vld [tilespmem:s18+$0x5000];
	_ =	sdelay $0x1  }
0x59: {  	v3 =	vld [tilespmem:s18+$0x5100];
	_ =	sdelay $0x1  }
0x5a: {  	v4 =	vld [tilespmem:s18+$0x5180]  }
0x5b: {  	v1 =	vadd.f32 v1, v2  }
0x5c: {  	v2 =	vld [tilespmem:s18+$0x5200]  }
0x5d: {  	v1 =	vadd.f32 v3, v1  }
0x5e: {  	v3 =	vld [tilespmem:s18+$0x5280]  }
0x5f: {  	v1 =	vadd.f32 v4, v1  }
0x60: {  	v4 =	vld [tilespmem:s18+$0x5300]  }
0x61: {  	v1 =	vadd.f32 v2, v1  }
0x62: {  	v2 =	vld [tilespmem:s18+$0x5380]  }
0x63: {  	v1 =	vadd.f32 v3, v1  }
0x64: {  	v3 =	vld [tilespmem:s18+$0x6400]  }
0x65: {  	v1 =	vadd.f32 v4, v1  }
0x66: {  	v4 =	vld [tilespmem:s18+$0x6480]  }
0x67: {  	v1 =	vadd.f32 v2, v1  }
0x68: {  	v2 =	vld [tilespmem:s18+$0x6500]  }
0x69: {  	v1 =	vadd.f32 v3, v1  }
0x6a: {  	v3 =	vld [tilespmem:s18+$0x6580]  }
0x6b: {  	v1 =	vadd.f32 v4, v1  }
0x6c: {  	v4 =	vld [tilespmem:s18+$0x6600]  }
0x6d: {  	v1 =	vadd.f32 v2, v1  }
0x6e: {  	v2 =	vld [tilespmem:s18+$0x6680]  }
0x6f: {  	v1 =	vadd.f32 v3, v1  }
0x70: {  	v3 =	vld [tilespmem:s18+$0x6700]  }
0x71: {  	v1 =	vadd.f32 v4, v1  }
0x72: {  	v4 =	vld [tilespmem:s18+$0x6780]  }
0x73: {  	v1 =	vadd.f32 v2, v1;
	_ =	sdelay $0x1  }
.Ltmp1:
0x74: {  	v1 =	vadd.f32 v3, v1;
	(pc) =	sbr.rel @p0 .LBB2_4-.Ltmp1, $4  }
0x75: {  	_ = 	snop  }
0x76: {  	s19 =	sadd.s32 $0x80, s19;
	v1 =	vadd.f32 v4, v1  }
0x77: {  	s17 =	sadd.s32 $0x10, s17;
	s21 =	sand.u32 $0x1C00, s19;
	s18 =	sand.u32 $0x70, s20  }
0x78: {  	s20 =	sadd.s32 $0x10, s20;
	s18 =	sor.u32 s18, s21;
	[tilespmem:s17+$0x0] =	vst v1  }
0x79: {  	v1 =	vld [tilespmem:s18+$0x5080]  }
0x7a: {  	v2 =	vld [tilespmem:s18+$0x5000];
	_ =	sdelay $0x1  }
0x7b: {  	v3 =	vld [tilespmem:s18+$0x5100];
	_ =	sdelay $0x1  }
0x7c: {  	v4 =	vld [tilespmem:s18+$0x5180]  }
0x7d: {  	v1 =	vadd.f32 v1, v2  }
0x7e: {  	v2 =	vld [tilespmem:s18+$0x5200]  }
0x7f: {  	v1 =	vadd.f32 v3, v1  }
0x80: {  	v3 =	vld [tilespmem:s18+$0x5280]  }
0x81: {  	v1 =	vadd.f32 v4, v1  }
0x82: {  	v60 =	vld [tilespmem:s18+$0x5300]  }
0x83: {  	v1 =	vadd.f32 v2, v1  }
0x84: {  	v2 =	vld [tilespmem:s18+$0x5380]  }
0x85: {  	v1 =	vadd.f32 v3, v1  }
0x86: {  	v3 =	vld [tilespmem:s18+$0x6400]  }
0x87: {  	v1 =	vadd.f32 v60, v1  }
0x88: {  	v61 =	vld [tilespmem:s18+$0x6480]  }
0x89: {  	v1 =	vadd.f32 v2, v1  }
0x8a: {  	v2 =	vld [tilespmem:s18+$0x6500]  }
0x8b: {  	v1 =	vadd.f32 v3, v1  }
0x8c: {  	v3 =	vld [tilespmem:s18+$0x6580]  }
0x8d: {  	v1 =	vadd.f32 v61, v1  }
0x8e: {  	v62 =	vld [tilespmem:s18+$0x6600]  }
0x8f: {  	v1 =	vadd.f32 v2, v1  }
0x90: {  	v2 =	vld [tilespmem:s18+$0x6680]  }
0x91: {  	v1 =	vadd.f32 v3, v1  }
0x92: {  	v3 =	vld [tilespmem:s18+$0x6700]  }
0x93: {  	v1 =	vadd.f32 v62, v1  }
0x94: {  	v63 =	vld [tilespmem:s18+$0x6780]  }
0x95: {  	v1 =	vadd.f32 v2, v1;
	_ =	sdelay $0x1  }
0x96: {  	v1 =	vadd.f32 v3, v1;
	_ =	sdelay $0x1  }
0x97: {  	s16 =	sadd.s32 $0x1, s16;
	v1 =	vadd.f32 v63, v1  }
0x98: {  	s17 =	sadd.s32 $0x10, s17;
	p0 =	sne.s32 s16, s8  }
.Ltmp2:
0x99: {  	[tilespmem:s17+$0x0] =	vst v1;
	(pc) =	sbr.rel @p0 .LBB2_1-.Ltmp2, $4  }
0x9a: {  	[hbm4b:s7+s2] =	stream.linear.scatter [tilespmem:s9], [sflag:$0x1], $0x280, $0x38;
	[tilespmem:$0xA000] =	vst v63  }
0x9b: {  	_ =	swait.ge [sflag:s10], $0x280  }
0x9c: {  	[sflag:s10] =	ssyncset.done $0x0  }
0x9d: {  	[sflag:s10] =	ssyncadd.s32 $0xFFFFFD80  }
0x9e: {  	_ =	sfence.sel $0x180000  }
0x9f: {  	[bflag:$0x0] =	sbarrier.arrive $0xFFFF  }
0xa0: {  	p0 =	sne.s32 s0, $0x0;
	_ =	strace $0x90000047  }
0xa1: {  	s0 =	sadd.s32 @!p0 $0x100000, s1;
	[bflag:$0x2] =	sbarrier.arrive $0xFFFF  }
0xa2: {  	[sflag:s0] =	ssyncadd.tile.s32 @!p0 $0x1;
	_ =	shalt  }
.Lfunc_end2:
_tile_overlayer_lowered:
.L_overlay_start_2:
0xa3: {  	(tag) =	ssettag $0x2  }
0xa4: {  	s0 =	rddreg [dreg:$0x0];
	s2 =	stileid.u32  }
0xa5: {  	s1 =	rddreg [dreg:$0x1];
	p0 =	sne.s32 s2, $0x0  }
0xa6: {  	s3 =	rddreg [dreg:$0x2];
	[bflag:$0x3] =	sbarrier.arrive $0xFFFF;
	s2 =	simm.s32 @!p0 $0x1C01  }
0xa7: {  	[timem:s3], [sflag:s2] =	dma.local @!p0 [hbm:s0], s1  }
0xa8: {  	s0 =	simm.s32 @!p0 $0x1  }
0xa9: {  	_ =	swait.ge @!p0 [sflag:s0], s1  }
0xaa: {  	s1 =	ssub.s32 @!p0 $0x0, s1;
	[sflag:s0] =	ssyncset.done @!p0 $0x0  }
0xab: {  	[sflag:s0] =	ssyncadd.s32 @!p0 s1  }
0xac: {  	[bflag:$0x3] =	sbarrier.arrive $0xFFFF  }
0xad: {  	_ =	shalt  }

</sc_bundles>
